<compile_context>
chip_gen: v7x
topology: tpu7x:2x2x1
jax: 0.10.2.dev20260603
libtpu: 0.0.44.dev20260713+nightly
codegen_flags: <defaults>
</compile_context>

<pallas_src>
import functools

import jax
import jax.numpy as jnp
from jax import lax
from jax.experimental import pallas as pl
from jax.experimental.pallas import tpu as pltpu
from jax.experimental.pallas import tpu_sc as plsc

_NA = 60
_K = 8
_INPUT_RADIUS = 0.4
_SIGMA = 0.5 * _INPUT_RADIUS ** 2
_N = 1024
_B = 2
_P = _B * _N
_E = _P * _K
_NW = 32
_EPW = _E // _NW
_BIG = 1e30


def _leaky(v):
    return jnp.where(v >= 0, v, 0.01 * v)


def _knn_kernel(x_ref, xt_ref, w0_ref, b0_ref, ft1_ref, idx_ref, wn_ref):
    b = pl.program_id(0)
    x = x_ref[0]
    xt = xt_ref[0]

    d2 = None
    for c in range(3):
        diff = x[:, c:c + 1] - xt[c:c + 1, :]
        sq = diff * diff
        d2 = sq if d2 is None else d2 + sq

    lane = jax.lax.broadcasted_iota(jnp.int32, (_N, _N), 1)
    row = jax.lax.broadcasted_iota(jnp.int32, (_N, _N), 0)
    d2m = jnp.where(lane == row, _BIG, d2)
    idxs = []
    dists = []
    for _ in range(_K):
        m = jnp.min(d2m, axis=1, keepdims=True)
        ik = jnp.min(jnp.where(d2m == m, lane, _N), axis=1, keepdims=True)
        d2m = jnp.where(lane == ik, _BIG, d2m)
        idxs.append(ik)
        dists.append(m)

    ws = [jnp.exp(-d / _SIGMA) for d in dists]
    s0 = functools.reduce(lambda a, bb: a + bb, ws)
    rden = 1.0 / (s0 + 1e-8)
    s = s0 * rden

    idx_ref[0] = jnp.concatenate(idxs, axis=1) + b * _N
    wn_ref[0] = jnp.concatenate(ws, axis=1) * rden
    ft1_ref[...] = _leaky(s * w0_ref[...] + b0_ref[...])


def _sc_gather_body(feat_hbm, idx_hbm, out_hbm, idx_v, rows_v, sem):
    wid = lax.axis_index("s") * 2 + lax.axis_index("c")
    pltpu.sync_copy(idx_hbm.at[wid], idx_v)
    copies = [
        pltpu.async_copy(feat_hbm.at[idx_v.at[j]],
                         rows_v.at[pl.ds(j * 128, 128)], sem)
        for j in range(4)
    ]
    for c in copies:
        c.wait()
    pltpu.sync_copy(rows_v, out_hbm.at[pl.ds(wid * _EPW, _EPW)])


def _make_sc_gather():
    return functools.partial(
        pl.kernel,
        out_type=jax.ShapeDtypeStruct((_E, 32), jnp.float32),
        mesh=plsc.VectorSubcoreMesh(core_axis_name="c", subcore_axis_name="s"),
        scratch_types=[
            pltpu.VMEM((4, 128), jnp.int32),
            pltpu.VMEM((_EPW, 32), jnp.float32),
            pltpu.SemaphoreType.DMA,
        ],
        compiler_params=pltpu.CompilerParams(use_tc_tiling_on_sc=False),
    )(_sc_gather_body)


def _conv_kernel(g_ref, wn_ref, w_ref, b_ref, out_ref):
    agg = None
    for k in range(_K):
        t = wn_ref[:, k:k + 1] * g_ref[:, k, :]
        agg = t if agg is None else agg + t
    out_ref[...] = _leaky(
        jnp.dot(agg, w_ref[...], preferred_element_type=jnp.float32)
        + b_ref[...])


def _out_kernel(feat_ref, w1_ref, b1_ref, w2_ref, b2_ref, aq_ref,
                fcw_ref, fcb_ref, tw_ref, tb_ref, out_ref):
    h = jnp.maximum(
        jnp.dot(feat_ref[...], w1_ref[...], preferred_element_type=jnp.float32)
        + b1_ref[...], 0.0)
    h = jnp.dot(h, w2_ref[...], preferred_element_type=jnp.float32) + b2_ref[...]

    aq = aq_ref[...]
    q = jnp.mean(aq, axis=0, keepdims=True)
    qn = q / (jnp.sqrt(jnp.sum(q * q)) + 1e-8)

    rows = []
    for b in range(_B):
        hb = h[b * _N:(b + 1) * _N]
        gfeat = jnp.max(hb, axis=0, keepdims=True)
        fc = jnp.maximum(
            jnp.dot(gfeat, fcw_ref[...], preferred_element_type=jnp.float32)
            + fcb_ref[...], 0.0)
        t_out = jnp.dot(fc, tw_ref[...], preferred_element_type=jnp.float32) \
            + tb_ref[...]
        rows.append(jnp.concatenate([qn, t_out, fc], axis=1))
    out_ref[...] = jnp.concatenate(rows, axis=0)


@jax.jit
def kernel(x, params):
    xt = jnp.swapaxes(x, 1, 2)
    convs = params["convs"]
    w0 = convs[0][0]
    b0 = convs[0][1].reshape(1, 32)

    fixed = lambda *zeros: (lambda i: zeros)
    ft1, idxg, wn = pl.pallas_call(
        _knn_kernel,
        out_shape=(
            jax.ShapeDtypeStruct((_P, 32), jnp.float32),
            jax.ShapeDtypeStruct((_B, _N, _K), jnp.int32),
            jax.ShapeDtypeStruct((_B, _N, _K), jnp.float32),
        ),
        grid=(_B,),
        in_specs=[
            pl.BlockSpec((1, _N, 3), lambda i: (i, 0, 0)),
            pl.BlockSpec((1, 3, _N), lambda i: (i, 0, 0)),
            pl.BlockSpec((1, 32), fixed(0, 0)),
            pl.BlockSpec((1, 32), fixed(0, 0)),
        ],
        out_specs=(
            pl.BlockSpec((_N, 32), lambda i: (i, 0)),
            pl.BlockSpec((1, _N, _K), lambda i: (i, 0, 0)),
            pl.BlockSpec((1, _N, _K), lambda i: (i, 0, 0)),
        ),
    )(x, xt, w0, b0)

    idx3 = idxg.reshape(_NW, 4, 128)
    wn2 = wn.reshape(_P, _K)

    sc_gather = _make_sc_gather()
    feat = ft1
    for l in range(1, 8):
        g = sc_gather(feat, idx3)
        feat = pl.pallas_call(
            _conv_kernel,
            out_shape=jax.ShapeDtypeStruct((_P, 32), jnp.float32),
        )(g.reshape(_P, _K, 32), wn2, convs[l][0], convs[l][1].reshape(1, 32))

    out = pl.pallas_call(
        _out_kernel,
        out_shape=jax.ShapeDtypeStruct((_B, 71), jnp.float32),
    )(feat,
      params["out_W1"], params["out_b1"].reshape(1, 128),
      params["out_W2"], params["out_b2"].reshape(1, 128),
      params["anchor_quats"],
      params["fc_W"], params["fc_b"].reshape(1, 64),
      params["t_W"], params["t_b"].reshape(1, 3))
    return out

# --- scband reference (transcript-rebuilt; emitter-appended) ---
"""Pipeline reference for scband-mocap-net-frame-pooled-54915451846720 (READ-ONLY COPY).

The authoritative reference and input builder live on the scoring server;
editing this copy changes nothing except your own understanding.
"""

import jax, jax.numpy as jnp
import numpy as np

NA = 60          # kanchor from build_model_graph (na=60)
K = 8            # neighbor count (reduced from 56 for CPU tractability; see notes)
INPUT_RADIUS = 0.4
SIGMA = 0.5 * INPUT_RADIUS ** 2   # sigma_ratio * radius^2
TEMPERATURE = 3.0


def _init_params(key):
    # conv dims follow build_model_graph: dim_in=1, blocks [[32,32]]*4 -> 8 separable graph convs
    dims = [(1, 32), (32, 32), (32, 32), (32, 32), (32, 32), (32, 32), (32, 32), (32, 32)]
    ks = jax.random.split(key, 16)
    convs = []
    for i, (ci, co) in enumerate(dims):
        W = jax.random.normal(ks[i], (ci, co), dtype=jnp.float32) * (1.0 / np.sqrt(ci))
        b = jnp.zeros((co,), dtype=jnp.float32)
        convs.append((W, b))
    params = {"convs": convs}
    params["out_W1"] = jax.random.normal(ks[8], (32, 128), dtype=jnp.float32) * (1.0 / np.sqrt(32))
    params["out_b1"] = jnp.zeros((128,), dtype=jnp.float32)
    params["out_W2"] = jax.random.normal(ks[9], (128, 128), dtype=jnp.float32) * (1.0 / np.sqrt(128))
    params["out_b2"] = jnp.zeros((128,), dtype=jnp.float32)
    params["attn_w"] = jax.random.normal(ks[10], (128,), dtype=jnp.float32) * 0.1
    q = jax.random.normal(ks[11], (NA, 4), dtype=jnp.float32)
    params["anchor_quats"] = q / jnp.linalg.norm(q, axis=-1, keepdims=True)  # stand-in for L.get_anchors(60)
    params["fc_W"] = jax.random.normal(ks[12], (128, 64), dtype=jnp.float32) * (1.0 / np.sqrt(128))
    params["fc_b"] = jnp.zeros((64,), dtype=jnp.float32)
    params["t_W"] = jax.random.normal(ks[13], (64, 3), dtype=jnp.float32) * (1.0 / np.sqrt(64))
    params["t_b"] = jnp.zeros((3,), dtype=jnp.float32)
    return params


def setup_inputs(seed: int = 0) -> dict:
    key = jax.random.key(seed)
    kx, kp = jax.random.split(key)
    x = jax.random.normal(kx, (2, 1024, 3), dtype=jnp.float32) * INPUT_RADIUS
    return {"x": x, "params": _init_params(kp)}


def _knn(x, k):
    # x: [B, N, 3] -> idx [B, N, K] (excluding self), d2 [B, N, K]
    d2 = jnp.sum((x[:, :, None, :] - x[:, None, :, :]) ** 2, axis=-1)  # [B, N, N]
    neg, idx = jax.lax.top_k(-d2, k + 1)
    return idx[..., 1:], -neg[..., 1:]


def _gather(feat, idx):
    # feat [B, N, C, A], idx [B, N, K] -> [B, N, K, C, A]
    return jax.vmap(lambda f, i: f[i])(feat, idx)


def _forward(x, params):
    B, N, _ = x.shape
    idx, d2 = _knn(x, K)
    w = jnp.exp(-d2 / SIGMA)
    w = w / (jnp.sum(w, axis=-1, keepdims=True) + 1e-8)  # [B, N, K]
    # preprocess_input: scalar occupancy feature lifted over NA anchors
    feat = jnp.ones((B, N, 1, NA), dtype=x.dtype)
    # backbone: 4 blocks x 2 separable graph convs (neighbor gather + gaussian-weighted agg + pointwise conv)
    for (W, b) in params["convs"]:
        g = _gather(feat, idx)                                  # [B, N, K, C, A] gather (memory-bound)
        agg = jnp.einsum("bnk,bnkca->bnca", w, g)              # weighted neighbor aggregation
        feat = jax.nn.leaky_relu(jnp.einsum("bnca,cd->bnda", agg, W) + b[None, None, :, None])
    # outblockRT: per-point-anchor MLP, anchor mean pool + anchor attention head
    h = jax.nn.relu(jnp.einsum("bnca,cd->bnda", feat, params["out_W1"]) + params["out_b1"][None, None, :, None])
    h = jnp.einsum("bnca,cd->bnda", h, params["out_W2"]) + params["out_b2"][None, None, :, None]  # [B,N,128,A]
    h_mean = jnp.mean(h, axis=-1)                               # mean pooling over anchors [B, N, 128]
    z = jnp.max(h, axis=1)                                      # per-anchor global feature [B, 128, A]
    logits = jnp.einsum("c,bca->ba", params["attn_w"], z) / TEMPERATURE
    attn = jax.nn.softmax(logits, axis=-1)                      # attention over 60 anchors
    quat = attn @ params["anchor_quats"]                        # [B, 4]
    quat = quat / (jnp.linalg.norm(quat, axis=-1, keepdims=True) + 1e-8)
    gfeat = jnp.max(h_mean, axis=1)                             # [B, 128]
    fc = jax.nn.relu(gfeat @ params["fc_W"] + params["fc_b"])   # [B, 64]
    T = fc @ params["t_W"] + params["t_b"]                      # [B, 3]
    return jnp.concatenate([quat, T, fc], axis=-1)              # [B, 71]


def reference(x, params):
    return _forward(x, params)

if __name__ == "__main__":
    import jax
    _d = setup_inputs()
    print(jax.jit(kernel)(*tuple(_d.values())))

</pallas_src>

<mosaic_0001>
#map = affine_map<(d0, d1) -> (0, 0)>
#map1 = affine_map<(d0, d1) -> (0, 0, 0)>
module attributes {stable_mosaic.version = 14 : i64} {
  func.func @_sc_gather_body(%arg0: i32, %arg1: i32, %arg2: memref<2048x32xf32, #tpu.memory_space<hbm>>, %arg3: memref<32x4x128xi32, #tpu.memory_space<hbm>>, %arg4: memref<16384x32xf32, #tpu.memory_space<hbm>>, %arg5: memref<4x128xi32, #tpu.memory_space<vmem>>, %arg6: memref<512x32xf32, #tpu.memory_space<vmem>>, %arg7: memref<!tpu.dma_semaphore, #tpu.memory_space<semaphore_mem>>) attributes {dimension_semantics = [#tpu.dimension_semantics<core_parallel>, #tpu.dimension_semantics<subcore_parallel>], iteration_bounds = array<i64: 2, 16>, scalar_prefetch = 0 : i64, scratch_operands = 3 : i64, tpu.core_type = #tpu.core_type<sc_vector_subcore>, window_params = [{transform_indices = #map}, {transform_indices = #map1}, {transform_indices = #map}]} {
    %mul3A = arith.constant 2 : i32
    %mul3A_0 = arith.muli %arg1, %mul3A : i32
    %add3A = arith.addi %mul3A_0, %arg0 : i32
    "tpu.region"() ({
      %run_scoped3A = tpu.sem_alloc : memref<!tpu.dma_semaphore, #tpu.memory_space<semaphore_mem>>
      %dma_start3A_81 = arith.constant 0 : i32
      %dma_start3A_82 = arith.constant 0 : i32
      %dma_start3A_83 = tpu.memref_slice %arg3[%add3A, %dma_start3A_81, %dma_start3A_82] : memref<32x4x128xi32, #tpu.memory_space<hbm>> -> memref<1x4x128xi32, #tpu.memory_space<hbm>>
      %dma_start3A_84 = tpu.memref_squeeze %dma_start3A_83 : memref<1x4x128xi32, #tpu.memory_space<hbm>> -> memref<4x128xi32, #tpu.memory_space<hbm>>
      %dma_start3A_85 = arith.constant 0 : i32
      %dma_start3A_86 = arith.constant 0 : i32
      %dma_start3A_87 = tpu.memref_slice %arg3[%add3A, %dma_start3A_85, %dma_start3A_86] : memref<32x4x128xi32, #tpu.memory_space<hbm>> -> memref<1x4x128xi32, #tpu.memory_space<hbm>>
      %dma_start3A_88 = tpu.memref_squeeze %dma_start3A_87 : memref<1x4x128xi32, #tpu.memory_space<hbm>> -> memref<4x128xi32, #tpu.memory_space<hbm>>
      tpu.enqueue_dma source(%dma_start3A_88 : memref<4x128xi32, #tpu.memory_space<hbm>>) target(%arg5 : memref<4x128xi32, #tpu.memory_space<vmem>>) target_semaphore(%run_scoped3A : memref<!tpu.dma_semaphore, #tpu.memory_space<semaphore_mem>>)
      %dma_wait3A_89 = arith.constant 0 : i32
      %dma_wait3A_90 = arith.constant 0 : i32
      %dma_wait3A_91 = tpu.memref_slice %arg3[%add3A, %dma_wait3A_89, %dma_wait3A_90] : memref<32x4x128xi32, #tpu.memory_space<hbm>> -> memref<1x4x128xi32, #tpu.memory_space<hbm>>
      %dma_wait3A_92 = tpu.memref_squeeze %dma_wait3A_91 : memref<1x4x128xi32, #tpu.memory_space<hbm>> -> memref<4x128xi32, #tpu.memory_space<hbm>>
      %dma_wait3A_93 = arith.constant 0 : i32
      %dma_wait3A_94 = arith.constant 0 : i32
      %dma_wait3A_95 = tpu.memref_slice %arg3[%add3A, %dma_wait3A_93, %dma_wait3A_94] : memref<32x4x128xi32, #tpu.memory_space<hbm>> -> memref<1x4x128xi32, #tpu.memory_space<hbm>>
      %dma_wait3A_96 = tpu.memref_squeeze %dma_wait3A_95 : memref<1x4x128xi32, #tpu.memory_space<hbm>> -> memref<4x128xi32, #tpu.memory_space<hbm>>
      tpu.wait_dma2 semaphore(%run_scoped3A : memref<!tpu.dma_semaphore, #tpu.memory_space<semaphore_mem>>) src(%dma_wait3A_96 : memref<4x128xi32, #tpu.memory_space<hbm>>) dst(%arg5 : memref<4x128xi32, #tpu.memory_space<vmem>>)
      tpu.yield
    }) : () -> ()
    %dma_start3A = arith.constant 0 : i32
    %dma_start3A_1 = arith.constant 0 : i32
    %dma_start3A_2 = arith.constant 0 : i32
    %dma_start3A_3 = tpu.memref_slice %arg6[%dma_start3A_1, %dma_start3A_2] : memref<512x32xf32, #tpu.memory_space<vmem>> -> memref<128x32xf32, #tpu.memory_space<vmem>>
    %dma_start3A_4 = arith.constant 0 : i32
    %dma_start3A_5 = tpu.memref_slice %arg5[%dma_start3A, %dma_start3A_4] : memref<4x128xi32, #tpu.memory_space<vmem>> -> memref<1x128xi32, #tpu.memory_space<vmem>>
    %dma_start3A_6 = tpu.memref_squeeze %dma_start3A_5 : memref<1x128xi32, #tpu.memory_space<vmem>> -> memref<128xi32, #tpu.memory_space<vmem>>
    %dma_start3A_7 = arith.constant 0 : i32
    %dma_start3A_8 = arith.constant 0 : i32
    %dma_start3A_9 = tpu.memref_slice %arg2[%dma_start3A_7, %dma_start3A_8] : memref<2048x32xf32, #tpu.memory_space<hbm>> -> memref<2048x32xf32, #tpu.memory_space<hbm>>
    tpu.enqueue_indirect_dma source(%dma_start3A_9 : memref<2048x32xf32, #tpu.memory_space<hbm>>) target(%dma_start3A_3 : memref<128x32xf32, #tpu.memory_space<vmem>>) offsets(%dma_start3A_6 : memref<128xi32, #tpu.memory_space<vmem>>) semaphore(%arg7 : memref<!tpu.dma_semaphore, #tpu.memory_space<semaphore_mem>>)
    %dma_start3A_10 = arith.constant 1 : i32
    %dma_start3A_11 = arith.constant 128 : i32
    %dma_start3A_12 = arith.constant 0 : i32
    %dma_start3A_13 = tpu.memref_slice %arg6[%dma_start3A_11, %dma_start3A_12] : memref<512x32xf32, #tpu.memory_space<vmem>> -> memref<128x32xf32, #tpu.memory_space<vmem>>
    %dma_start3A_14 = arith.constant 0 : i32
    %dma_start3A_15 = tpu.memref_slice %arg5[%dma_start3A_10, %dma_start3A_14] : memref<4x128xi32, #tpu.memory_space<vmem>> -> memref<1x128xi32, #tpu.memory_space<vmem>>
    %dma_start3A_16 = tpu.memref_squeeze %dma_start3A_15 : memref<1x128xi32, #tpu.memory_space<vmem>> -> memref<128xi32, #tpu.memory_space<vmem>>
    %dma_start3A_17 = arith.constant 0 : i32
    %dma_start3A_18 = arith.constant 0 : i32
    %dma_start3A_19 = tpu.memref_slice %arg2[%dma_start3A_17, %dma_start3A_18] : memref<2048x32xf32, #tpu.memory_space<hbm>> -> memref<2048x32xf32, #tpu.memory_space<hbm>>
    tpu.enqueue_indirect_dma source(%dma_start3A_19 : memref<2048x32xf32, #tpu.memory_space<hbm>>) target(%dma_start3A_13 : memref<128x32xf32, #tpu.memory_space<vmem>>) offsets(%dma_start3A_16 : memref<128xi32, #tpu.memory_space<vmem>>) semaphore(%arg7 : memref<!tpu.dma_semaphore, #tpu.memory_space<semaphore_mem>>)
    %dma_start3A_20 = arith.constant 2 : i32
    %dma_start3A_21 = arith.constant 256 : i32
    %dma_start3A_22 = arith.constant 0 : i32
    %dma_start3A_23 = tpu.memref_slice %arg6[%dma_start3A_21, %dma_start3A_22] : memref<512x32xf32, #tpu.memory_space<vmem>> -> memref<128x32xf32, #tpu.memory_space<vmem>>
    %dma_start3A_24 = arith.constant 0 : i32
    %dma_start3A_25 = tpu.memref_slice %arg5[%dma_start3A_20, %dma_start3A_24] : memref<4x128xi32, #tpu.memory_space<vmem>> -> memref<1x128xi32, #tpu.memory_space<vmem>>
    %dma_start3A_26 = tpu.memref_squeeze %dma_start3A_25 : memref<1x128xi32, #tpu.memory_space<vmem>> -> memref<128xi32, #tpu.memory_space<vmem>>
    %dma_start3A_27 = arith.constant 0 : i32
    %dma_start3A_28 = arith.constant 0 : i32
    %dma_start3A_29 = tpu.memref_slice %arg2[%dma_start3A_27, %dma_start3A_28] : memref<2048x32xf32, #tpu.memory_space<hbm>> -> memref<2048x32xf32, #tpu.memory_space<hbm>>
    tpu.enqueue_indirect_dma source(%dma_start3A_29 : memref<2048x32xf32, #tpu.memory_space<hbm>>) target(%dma_start3A_23 : memref<128x32xf32, #tpu.memory_space<vmem>>) offsets(%dma_start3A_26 : memref<128xi32, #tpu.memory_space<vmem>>) semaphore(%arg7 : memref<!tpu.dma_semaphore, #tpu.memory_space<semaphore_mem>>)
    %dma_start3A_30 = arith.constant 3 : i32
    %dma_start3A_31 = arith.constant 384 : i32
    %dma_start3A_32 = arith.constant 0 : i32
    %dma_start3A_33 = tpu.memref_slice %arg6[%dma_start3A_31, %dma_start3A_32] : memref<512x32xf32, #tpu.memory_space<vmem>> -> memref<128x32xf32, #tpu.memory_space<vmem>>
    %dma_start3A_34 = arith.constant 0 : i32
    %dma_start3A_35 = tpu.memref_slice %arg5[%dma_start3A_30, %dma_start3A_34] : memref<4x128xi32, #tpu.memory_space<vmem>> -> memref<1x128xi32, #tpu.memory_space<vmem>>
    %dma_start3A_36 = tpu.memref_squeeze %dma_start3A_35 : memref<1x128xi32, #tpu.memory_space<vmem>> -> memref<128xi32, #tpu.memory_space<vmem>>
    %dma_start3A_37 = arith.constant 0 : i32
    %dma_start3A_38 = arith.constant 0 : i32
    %dma_start3A_39 = tpu.memref_slice %arg2[%dma_start3A_37, %dma_start3A_38] : memref<2048x32xf32, #tpu.memory_space<hbm>> -> memref<2048x32xf32, #tpu.memory_space<hbm>>
    tpu.enqueue_indirect_dma source(%dma_start3A_39 : memref<2048x32xf32, #tpu.memory_space<hbm>>) target(%dma_start3A_33 : memref<128x32xf32, #tpu.memory_space<vmem>>) offsets(%dma_start3A_36 : memref<128xi32, #tpu.memory_space<vmem>>) semaphore(%arg7 : memref<!tpu.dma_semaphore, #tpu.memory_space<semaphore_mem>>)
    %dma_wait3A = arith.constant 0 : i32
    %dma_wait3A_40 = arith.constant 0 : i32
    %dma_wait3A_41 = arith.constant 0 : i32
    %dma_wait3A_42 = tpu.memref_slice %arg6[%dma_wait3A_40, %dma_wait3A_41] : memref<512x32xf32, #tpu.memory_space<vmem>> -> memref<128x32xf32, #tpu.memory_space<vmem>>
    %dma_wait3A_43 = arith.constant 0 : i32
    %dma_wait3A_44 = tpu.memref_slice %arg5[%dma_wait3A, %dma_wait3A_43] : memref<4x128xi32, #tpu.memory_space<vmem>> -> memref<1x128xi32, #tpu.memory_space<vmem>>
    %dma_wait3A_45 = tpu.memref_squeeze %dma_wait3A_44 : memref<1x128xi32, #tpu.memory_space<vmem>> -> memref<128xi32, #tpu.memory_space<vmem>>
    %dma_wait3A_46 = arith.constant 0 : i32
    %dma_wait3A_47 = arith.constant 0 : i32
    %dma_wait3A_48 = tpu.memref_slice %arg2[%dma_wait3A_46, %dma_wait3A_47] : memref<2048x32xf32, #tpu.memory_space<hbm>> -> memref<2048x32xf32, #tpu.memory_space<hbm>>
    tpu.wait_indirect_dma semaphore(%arg7 : memref<!tpu.dma_semaphore, #tpu.memory_space<semaphore_mem>>) src(%dma_wait3A_48 : memref<2048x32xf32, #tpu.memory_space<hbm>>) dst(%dma_wait3A_42 : memref<128x32xf32, #tpu.memory_space<vmem>>)
    %dma_wait3A_49 = arith.constant 1 : i32
    %dma_wait3A_50 = arith.constant 128 : i32
    %dma_wait3A_51 = arith.constant 0 : i32
    %dma_wait3A_52 = tpu.memref_slice %arg6[%dma_wait3A_50, %dma_wait3A_51] : memref<512x32xf32, #tpu.memory_space<vmem>> -> memref<128x32xf32, #tpu.memory_space<vmem>>
    %dma_wait3A_53 = arith.constant 0 : i32
    %dma_wait3A_54 = tpu.memref_slice %arg5[%dma_wait3A_49, %dma_wait3A_53] : memref<4x128xi32, #tpu.memory_space<vmem>> -> memref<1x128xi32, #tpu.memory_space<vmem>>
    %dma_wait3A_55 = tpu.memref_squeeze %dma_wait3A_54 : memref<1x128xi32, #tpu.memory_space<vmem>> -> memref<128xi32, #tpu.memory_space<vmem>>
    %dma_wait3A_56 = arith.constant 0 : i32
    %dma_wait3A_57 = arith.constant 0 : i32
    %dma_wait3A_58 = tpu.memref_slice %arg2[%dma_wait3A_56, %dma_wait3A_57] : memref<2048x32xf32, #tpu.memory_space<hbm>> -> memref<2048x32xf32, #tpu.memory_space<hbm>>
    tpu.wait_indirect_dma semaphore(%arg7 : memref<!tpu.dma_semaphore, #tpu.memory_space<semaphore_mem>>) src(%dma_wait3A_58 : memref<2048x32xf32, #tpu.memory_space<hbm>>) dst(%dma_wait3A_52 : memref<128x32xf32, #tpu.memory_space<vmem>>)
    %dma_wait3A_59 = arith.constant 2 : i32
    %dma_wait3A_60 = arith.constant 256 : i32
    %dma_wait3A_61 = arith.constant 0 : i32
    %dma_wait3A_62 = tpu.memref_slice %arg6[%dma_wait3A_60, %dma_wait3A_61] : memref<512x32xf32, #tpu.memory_space<vmem>> -> memref<128x32xf32, #tpu.memory_space<vmem>>
    %dma_wait3A_63 = arith.constant 0 : i32
    %dma_wait3A_64 = tpu.memref_slice %arg5[%dma_wait3A_59, %dma_wait3A_63] : memref<4x128xi32, #tpu.memory_space<vmem>> -> memref<1x128xi32, #tpu.memory_space<vmem>>
    %dma_wait3A_65 = tpu.memref_squeeze %dma_wait3A_64 : memref<1x128xi32, #tpu.memory_space<vmem>> -> memref<128xi32, #tpu.memory_space<vmem>>
    %dma_wait3A_66 = arith.constant 0 : i32
    %dma_wait3A_67 = arith.constant 0 : i32
    %dma_wait3A_68 = tpu.memref_slice %arg2[%dma_wait3A_66, %dma_wait3A_67] : memref<2048x32xf32, #tpu.memory_space<hbm>> -> memref<2048x32xf32, #tpu.memory_space<hbm>>
    tpu.wait_indirect_dma semaphore(%arg7 : memref<!tpu.dma_semaphore, #tpu.memory_space<semaphore_mem>>) src(%dma_wait3A_68 : memref<2048x32xf32, #tpu.memory_space<hbm>>) dst(%dma_wait3A_62 : memref<128x32xf32, #tpu.memory_space<vmem>>)
    %dma_wait3A_69 = arith.constant 3 : i32
    %dma_wait3A_70 = arith.constant 384 : i32
    %dma_wait3A_71 = arith.constant 0 : i32
    %dma_wait3A_72 = tpu.memref_slice %arg6[%dma_wait3A_70, %dma_wait3A_71] : memref<512x32xf32, #tpu.memory_space<vmem>> -> memref<128x32xf32, #tpu.memory_space<vmem>>
    %dma_wait3A_73 = arith.constant 0 : i32
    %dma_wait3A_74 = tpu.memref_slice %arg5[%dma_wait3A_69, %dma_wait3A_73] : memref<4x128xi32, #tpu.memory_space<vmem>> -> memref<1x128xi32, #tpu.memory_space<vmem>>
    %dma_wait3A_75 = tpu.memref_squeeze %dma_wait3A_74 : memref<1x128xi32, #tpu.memory_space<vmem>> -> memref<128xi32, #tpu.memory_space<vmem>>
    %dma_wait3A_76 = arith.constant 0 : i32
    %dma_wait3A_77 = arith.constant 0 : i32
    %dma_wait3A_78 = tpu.memref_slice %arg2[%dma_wait3A_76, %dma_wait3A_77] : memref<2048x32xf32, #tpu.memory_space<hbm>> -> memref<2048x32xf32, #tpu.memory_space<hbm>>
    tpu.wait_indirect_dma semaphore(%arg7 : memref<!tpu.dma_semaphore, #tpu.memory_space<semaphore_mem>>) src(%dma_wait3A_78 : memref<2048x32xf32, #tpu.memory_space<hbm>>) dst(%dma_wait3A_72 : memref<128x32xf32, #tpu.memory_space<vmem>>)
    %mul3A_79 = arith.constant 512 : i32
    %mul3A_80 = arith.muli %add3A, %mul3A_79 : i32
    "tpu.region"() ({
      %run_scoped3A = tpu.sem_alloc : memref<!tpu.dma_semaphore, #tpu.memory_space<semaphore_mem>>
      %dma_start3A_81 = arith.constant 0 : i32
      %dma_start3A_82 = tpu.memref_slice %arg4[%mul3A_80, %dma_start3A_81] : memref<16384x32xf32, #tpu.memory_space<hbm>> -> memref<512x32xf32, #tpu.memory_space<hbm>>
      %dma_start3A_83 = arith.constant 0 : i32
      %dma_start3A_84 = tpu.memref_slice %arg4[%mul3A_80, %dma_start3A_83] : memref<16384x32xf32, #tpu.memory_space<hbm>> -> memref<512x32xf32, #tpu.memory_space<hbm>>
      tpu.enqueue_dma source(%arg6 : memref<512x32xf32, #tpu.memory_space<vmem>>) target(%dma_start3A_84 : memref<512x32xf32, #tpu.memory_space<hbm>>) target_semaphore(%run_scoped3A : memref<!tpu.dma_semaphore, #tpu.memory_space<semaphore_mem>>)
      %dma_wait3A_85 = arith.constant 0 : i32
      %dma_wait3A_86 = tpu.memref_slice %arg4[%mul3A_80, %dma_wait3A_85] : memref<16384x32xf32, #tpu.memory_space<hbm>> -> memref<512x32xf32, #tpu.memory_space<hbm>>
      %dma_wait3A_87 = arith.constant 0 : i32
      %dma_wait3A_88 = tpu.memref_slice %arg4[%mul3A_80, %dma_wait3A_87] : memref<16384x32xf32, #tpu.memory_space<hbm>> -> memref<512x32xf32, #tpu.memory_space<hbm>>
      tpu.wait_dma2 semaphore(%run_scoped3A : memref<!tpu.dma_semaphore, #tpu.memory_space<semaphore_mem>>) src(%arg6 : memref<512x32xf32, #tpu.memory_space<vmem>>) dst(%dma_wait3A_88 : memref<512x32xf32, #tpu.memory_space<hbm>>)
      tpu.yield
    }) : () -> ()
    return
  }
}

#map = affine_map<(d0, d1) -> (0, 0)>
#map1 = affine_map<(d0, d1) -> (0, 0, 0)>
module attributes {stable_mosaic.version = 14 : i64} {
  func.func @_sc_gather_body(%arg0: i32, %arg1: i32, %arg2: memref<2048x32xf32, #tpu.memory_space<hbm>>, %arg3: memref<32x4x128xi32, #tpu.memory_space<hbm>>, %arg4: memref<16384x32xf32, #tpu.memory_space<hbm>>, %arg5: memref<4x128xi32, #tpu.memory_space<vmem>>, %arg6: memref<512x32xf32, #tpu.memory_space<vmem>>, %arg7: memref<!tpu.dma_semaphore, #tpu.memory_space<semaphore_mem>>) attributes {dimension_semantics = [#tpu.dimension_semantics<core_parallel>, #tpu.dimension_semantics<subcore_parallel>], iteration_bounds = array<i64: 2, 16>, scalar_prefetch = 0 : i64, scratch_operands = 3 : i64, tpu.core_type = #tpu.core_type<sc_vector_subcore>, window_params = [{transform_indices = #map}, {transform_indices = #map1}, {transform_indices = #map}]} {
    %mul3A = arith.constant 2 : i32
    %mul3A_0 = arith.muli %arg1, %mul3A : i32
    %add3A = arith.addi %mul3A_0, %arg0 : i32
    "tpu.region"() ({
      %run_scoped3A = tpu.sem_alloc : memref<!tpu.dma_semaphore, #tpu.memory_space<semaphore_mem>>
      %dma_start3A_81 = arith.constant 0 : i32
      %dma_start3A_82 = arith.constant 0 : i32
      %dma_start3A_83 = tpu.memref_slice %arg3[%add3A, %dma_start3A_81, %dma_start3A_82] : memref<32x4x128xi32, #tpu.memory_space<hbm>> -> memref<1x4x128xi32, #tpu.memory_space<hbm>>
      %dma_start3A_84 = tpu.memref_squeeze %dma_start3A_83 : memref<1x4x128xi32, #tpu.memory_space<hbm>> -> memref<4x128xi32, #tpu.memory_space<hbm>>
      %dma_start3A_85 = arith.constant 0 : i32
      %dma_start3A_86 = arith.constant 0 : i32
      %dma_start3A_87 = tpu.memref_slice %arg3[%add3A, %dma_start3A_85, %dma_start3A_86] : memref<32x4x128xi32, #tpu.memory_space<hbm>> -> memref<1x4x128xi32, #tpu.memory_space<hbm>>
      %dma_start3A_88 = tpu.memref_squeeze %dma_start3A_87 : memref<1x4x128xi32, #tpu.memory_space<hbm>> -> memref<4x128xi32, #tpu.memory_space<hbm>>
      tpu.enqueue_dma source(%dma_start3A_88 : memref<4x128xi32, #tpu.memory_space<hbm>>) target(%arg5 : memref<4x128xi32, #tpu.memory_space<vmem>>) target_semaphore(%run_scoped3A : memref<!tpu.dma_semaphore, #tpu.memory_space<semaphore_mem>>)
      %dma_wait3A_89 = arith.constant 0 : i32
      %dma_wait3A_90 = arith.constant 0 : i32
      %dma_wait3A_91 = tpu.memref_slice %arg3[%add3A, %dma_wait3A_89, %dma_wait3A_90] : memref<32x4x128xi32, #tpu.memory_space<hbm>> -> memref<1x4x128xi32, #tpu.memory_space<hbm>>
      %dma_wait3A_92 = tpu.memref_squeeze %dma_wait3A_91 : memref<1x4x128xi32, #tpu.memory_space<hbm>> -> memref<4x128xi32, #tpu.memory_space<hbm>>
      %dma_wait3A_93 = arith.constant 0 : i32
      %dma_wait3A_94 = arith.constant 0 : i32
      %dma_wait3A_95 = tpu.memref_slice %arg3[%add3A, %dma_wait3A_93, %dma_wait3A_94] : memref<32x4x128xi32, #tpu.memory_space<hbm>> -> memref<1x4x128xi32, #tpu.memory_space<hbm>>
      %dma_wait3A_96 = tpu.memref_squeeze %dma_wait3A_95 : memref<1x4x128xi32, #tpu.memory_space<hbm>> -> memref<4x128xi32, #tpu.memory_space<hbm>>
      tpu.wait_dma2 semaphore(%run_scoped3A : memref<!tpu.dma_semaphore, #tpu.memory_space<semaphore_mem>>) src(%dma_wait3A_96 : memref<4x128xi32, #tpu.memory_space<hbm>>) dst(%arg5 : memref<4x128xi32, #tpu.memory_space<vmem>>)
      tpu.yield
    }) : () -> ()
    %dma_start3A = arith.constant 0 : i32
    %dma_start3A_1 = arith.constant 0 : i32
    %dma_start3A_2 = arith.constant 0 : i32
    %dma_start3A_3 = tpu.memref_slice %arg6[%dma_start3A_1, %dma_start3A_2] : memref<512x32xf32, #tpu.memory_space<vmem>> -> memref<128x32xf32, #tpu.memory_space<vmem>>
    %dma_start3A_4 = arith.constant 0 : i32
    %dma_start3A_5 = tpu.memref_slice %arg5[%dma_start3A, %dma_start3A_4] : memref<4x128xi32, #tpu.memory_space<vmem>> -> memref<1x128xi32, #tpu.memory_space<vmem>>
    %dma_start3A_6 = tpu.memref_squeeze %dma_start3A_5 : memref<1x128xi32, #tpu.memory_space<vmem>> -> memref<128xi32, #tpu.memory_space<vmem>>
    %dma_start3A_7 = arith.constant 0 : i32
    %dma_start3A_8 = arith.constant 0 : i32
    %dma_start3A_9 = tpu.memref_slice %arg2[%dma_start3A_7, %dma_start3A_8] : memref<2048x32xf32, #tpu.memory_space<hbm>> -> memref<2048x32xf32, #tpu.memory_space<hbm>>
    tpu.enqueue_indirect_dma source(%dma_start3A_9 : memref<2048x32xf32, #tpu.memory_space<hbm>>) target(%dma_start3A_3 : memref<128x32xf32, #tpu.memory_space<vmem>>) offsets(%dma_start3A_6 : memref<128xi32, #tpu.memory_space<vmem>>) semaphore(%arg7 : memref<!tpu.dma_semaphore, #tpu.memory_space<semaphore_mem>>)
    %dma_start3A_10 = arith.constant 1 : i32
    %dma_start3A_11 = arith.constant 128 : i32
    %dma_start3A_12 = arith.constant 0 : i32
    %dma_start3A_13 = tpu.memref_slice %arg6[%dma_start3A_11, %dma_start3A_12] : memref<512x32xf32, #tpu.memory_space<vmem>> -> memref<128x32xf32, #tpu.memory_space<vmem>>
    %dma_start3A_14 = arith.constant 0 : i32
    %dma_start3A_15 = tpu.memref_slice %arg5[%dma_start3A_10, %dma_start3A_14] : memref<4x128xi32, #tpu.memory_space<vmem>> -> memref<1x128xi32, #tpu.memory_space<vmem>>
    %dma_start3A_16 = tpu.memref_squeeze %dma_start3A_15 : memref<1x128xi32, #tpu.memory_space<vmem>> -> memref<128xi32, #tpu.memory_space<vmem>>
    %dma_start3A_17 = arith.constant 0 : i32
    %dma_start3A_18 = arith.constant 0 : i32
    %dma_start3A_19 = tpu.memref_slice %arg2[%dma_start3A_17, %dma_start3A_18] : memref<2048x32xf32, #tpu.memory_space<hbm>> -> memref<2048x32xf32, #tpu.memory_space<hbm>>
    tpu.enqueue_indirect_dma source(%dma_start3A_19 : memref<2048x32xf32, #tpu.memory_space<hbm>>) target(%dma_start3A_13 : memref<128x32xf32, #tpu.memory_space<vmem>>) offsets(%dma_start3A_16 : memref<128xi32, #tpu.memory_space<vmem>>) semaphore(%arg7 : memref<!tpu.dma_semaphore, #tpu.memory_space<semaphore_mem>>)
    %dma_start3A_20 = arith.constant 2 : i32
    %dma_start3A_21 = arith.constant 256 : i32
    %dma_start3A_22 = arith.constant 0 : i32
    %dma_start3A_23 = tpu.memref_slice %arg6[%dma_start3A_21, %dma_start3A_22] : memref<512x32xf32, #tpu.memory_space<vmem>> -> memref<128x32xf32, #tpu.memory_space<vmem>>
    %dma_start3A_24 = arith.constant 0 : i32
    %dma_start3A_25 = tpu.memref_slice %arg5[%dma_start3A_20, %dma_start3A_24] : memref<4x128xi32, #tpu.memory_space<vmem>> -> memref<1x128xi32, #tpu.memory_space<vmem>>
    %dma_start3A_26 = tpu.memref_squeeze %dma_start3A_25 : memref<1x128xi32, #tpu.memory_space<vmem>> -> memref<128xi32, #tpu.memory_space<vmem>>
    %dma_start3A_27 = arith.constant 0 : i32
    %dma_start3A_28 = arith.constant 0 : i32
    %dma_start3A_29 = tpu.memref_slice %arg2[%dma_start3A_27, %dma_start3A_28] : memref<2048x32xf32, #tpu.memory_space<hbm>> -> memref<2048x32xf32, #tpu.memory_space<hbm>>
    tpu.enqueue_indirect_dma source(%dma_start3A_29 : memref<2048x32xf32, #tpu.memory_space<hbm>>) target(%dma_start3A_23 : memref<128x32xf32, #tpu.memory_space<vmem>>) offsets(%dma_start3A_26 : memref<128xi32, #tpu.memory_space<vmem>>) semaphore(%arg7 : memref<!tpu.dma_semaphore, #tpu.memory_space<semaphore_mem>>)
    %dma_start3A_30 = arith.constant 3 : i32
    %dma_start3A_31 = arith.constant 384 : i32
    %dma_start3A_32 = arith.constant 0 : i32
    %dma_start3A_33 = tpu.memref_slice %arg6[%dma_start3A_31, %dma_start3A_32] : memref<512x32xf32, #tpu.memory_space<vmem>> -> memref<128x32xf32, #tpu.memory_space<vmem>>
    %dma_start3A_34 = arith.constant 0 : i32
    %dma_start3A_35 = tpu.memref_slice %arg5[%dma_start3A_30, %dma_start3A_34] : memref<4x128xi32, #tpu.memory_space<vmem>> -> memref<1x128xi32, #tpu.memory_space<vmem>>
    %dma_start3A_36 = tpu.memref_squeeze %dma_start3A_35 : memref<1x128xi32, #tpu.memory_space<vmem>> -> memref<128xi32, #tpu.memory_space<vmem>>
    %dma_start3A_37 = arith.constant 0 : i32
    %dma_start3A_38 = arith.constant 0 : i32
    %dma_start3A_39 = tpu.memref_slice %arg2[%dma_start3A_37, %dma_start3A_38] : memref<2048x32xf32, #tpu.memory_space<hbm>> -> memref<2048x32xf32, #tpu.memory_space<hbm>>
    tpu.enqueue_indirect_dma source(%dma_start3A_39 : memref<2048x32xf32, #tpu.memory_space<hbm>>) target(%dma_start3A_33 : memref<128x32xf32, #tpu.memory_space<vmem>>) offsets(%dma_start3A_36 : memref<128xi32, #tpu.memory_space<vmem>>) semaphore(%arg7 : memref<!tpu.dma_semaphore, #tpu.memory_space<semaphore_mem>>)
    %dma_wait3A = arith.constant 0 : i32
    %dma_wait3A_40 = arith.constant 0 : i32
    %dma_wait3A_41 = arith.constant 0 : i32
    %dma_wait3A_42 = tpu.memref_slice %arg6[%dma_wait3A_40, %dma_wait3A_41] : memref<512x32xf32, #tpu.memory_space<vmem>> -> memref<128x32xf32, #tpu.memory_space<vmem>>
    %dma_wait3A_43 = arith.constant 0 : i32
    %dma_wait3A_44 = tpu.memref_slice %arg5[%dma_wait3A, %dma_wait3A_43] : memref<4x128xi32, #tpu.memory_space<vmem>> -> memref<1x128xi32, #tpu.memory_space<vmem>>
    %dma_wait3A_45 = tpu.memref_squeeze %dma_wait3A_44 : memref<1x128xi32, #tpu.memory_space<vmem>> -> memref<128xi32, #tpu.memory_space<vmem>>
    %dma_wait3A_46 = arith.constant 0 : i32
    %dma_wait3A_47 = arith.constant 0 : i32
    %dma_wait3A_48 = tpu.memref_slice %arg2[%dma_wait3A_46, %dma_wait3A_47] : memref<2048x32xf32, #tpu.memory_space<hbm>> -> memref<2048x32xf32, #tpu.memory_space<hbm>>
    tpu.wait_indirect_dma semaphore(%arg7 : memref<!tpu.dma_semaphore, #tpu.memory_space<semaphore_mem>>) src(%dma_wait3A_48 : memref<2048x32xf32, #tpu.memory_space<hbm>>) dst(%dma_wait3A_42 : memref<128x32xf32, #tpu.memory_space<vmem>>)
    %dma_wait3A_49 = arith.constant 1 : i32
    %dma_wait3A_50 = arith.constant 128 : i32
    %dma_wait3A_51 = arith.constant 0 : i32
    %dma_wait3A_52 = tpu.memref_slice %arg6[%dma_wait3A_50, %dma_wait3A_51] : memref<512x32xf32, #tpu.memory_space<vmem>> -> memref<128x32xf32, #tpu.memory_space<vmem>>
    %dma_wait3A_53 = arith.constant 0 : i32
    %dma_wait3A_54 = tpu.memref_slice %arg5[%dma_wait3A_49, %dma_wait3A_53] : memref<4x128xi32, #tpu.memory_space<vmem>> -> memref<1x128xi32, #tpu.memory_space<vmem>>
    %dma_wait3A_55 = tpu.memref_squeeze %dma_wait3A_54 : memref<1x128xi32, #tpu.memory_space<vmem>> -> memref<128xi32, #tpu.memory_space<vmem>>
    %dma_wait3A_56 = arith.constant 0 : i32
    %dma_wait3A_57 = arith.constant 0 : i32
    %dma_wait3A_58 = tpu.memref_slice %arg2[%dma_wait3A_56, %dma_wait3A_57] : memref<2048x32xf32, #tpu.memory_space<hbm>> -> memref<2048x32xf32, #tpu.memory_space<hbm>>
    tpu.wait_indirect_dma semaphore(%arg7 : memref<!tpu.dma_semaphore, #tpu.memory_space<semaphore_mem>>) src(%dma_wait3A_58 : memref<2048x32xf32, #tpu.memory_space<hbm>>) dst(%dma_wait3A_52 : memref<128x32xf32, #tpu.memory_space<vmem>>)
    %dma_wait3A_59 = arith.constant 2 : i32
    %dma_wait3A_60 = arith.constant 256 : i32
    %dma_wait3A_61 = arith.constant 0 : i32
    %dma_wait3A_62 = tpu.memref_slice %arg6[%dma_wait3A_60, %dma_wait3A_61] : memref<512x32xf32, #tpu.memory_space<vmem>> -> memref<128x32xf32, #tpu.memory_space<vmem>>
    %dma_wait3A_63 = arith.constant 0 : i32
    %dma_wait3A_64 = tpu.memref_slice %arg5[%dma_wait3A_59, %dma_wait3A_63] : memref<4x128xi32, #tpu.memory_space<vmem>> -> memref<1x128xi32, #tpu.memory_space<vmem>>
    %dma_wait3A_65 = tpu.memref_squeeze %dma_wait3A_64 : memref<1x128xi32, #tpu.memory_space<vmem>> -> memref<128xi32, #tpu.memory_space<vmem>>
    %dma_wait3A_66 = arith.constant 0 : i32
    %dma_wait3A_67 = arith.constant 0 : i32
    %dma_wait3A_68 = tpu.memref_slice %arg2[%dma_wait3A_66, %dma_wait3A_67] : memref<2048x32xf32, #tpu.memory_space<hbm>> -> memref<2048x32xf32, #tpu.memory_space<hbm>>
    tpu.wait_indirect_dma semaphore(%arg7 : memref<!tpu.dma_semaphore, #tpu.memory_space<semaphore_mem>>) src(%dma_wait3A_68 : memref<2048x32xf32, #tpu.memory_space<hbm>>) dst(%dma_wait3A_62 : memref<128x32xf32, #tpu.memory_space<vmem>>)
    %dma_wait3A_69 = arith.constant 3 : i32
    %dma_wait3A_70 = arith.constant 384 : i32
    %dma_wait3A_71 = arith.constant 0 : i32
    %dma_wait3A_72 = tpu.memref_slice %arg6[%dma_wait3A_70, %dma_wait3A_71] : memref<512x32xf32, #tpu.memory_space<vmem>> -> memref<128x32xf32, #tpu.memory_space<vmem>>
    %dma_wait3A_73 = arith.constant 0 : i32
    %dma_wait3A_74 = tpu.memref_slice %arg5[%dma_wait3A_69, %dma_wait3A_73] : memref<4x128xi32, #tpu.memory_space<vmem>> -> memref<1x128xi32, #tpu.memory_space<vmem>>
    %dma_wait3A_75 = tpu.memref_squeeze %dma_wait3A_74 : memref<1x128xi32, #tpu.memory_space<vmem>> -> memref<128xi32, #tpu.memory_space<vmem>>
    %dma_wait3A_76 = arith.constant 0 : i32
    %dma_wait3A_77 = arith.constant 0 : i32
    %dma_wait3A_78 = tpu.memref_slice %arg2[%dma_wait3A_76, %dma_wait3A_77] : memref<2048x32xf32, #tpu.memory_space<hbm>> -> memref<2048x32xf32, #tpu.memory_space<hbm>>
    tpu.wait_indirect_dma semaphore(%arg7 : memref<!tpu.dma_semaphore, #tpu.memory_space<semaphore_mem>>) src(%dma_wait3A_78 : memref<2048x32xf32, #tpu.memory_space<hbm>>) dst(%dma_wait3A_72 : memref<128x32xf32, #tpu.memory_space<vmem>>)
    %mul3A_79 = arith.constant 512 : i32
    %mul3A_80 = arith.muli %add3A, %mul3A_79 : i32
    "tpu.region"() ({
      %run_scoped3A = tpu.sem_alloc : memref<!tpu.dma_semaphore, #tpu.memory_space<semaphore_mem>>
      %dma_start3A_81 = arith.constant 0 : i32
      %dma_start3A_82 = tpu.memref_slice %arg4[%mul3A_80, %dma_start3A_81] : memref<16384x32xf32, #tpu.memory_space<hbm>> -> memref<512x32xf32, #tpu.memory_space<hbm>>
      %dma_start3A_83 = arith.constant 0 : i32
      %dma_start3A_84 = tpu.memref_slice %arg4[%mul3A_80, %dma_start3A_83] : memref<16384x32xf32, #tpu.memory_space<hbm>> -> memref<512x32xf32, #tpu.memory_space<hbm>>
      tpu.enqueue_dma source(%arg6 : memref<512x32xf32, #tpu.memory_space<vmem>>) target(%dma_start3A_84 : memref<512x32xf32, #tpu.memory_space<hbm>>) target_semaphore(%run_scoped3A : memref<!tpu.dma_semaphore, #tpu.memory_space<semaphore_mem>>)
      %dma_wait3A_85 = arith.constant 0 : i32
      %dma_wait3A_86 = tpu.memref_slice %arg4[%mul3A_80, %dma_wait3A_85] : memref<16384x32xf32, #tpu.memory_space<hbm>> -> memref<512x32xf32, #tpu.memory_space<hbm>>
      %dma_wait3A_87 = arith.constant 0 : i32
      %dma_wait3A_88 = tpu.memref_slice %arg4[%mul3A_80, %dma_wait3A_87] : memref<16384x32xf32, #tpu.memory_space<hbm>> -> memref<512x32xf32, #tpu.memory_space<hbm>>
      tpu.wait_dma2 semaphore(%run_scoped3A : memref<!tpu.dma_semaphore, #tpu.memory_space<semaphore_mem>>) src(%arg6 : memref<512x32xf32, #tpu.memory_space<vmem>>) dst(%dma_wait3A_88 : memref<512x32xf32, #tpu.memory_space<hbm>>)
      tpu.yield
    }) : () -> ()
    return
  }
}

#map = affine_map<(d0, d1) -> (0, 0)>
#map1 = affine_map<(d0, d1) -> (0, 0, 0)>
module attributes {stable_mosaic.version = 14 : i64} {
  func.func @_sc_gather_body(%arg0: i32, %arg1: i32, %arg2: memref<2048x32xf32, #tpu.memory_space<hbm>>, %arg3: memref<32x4x128xi32, #tpu.memory_space<hbm>>, %arg4: memref<16384x32xf32, #tpu.memory_space<hbm>>, %arg5: memref<4x128xi32, #tpu.memory_space<vmem>>, %arg6: memref<512x32xf32, #tpu.memory_space<vmem>>, %arg7: memref<!tpu.dma_semaphore, #tpu.memory_space<semaphore_mem>>) attributes {dimension_semantics = [#tpu.dimension_semantics<core_parallel>, #tpu.dimension_semantics<subcore_parallel>], iteration_bounds = array<i64: 2, 16>, scalar_prefetch = 0 : i64, scratch_operands = 3 : i64, tpu.core_type = #tpu.core_type<sc_vector_subcore>, window_params = [{transform_indices = #map}, {transform_indices = #map1}, {transform_indices = #map}]} {
    %mul3A = arith.constant 2 : i32
    %mul3A_0 = arith.muli %arg1, %mul3A : i32
    %add3A = arith.addi %mul3A_0, %arg0 : i32
    "tpu.region"() ({
      %run_scoped3A = tpu.sem_alloc : memref<!tpu.dma_semaphore, #tpu.memory_space<semaphore_mem>>
      %dma_start3A_81 = arith.constant 0 : i32
      %dma_start3A_82 = arith.constant 0 : i32
      %dma_start3A_83 = tpu.memref_slice %arg3[%add3A, %dma_start3A_81, %dma_start3A_82] : memref<32x4x128xi32, #tpu.memory_space<hbm>> -> memref<1x4x128xi32, #tpu.memory_space<hbm>>
      %dma_start3A_84 = tpu.memref_squeeze %dma_start3A_83 : memref<1x4x128xi32, #tpu.memory_space<hbm>> -> memref<4x128xi32, #tpu.memory_space<hbm>>
      %dma_start3A_85 = arith.constant 0 : i32
      %dma_start3A_86 = arith.constant 0 : i32
      %dma_start3A_87 = tpu.memref_slice %arg3[%add3A, %dma_start3A_85, %dma_start3A_86] : memref<32x4x128xi32, #tpu.memory_space<hbm>> -> memref<1x4x128xi32, #tpu.memory_space<hbm>>
      %dma_start3A_88 = tpu.memref_squeeze %dma_start3A_87 : memref<1x4x128xi32, #tpu.memory_space<hbm>> -> memref<4x128xi32, #tpu.memory_space<hbm>>
      tpu.enqueue_dma source(%dma_start3A_88 : memref<4x128xi32, #tpu.memory_space<hbm>>) target(%arg5 : memref<4x128xi32, #tpu.memory_space<vmem>>) target_semaphore(%run_scoped3A : memref<!tpu.dma_semaphore, #tpu.memory_space<semaphore_mem>>)
      %dma_wait3A_89 = arith.constant 0 : i32
      %dma_wait3A_90 = arith.constant 0 : i32
      %dma_wait3A_91 = tpu.memref_slice %arg3[%add3A, %dma_wait3A_89, %dma_wait3A_90] : memref<32x4x128xi32, #tpu.memory_space<hbm>> -> memref<1x4x128xi32, #tpu.memory_space<hbm>>
      %dma_wait3A_92 = tpu.memref_squeeze %dma_wait3A_91 : memref<1x4x128xi32, #tpu.memory_space<hbm>> -> memref<4x128xi32, #tpu.memory_space<hbm>>
      %dma_wait3A_93 = arith.constant 0 : i32
      %dma_wait3A_94 = arith.constant 0 : i32
      %dma_wait3A_95 = tpu.memref_slice %arg3[%add3A, %dma_wait3A_93, %dma_wait3A_94] : memref<32x4x128xi32, #tpu.memory_space<hbm>> -> memref<1x4x128xi32, #tpu.memory_space<hbm>>
      %dma_wait3A_96 = tpu.memref_squeeze %dma_wait3A_95 : memref<1x4x128xi32, #tpu.memory_space<hbm>> -> memref<4x128xi32, #tpu.memory_space<hbm>>
      tpu.wait_dma2 semaphore(%run_scoped3A : memref<!tpu.dma_semaphore, #tpu.memory_space<semaphore_mem>>) src(%dma_wait3A_96 : memref<4x128xi32, #tpu.memory_space<hbm>>) dst(%arg5 : memref<4x128xi32, #tpu.memory_space<vmem>>)
      tpu.yield
    }) : () -> ()
    %dma_start3A = arith.constant 0 : i32
    %dma_start3A_1 = arith.constant 0 : i32
    %dma_start3A_2 = arith.constant 0 : i32
    %dma_start3A_3 = tpu.memref_slice %arg6[%dma_start3A_1, %dma_start3A_2] : memref<512x32xf32, #tpu.memory_space<vmem>> -> memref<128x32xf32, #tpu.memory_space<vmem>>
    %dma_start3A_4 = arith.constant 0 : i32
    %dma_start3A_5 = tpu.memref_slice %arg5[%dma_start3A, %dma_start3A_4] : memref<4x128xi32, #tpu.memory_space<vmem>> -> memref<1x128xi32, #tpu.memory_space<vmem>>
    %dma_start3A_6 = tpu.memref_squeeze %dma_start3A_5 : memref<1x128xi32, #tpu.memory_space<vmem>> -> memref<128xi32, #tpu.memory_space<vmem>>
    %dma_start3A_7 = arith.constant 0 : i32
    %dma_start3A_8 = arith.constant 0 : i32
    %dma_start3A_9 = tpu.memref_slice %arg2[%dma_start3A_7, %dma_start3A_8] : memref<2048x32xf32, #tpu.memory_space<hbm>> -> memref<2048x32xf32, #tpu.memory_space<hbm>>
    tpu.enqueue_indirect_dma source(%dma_start3A_9 : memref<2048x32xf32, #tpu.memory_space<hbm>>) target(%dma_start3A_3 : memref<128x32xf32, #tpu.memory_space<vmem>>) offsets(%dma_start3A_6 : memref<128xi32, #tpu.memory_space<vmem>>) semaphore(%arg7 : memref<!tpu.dma_semaphore, #tpu.memory_space<semaphore_mem>>)
    %dma_start3A_10 = arith.constant 1 : i32
    %dma_start3A_11 = arith.constant 128 : i32
    %dma_start3A_12 = arith.constant 0 : i32
    %dma_start3A_13 = tpu.memref_slice %arg6[%dma_start3A_11, %dma_start3A_12] : memref<512x32xf32, #tpu.memory_space<vmem>> -> memref<128x32xf32, #tpu.memory_space<vmem>>
    %dma_start3A_14 = arith.constant 0 : i32
    %dma_start3A_15 = tpu.memref_slice %arg5[%dma_start3A_10, %dma_start3A_14] : memref<4x128xi32, #tpu.memory_space<vmem>> -> memref<1x128xi32, #tpu.memory_space<vmem>>
    %dma_start3A_16 = tpu.memref_squeeze %dma_start3A_15 : memref<1x128xi32, #tpu.memory_space<vmem>> -> memref<128xi32, #tpu.memory_space<vmem>>
    %dma_start3A_17 = arith.constant 0 : i32
    %dma_start3A_18 = arith.constant 0 : i32
    %dma_start3A_19 = tpu.memref_slice %arg2[%dma_start3A_17, %dma_start3A_18] : memref<2048x32xf32, #tpu.memory_space<hbm>> -> memref<2048x32xf32, #tpu.memory_space<hbm>>
    tpu.enqueue_indirect_dma source(%dma_start3A_19 : memref<2048x32xf32, #tpu.memory_space<hbm>>) target(%dma_start3A_13 : memref<128x32xf32, #tpu.memory_space<vmem>>) offsets(%dma_start3A_16 : memref<128xi32, #tpu.memory_space<vmem>>) semaphore(%arg7 : memref<!tpu.dma_semaphore, #tpu.memory_space<semaphore_mem>>)
    %dma_start3A_20 = arith.constant 2 : i32
    %dma_start3A_21 = arith.constant 256 : i32
    %dma_start3A_22 = arith.constant 0 : i32
    %dma_start3A_23 = tpu.memref_slice %arg6[%dma_start3A_21, %dma_start3A_22] : memref<512x32xf32, #tpu.memory_space<vmem>> -> memref<128x32xf32, #tpu.memory_space<vmem>>
    %dma_start3A_24 = arith.constant 0 : i32
    %dma_start3A_25 = tpu.memref_slice %arg5[%dma_start3A_20, %dma_start3A_24] : memref<4x128xi32, #tpu.memory_space<vmem>> -> memref<1x128xi32, #tpu.memory_space<vmem>>
    %dma_start3A_26 = tpu.memref_squeeze %dma_start3A_25 : memref<1x128xi32, #tpu.memory_space<vmem>> -> memref<128xi32, #tpu.memory_space<vmem>>
    %dma_start3A_27 = arith.constant 0 : i32
    %dma_start3A_28 = arith.constant 0 : i32
    %dma_start3A_29 = tpu.memref_slice %arg2[%dma_start3A_27, %dma_start3A_28] : memref<2048x32xf32, #tpu.memory_space<hbm>> -> memref<2048x32xf32, #tpu.memory_space<hbm>>
    tpu.enqueue_indirect_dma source(%dma_start3A_29 : memref<2048x32xf32, #tpu.memory_space<hbm>>) target(%dma_start3A_23 : memref<128x32xf32, #tpu.memory_space<vmem>>) offsets(%dma_start3A_26 : memref<128xi32, #tpu.memory_space<vmem>>) semaphore(%arg7 : memref<!tpu.dma_semaphore, #tpu.memory_space<semaphore_mem>>)
    %dma_start3A_30 = arith.constant 3 : i32
    %dma_start3A_31 = arith.constant 384 : i32
    %dma_start3A_32 = arith.constant 0 : i32
    %dma_start3A_33 = tpu.memref_slice %arg6[%dma_start3A_31, %dma_start3A_32] : memref<512x32xf32, #tpu.memory_space<vmem>> -> memref<128x32xf32, #tpu.memory_space<vmem>>
    %dma_start3A_34 = arith.constant 0 : i32
    %dma_start3A_35 = tpu.memref_slice %arg5[%dma_start3A_30, %dma_start3A_34] : memref<4x128xi32, #tpu.memory_space<vmem>> -> memref<1x128xi32, #tpu.memory_space<vmem>>
    %dma_start3A_36 = tpu.memref_squeeze %dma_start3A_35 : memref<1x128xi32, #tpu.memory_space<vmem>> -> memref<128xi32, #tpu.memory_space<vmem>>
    %dma_start3A_37 = arith.constant 0 : i32
    %dma_start3A_38 = arith.constant 0 : i32
    %dma_start3A_39 = tpu.memref_slice %arg2[%dma_start3A_37, %dma_start3A_38] : memref<2048x32xf32, #tpu.memory_space<hbm>> -> memref<2048x32xf32, #tpu.memory_space<hbm>>
    tpu.enqueue_indirect_dma source(%dma_start3A_39 : memref<2048x32xf32, #tpu.memory_space<hbm>>) target(%dma_start3A_33 : memref<128x32xf32, #tpu.memory_space<vmem>>) offsets(%dma_start3A_36 : memref<128xi32, #tpu.memory_space<vmem>>) semaphore(%arg7 : memref<!tpu.dma_semaphore, #tpu.memory_space<semaphore_mem>>)
    %dma_wait3A = arith.constant 0 : i32
    %dma_wait3A_40 = arith.constant 0 : i32
    %dma_wait3A_41 = arith.constant 0 : i32
    %dma_wait3A_42 = tpu.memref_slice %arg6[%dma_wait3A_40, %dma_wait3A_41] : memref<512x32xf32, #tpu.memory_space<vmem>> -> memref<128x32xf32, #tpu.memory_space<vmem>>
    %dma_wait3A_43 = arith.constant 0 : i32
    %dma_wait3A_44 = tpu.memref_slice %arg5[%dma_wait3A, %dma_wait3A_43] : memref<4x128xi32, #tpu.memory_space<vmem>> -> memref<1x128xi32, #tpu.memory_space<vmem>>
    %dma_wait3A_45 = tpu.memref_squeeze %dma_wait3A_44 : memref<1x128xi32, #tpu.memory_space<vmem>> -> memref<128xi32, #tpu.memory_space<vmem>>
    %dma_wait3A_46 = arith.constant 0 : i32
    %dma_wait3A_47 = arith.constant 0 : i32
    %dma_wait3A_48 = tpu.memref_slice %arg2[%dma_wait3A_46, %dma_wait3A_47] : memref<2048x32xf32, #tpu.memory_space<hbm>> -> memref<2048x32xf32, #tpu.memory_space<hbm>>
    tpu.wait_indirect_dma semaphore(%arg7 : memref<!tpu.dma_semaphore, #tpu.memory_space<semaphore_mem>>) src(%dma_wait3A_48 : memref<2048x32xf32, #tpu.memory_space<hbm>>) dst(%dma_wait3A_42 : memref<128x32xf32, #tpu.memory_space<vmem>>)
    %dma_wait3A_49 = arith.constant 1 : i32
    %dma_wait3A_50 = arith.constant 128 : i32
    %dma_wait3A_51 = arith.constant 0 : i32
    %dma_wait3A_52 = tpu.memref_slice %arg6[%dma_wait3A_50, %dma_wait3A_51] : memref<512x32xf32, #tpu.memory_space<vmem>> -> memref<128x32xf32, #tpu.memory_space<vmem>>
    %dma_wait3A_53 = arith.constant 0 : i32
    %dma_wait3A_54 = tpu.memref_slice %arg5[%dma_wait3A_49, %dma_wait3A_53] : memref<4x128xi32, #tpu.memory_space<vmem>> -> memref<1x128xi32, #tpu.memory_space<vmem>>
    %dma_wait3A_55 = tpu.memref_squeeze %dma_wait3A_54 : memref<1x128xi32, #tpu.memory_space<vmem>> -> memref<128xi32, #tpu.memory_space<vmem>>
    %dma_wait3A_56 = arith.constant 0 : i32
    %dma_wait3A_57 = arith.constant 0 : i32
    %dma_wait3A_58 = tpu.memref_slice %arg2[%dma_wait3A_56, %dma_wait3A_57] : memref<2048x32xf32, #tpu.memory_space<hbm>> -> memref<2048x32xf32, #tpu.memory_space<hbm>>
    tpu.wait_indirect_dma semaphore(%arg7 : memref<!tpu.dma_semaphore, #tpu.memory_space<semaphore_mem>>) src(%dma_wait3A_58 : memref<2048x32xf32, #tpu.memory_space<hbm>>) dst(%dma_wait3A_52 : memref<128x32xf32, #tpu.memory_space<vmem>>)
    %dma_wait3A_59 = arith.constant 2 : i32
    %dma_wait3A_60 = arith.constant 256 : i32
    %dma_wait3A_61 = arith.constant 0 : i32
    %dma_wait3A_62 = tpu.memref_slice %arg6[%dma_wait3A_60, %dma_wait3A_61] : memref<512x32xf32, #tpu.memory_space<vmem>> -> memref<128x32xf32, #tpu.memory_space<vmem>>
    %dma_wait3A_63 = arith.constant 0 : i32
    %dma_wait3A_64 = tpu.memref_slice %arg5[%dma_wait3A_59, %dma_wait3A_63] : memref<4x128xi32, #tpu.memory_space<vmem>> -> memref<1x128xi32, #tpu.memory_space<vmem>>
    %dma_wait3A_65 = tpu.memref_squeeze %dma_wait3A_64 : memref<1x128xi32, #tpu.memory_space<vmem>> -> memref<128xi32, #tpu.memory_space<vmem>>
    %dma_wait3A_66 = arith.constant 0 : i32
    %dma_wait3A_67 = arith.constant 0 : i32
    %dma_wait3A_68 = tpu.memref_slice %arg2[%dma_wait3A_66, %dma_wait3A_67] : memref<2048x32xf32, #tpu.memory_space<hbm>> -> memref<2048x32xf32, #tpu.memory_space<hbm>>
    tpu.wait_indirect_dma semaphore(%arg7 : memref<!tpu.dma_semaphore, #tpu.memory_space<semaphore_mem>>) src(%dma_wait3A_68 : memref<2048x32xf32, #tpu.memory_space<hbm>>) dst(%dma_wait3A_62 : memref<128x32xf32, #tpu.memory_space<vmem>>)
    %dma_wait3A_69 = arith.constant 3 : i32
    %dma_wait3A_70 = arith.constant 384 : i32
    %dma_wait3A_71 = arith.constant 0 : i32
    %dma_wait3A_72 = tpu.memref_slice %arg6[%dma_wait3A_70, %dma_wait3A_71] : memref<512x32xf32, #tpu.memory_space<vmem>> -> memref<128x32xf32, #tpu.memory_space<vmem>>
    %dma_wait3A_73 = arith.constant 0 : i32
    %dma_wait3A_74 = tpu.memref_slice %arg5[%dma_wait3A_69, %dma_wait3A_73] : memref<4x128xi32, #tpu.memory_space<vmem>> -> memref<1x128xi32, #tpu.memory_space<vmem>>
    %dma_wait3A_75 = tpu.memref_squeeze %dma_wait3A_74 : memref<1x128xi32, #tpu.memory_space<vmem>> -> memref<128xi32, #tpu.memory_space<vmem>>
    %dma_wait3A_76 = arith.constant 0 : i32
    %dma_wait3A_77 = arith.constant 0 : i32
    %dma_wait3A_78 = tpu.memref_slice %arg2[%dma_wait3A_76, %dma_wait3A_77] : memref<2048x32xf32, #tpu.memory_space<hbm>> -> memref<2048x32xf32, #tpu.memory_space<hbm>>
    tpu.wait_indirect_dma semaphore(%arg7 : memref<!tpu.dma_semaphore, #tpu.memory_space<semaphore_mem>>) src(%dma_wait3A_78 : memref<2048x32xf32, #tpu.memory_space<hbm>>) dst(%dma_wait3A_72 : memref<128x32xf32, #tpu.memory_space<vmem>>)
    %mul3A_79 = arith.constant 512 : i32
    %mul3A_80 = arith.muli %add3A, %mul3A_79 : i32
    "tpu.region"() ({
      %run_scoped3A = tpu.sem_alloc : memref<!tpu.dma_semaphore, #tpu.memory_space<semaphore_mem>>
      %dma_start3A_81 = arith.constant 0 : i32
      %dma_start3A_82 = tpu.memref_slice %arg4[%mul3A_80, %dma_start3A_81] : memref<16384x32xf32, #tpu.memory_space<hbm>> -> memref<512x32xf32, #tpu.memory_space<hbm>>
      %dma_start3A_83 = arith.constant 0 : i32
      %dma_start3A_84 = tpu.memref_slice %arg4[%mul3A_80, %dma_start3A_83] : memref<16384x32xf32, #tpu.memory_space<hbm>> -> memref<512x32xf32, #tpu.memory_space<hbm>>
      tpu.enqueue_dma source(%arg6 : memref<512x32xf32, #tpu.memory_space<vmem>>) target(%dma_start3A_84 : memref<512x32xf32, #tpu.memory_space<hbm>>) target_semaphore(%run_scoped3A : memref<!tpu.dma_semaphore, #tpu.memory_space<semaphore_mem>>)
      %dma_wait3A_85 = arith.constant 0 : i32
      %dma_wait3A_86 = tpu.memref_slice %arg4[%mul3A_80, %dma_wait3A_85] : memref<16384x32xf32, #tpu.memory_space<hbm>> -> memref<512x32xf32, #tpu.memory_space<hbm>>
      %dma_wait3A_87 = arith.constant 0 : i32
      %dma_wait3A_88 = tpu.memref_slice %arg4[%mul3A_80, %dma_wait3A_87] : memref<16384x32xf32, #tpu.memory_space<hbm>> -> memref<512x32xf32, #tpu.memory_space<hbm>>
      tpu.wait_dma2 semaphore(%run_scoped3A : memref<!tpu.dma_semaphore, #tpu.memory_space<semaphore_mem>>) src(%arg6 : memref<512x32xf32, #tpu.memory_space<vmem>>) dst(%dma_wait3A_88 : memref<512x32xf32, #tpu.memory_space<hbm>>)
      tpu.yield
    }) : () -> ()
    return
  }
}

#map = affine_map<(d0, d1) -> (0, 0)>
#map1 = affine_map<(d0, d1) -> (0, 0, 0)>
module attributes {stable_mosaic.version = 14 : i64} {
  func.func @_sc_gather_body(%arg0: i32, %arg1: i32, %arg2: memref<2048x32xf32, #tpu.memory_space<hbm>>, %arg3: memref<32x4x128xi32, #tpu.memory_space<hbm>>, %arg4: memref<16384x32xf32, #tpu.memory_space<hbm>>, %arg5: memref<4x128xi32, #tpu.memory_space<vmem>>, %arg6: memref<512x32xf32, #tpu.memory_space<vmem>>, %arg7: memref<!tpu.dma_semaphore, #tpu.memory_space<semaphore_mem>>) attributes {dimension_semantics = [#tpu.dimension_semantics<core_parallel>, #tpu.dimension_semantics<subcore_parallel>], iteration_bounds = array<i64: 2, 16>, scalar_prefetch = 0 : i64, scratch_operands = 3 : i64, tpu.core_type = #tpu.core_type<sc_vector_subcore>, window_params = [{transform_indices = #map}, {transform_indices = #map1}, {transform_indices = #map}]} {
    %mul3A = arith.constant 2 : i32
    %mul3A_0 = arith.muli %arg1, %mul3A : i32
    %add3A = arith.addi %mul3A_0, %arg0 : i32
    "tpu.region"() ({
      %run_scoped3A = tpu.sem_alloc : memref<!tpu.dma_semaphore, #tpu.memory_space<semaphore_mem>>
      %dma_start3A_81 = arith.constant 0 : i32
      %dma_start3A_82 = arith.constant 0 : i32
      %dma_start3A_83 = tpu.memref_slice %arg3[%add3A, %dma_start3A_81, %dma_start3A_82] : memref<32x4x128xi32, #tpu.memory_space<hbm>> -> memref<1x4x128xi32, #tpu.memory_space<hbm>>
      %dma_start3A_84 = tpu.memref_squeeze %dma_start3A_83 : memref<1x4x128xi32, #tpu.memory_space<hbm>> -> memref<4x128xi32, #tpu.memory_space<hbm>>
      %dma_start3A_85 = arith.constant 0 : i32
      %dma_start3A_86 = arith.constant 0 : i32
      %dma_start3A_87 = tpu.memref_slice %arg3[%add3A, %dma_start3A_85, %dma_start3A_86] : memref<32x4x128xi32, #tpu.memory_space<hbm>> -> memref<1x4x128xi32, #tpu.memory_space<hbm>>
      %dma_start3A_88 = tpu.memref_squeeze %dma_start3A_87 : memref<1x4x128xi32, #tpu.memory_space<hbm>> -> memref<4x128xi32, #tpu.memory_space<hbm>>
      tpu.enqueue_dma source(%dma_start3A_88 : memref<4x128xi32, #tpu.memory_space<hbm>>) target(%arg5 : memref<4x128xi32, #tpu.memory_space<vmem>>) target_semaphore(%run_scoped3A : memref<!tpu.dma_semaphore, #tpu.memory_space<semaphore_mem>>)
      %dma_wait3A_89 = arith.constant 0 : i32
      %dma_wait3A_90 = arith.constant 0 : i32
      %dma_wait3A_91 = tpu.memref_slice %arg3[%add3A, %dma_wait3A_89, %dma_wait3A_90] : memref<32x4x128xi32, #tpu.memory_space<hbm>> -> memref<1x4x128xi32, #tpu.memory_space<hbm>>
      %dma_wait3A_92 = tpu.memref_squeeze %dma_wait3A_91 : memref<1x4x128xi32, #tpu.memory_space<hbm>> -> memref<4x128xi32, #tpu.memory_space<hbm>>
      %dma_wait3A_93 = arith.constant 0 : i32
      %dma_wait3A_94 = arith.constant 0 : i32
      %dma_wait3A_95 = tpu.memref_slice %arg3[%add3A, %dma_wait3A_93, %dma_wait3A_94] : memref<32x4x128xi32, #tpu.memory_space<hbm>> -> memref<1x4x128xi32, #tpu.memory_space<hbm>>
      %dma_wait3A_96 = tpu.memref_squeeze %dma_wait3A_95 : memref<1x4x128xi32, #tpu.memory_space<hbm>> -> memref<4x128xi32, #tpu.memory_space<hbm>>
      tpu.wait_dma2 semaphore(%run_scoped3A : memref<!tpu.dma_semaphore, #tpu.memory_space<semaphore_mem>>) src(%dma_wait3A_96 : memref<4x128xi32, #tpu.memory_space<hbm>>) dst(%arg5 : memref<4x128xi32, #tpu.memory_space<vmem>>)
      tpu.yield
    }) : () -> ()
    %dma_start3A = arith.constant 0 : i32
    %dma_start3A_1 = arith.constant 0 : i32
    %dma_start3A_2 = arith.constant 0 : i32
    %dma_start3A_3 = tpu.memref_slice %arg6[%dma_start3A_1, %dma_start3A_2] : memref<512x32xf32, #tpu.memory_space<vmem>> -> memref<128x32xf32, #tpu.memory_space<vmem>>
    %dma_start3A_4 = arith.constant 0 : i32
    %dma_start3A_5 = tpu.memref_slice %arg5[%dma_start3A, %dma_start3A_4] : memref<4x128xi32, #tpu.memory_space<vmem>> -> memref<1x128xi32, #tpu.memory_space<vmem>>
    %dma_start3A_6 = tpu.memref_squeeze %dma_start3A_5 : memref<1x128xi32, #tpu.memory_space<vmem>> -> memref<128xi32, #tpu.memory_space<vmem>>
    %dma_start3A_7 = arith.constant 0 : i32
    %dma_start3A_8 = arith.constant 0 : i32
    %dma_start3A_9 = tpu.memref_slice %arg2[%dma_start3A_7, %dma_start3A_8] : memref<2048x32xf32, #tpu.memory_space<hbm>> -> memref<2048x32xf32, #tpu.memory_space<hbm>>
    tpu.enqueue_indirect_dma source(%dma_start3A_9 : memref<2048x32xf32, #tpu.memory_space<hbm>>) target(%dma_start3A_3 : memref<128x32xf32, #tpu.memory_space<vmem>>) offsets(%dma_start3A_6 : memref<128xi32, #tpu.memory_space<vmem>>) semaphore(%arg7 : memref<!tpu.dma_semaphore, #tpu.memory_space<semaphore_mem>>)
    %dma_start3A_10 = arith.constant 1 : i32
    %dma_start3A_11 = arith.constant 128 : i32
    %dma_start3A_12 = arith.constant 0 : i32
    %dma_start3A_13 = tpu.memref_slice %arg6[%dma_start3A_11, %dma_start3A_12] : memref<512x32xf32, #tpu.memory_space<vmem>> -> memref<128x32xf32, #tpu.memory_space<vmem>>
    %dma_start3A_14 = arith.constant 0 : i32
    %dma_start3A_15 = tpu.memref_slice %arg5[%dma_start3A_10, %dma_start3A_14] : memref<4x128xi32, #tpu.memory_space<vmem>> -> memref<1x128xi32, #tpu.memory_space<vmem>>
    %dma_start3A_16 = tpu.memref_squeeze %dma_start3A_15 : memref<1x128xi32, #tpu.memory_space<vmem>> -> memref<128xi32, #tpu.memory_space<vmem>>
    %dma_start3A_17 = arith.constant 0 : i32
    %dma_start3A_18 = arith.constant 0 : i32
    %dma_start3A_19 = tpu.memref_slice %arg2[%dma_start3A_17, %dma_start3A_18] : memref<2048x32xf32, #tpu.memory_space<hbm>> -> memref<2048x32xf32, #tpu.memory_space<hbm>>
    tpu.enqueue_indirect_dma source(%dma_start3A_19 : memref<2048x32xf32, #tpu.memory_space<hbm>>) target(%dma_start3A_13 : memref<128x32xf32, #tpu.memory_space<vmem>>) offsets(%dma_start3A_16 : memref<128xi32, #tpu.memory_space<vmem>>) semaphore(%arg7 : memref<!tpu.dma_semaphore, #tpu.memory_space<semaphore_mem>>)
    %dma_start3A_20 = arith.constant 2 : i32
    %dma_start3A_21 = arith.constant 256 : i32
    %dma_start3A_22 = arith.constant 0 : i32
    %dma_start3A_23 = tpu.memref_slice %arg6[%dma_start3A_21, %dma_start3A_22] : memref<512x32xf32, #tpu.memory_space<vmem>> -> memref<128x32xf32, #tpu.memory_space<vmem>>
    %dma_start3A_24 = arith.constant 0 : i32
    %dma_start3A_25 = tpu.memref_slice %arg5[%dma_start3A_20, %dma_start3A_24] : memref<4x128xi32, #tpu.memory_space<vmem>> -> memref<1x128xi32, #tpu.memory_space<vmem>>
    %dma_start3A_26 = tpu.memref_squeeze %dma_start3A_25 : memref<1x128xi32, #tpu.memory_space<vmem>> -> memref<128xi32, #tpu.memory_space<vmem>>
    %dma_start3A_27 = arith.constant 0 : i32
    %dma_start3A_28 = arith.constant 0 : i32
    %dma_start3A_29 = tpu.memref_slice %arg2[%dma_start3A_27, %dma_start3A_28] : memref<2048x32xf32, #tpu.memory_space<hbm>> -> memref<2048x32xf32, #tpu.memory_space<hbm>>
    tpu.enqueue_indirect_dma source(%dma_start3A_29 : memref<2048x32xf32, #tpu.memory_space<hbm>>) target(%dma_start3A_23 : memref<128x32xf32, #tpu.memory_space<vmem>>) offsets(%dma_start3A_26 : memref<128xi32, #tpu.memory_space<vmem>>) semaphore(%arg7 : memref<!tpu.dma_semaphore, #tpu.memory_space<semaphore_mem>>)
    %dma_start3A_30 = arith.constant 3 : i32
    %dma_start3A_31 = arith.constant 384 : i32
    %dma_start3A_32 = arith.constant 0 : i32
    %dma_start3A_33 = tpu.memref_slice %arg6[%dma_start3A_31, %dma_start3A_32] : memref<512x32xf32, #tpu.memory_space<vmem>> -> memref<128x32xf32, #tpu.memory_space<vmem>>
    %dma_start3A_34 = arith.constant 0 : i32
    %dma_start3A_35 = tpu.memref_slice %arg5[%dma_start3A_30, %dma_start3A_34] : memref<4x128xi32, #tpu.memory_space<vmem>> -> memref<1x128xi32, #tpu.memory_space<vmem>>
    %dma_start3A_36 = tpu.memref_squeeze %dma_start3A_35 : memref<1x128xi32, #tpu.memory_space<vmem>> -> memref<128xi32, #tpu.memory_space<vmem>>
    %dma_start3A_37 = arith.constant 0 : i32
    %dma_start3A_38 = arith.constant 0 : i32
    %dma_start3A_39 = tpu.memref_slice %arg2[%dma_start3A_37, %dma_start3A_38] : memref<2048x32xf32, #tpu.memory_space<hbm>> -> memref<2048x32xf32, #tpu.memory_space<hbm>>
    tpu.enqueue_indirect_dma source(%dma_start3A_39 : memref<2048x32xf32, #tpu.memory_space<hbm>>) target(%dma_start3A_33 : memref<128x32xf32, #tpu.memory_space<vmem>>) offsets(%dma_start3A_36 : memref<128xi32, #tpu.memory_space<vmem>>) semaphore(%arg7 : memref<!tpu.dma_semaphore, #tpu.memory_space<semaphore_mem>>)
    %dma_wait3A = arith.constant 0 : i32
    %dma_wait3A_40 = arith.constant 0 : i32
    %dma_wait3A_41 = arith.constant 0 : i32
    %dma_wait3A_42 = tpu.memref_slice %arg6[%dma_wait3A_40, %dma_wait3A_41] : memref<512x32xf32, #tpu.memory_space<vmem>> -> memref<128x32xf32, #tpu.memory_space<vmem>>
    %dma_wait3A_43 = arith.constant 0 : i32
    %dma_wait3A_44 = tpu.memref_slice %arg5[%dma_wait3A, %dma_wait3A_43] : memref<4x128xi32, #tpu.memory_space<vmem>> -> memref<1x128xi32, #tpu.memory_space<vmem>>
    %dma_wait3A_45 = tpu.memref_squeeze %dma_wait3A_44 : memref<1x128xi32, #tpu.memory_space<vmem>> -> memref<128xi32, #tpu.memory_space<vmem>>
    %dma_wait3A_46 = arith.constant 0 : i32
    %dma_wait3A_47 = arith.constant 0 : i32
    %dma_wait3A_48 = tpu.memref_slice %arg2[%dma_wait3A_46, %dma_wait3A_47] : memref<2048x32xf32, #tpu.memory_space<hbm>> -> memref<2048x32xf32, #tpu.memory_space<hbm>>
    tpu.wait_indirect_dma semaphore(%arg7 : memref<!tpu.dma_semaphore, #tpu.memory_space<semaphore_mem>>) src(%dma_wait3A_48 : memref<2048x32xf32, #tpu.memory_space<hbm>>) dst(%dma_wait3A_42 : memref<128x32xf32, #tpu.memory_space<vmem>>)
    %dma_wait3A_49 = arith.constant 1 : i32
    %dma_wait3A_50 = arith.constant 128 : i32
    %dma_wait3A_51 = arith.constant 0 : i32
    %dma_wait3A_52 = tpu.memref_slice %arg6[%dma_wait3A_50, %dma_wait3A_51] : memref<512x32xf32, #tpu.memory_space<vmem>> -> memref<128x32xf32, #tpu.memory_space<vmem>>
    %dma_wait3A_53 = arith.constant 0 : i32
    %dma_wait3A_54 = tpu.memref_slice %arg5[%dma_wait3A_49, %dma_wait3A_53] : memref<4x128xi32, #tpu.memory_space<vmem>> -> memref<1x128xi32, #tpu.memory_space<vmem>>
    %dma_wait3A_55 = tpu.memref_squeeze %dma_wait3A_54 : memref<1x128xi32, #tpu.memory_space<vmem>> -> memref<128xi32, #tpu.memory_space<vmem>>
    %dma_wait3A_56 = arith.constant 0 : i32
    %dma_wait3A_57 = arith.constant 0 : i32
    %dma_wait3A_58 = tpu.memref_slice %arg2[%dma_wait3A_56, %dma_wait3A_57] : memref<2048x32xf32, #tpu.memory_space<hbm>> -> memref<2048x32xf32, #tpu.memory_space<hbm>>
    tpu.wait_indirect_dma semaphore(%arg7 : memref<!tpu.dma_semaphore, #tpu.memory_space<semaphore_mem>>) src(%dma_wait3A_58 : memref<2048x32xf32, #tpu.memory_space<hbm>>) dst(%dma_wait3A_52 : memref<128x32xf32, #tpu.memory_space<vmem>>)
    %dma_wait3A_59 = arith.constant 2 : i32
    %dma_wait3A_60 = arith.constant 256 : i32
    %dma_wait3A_61 = arith.constant 0 : i32
    %dma_wait3A_62 = tpu.memref_slice %arg6[%dma_wait3A_60, %dma_wait3A_61] : memref<512x32xf32, #tpu.memory_space<vmem>> -> memref<128x32xf32, #tpu.memory_space<vmem>>
    %dma_wait3A_63 = arith.constant 0 : i32
    %dma_wait3A_64 = tpu.memref_slice %arg5[%dma_wait3A_59, %dma_wait3A_63] : memref<4x128xi32, #tpu.memory_space<vmem>> -> memref<1x128xi32, #tpu.memory_space<vmem>>
    %dma_wait3A_65 = tpu.memref_squeeze %dma_wait3A_64 : memref<1x128xi32, #tpu.memory_space<vmem>> -> memref<128xi32, #tpu.memory_space<vmem>>
    %dma_wait3A_66 = arith.constant 0 : i32
    %dma_wait3A_67 = arith.constant 0 : i32
    %dma_wait3A_68 = tpu.memref_slice %arg2[%dma_wait3A_66, %dma_wait3A_67] : memref<2048x32xf32, #tpu.memory_space<hbm>> -> memref<2048x32xf32, #tpu.memory_space<hbm>>
    tpu.wait_indirect_dma semaphore(%arg7 : memref<!tpu.dma_semaphore, #tpu.memory_space<semaphore_mem>>) src(%dma_wait3A_68 : memref<2048x32xf32, #tpu.memory_space<hbm>>) dst(%dma_wait3A_62 : memref<128x32xf32, #tpu.memory_space<vmem>>)
    %dma_wait3A_69 = arith.constant 3 : i32
    %dma_wait3A_70 = arith.constant 384 : i32
    %dma_wait3A_71 = arith.constant 0 : i32
    %dma_wait3A_72 = tpu.memref_slice %arg6[%dma_wait3A_70, %dma_wait3A_71] : memref<512x32xf32, #tpu.memory_space<vmem>> -> memref<128x32xf32, #tpu.memory_space<vmem>>
    %dma_wait3A_73 = arith.constant 0 : i32
    %dma_wait3A_74 = tpu.memref_slice %arg5[%dma_wait3A_69, %dma_wait3A_73] : memref<4x128xi32, #tpu.memory_space<vmem>> -> memref<1x128xi32, #tpu.memory_space<vmem>>
    %dma_wait3A_75 = tpu.memref_squeeze %dma_wait3A_74 : memref<1x128xi32, #tpu.memory_space<vmem>> -> memref<128xi32, #tpu.memory_space<vmem>>
    %dma_wait3A_76 = arith.constant 0 : i32
    %dma_wait3A_77 = arith.constant 0 : i32
    %dma_wait3A_78 = tpu.memref_slice %arg2[%dma_wait3A_76, %dma_wait3A_77] : memref<2048x32xf32, #tpu.memory_space<hbm>> -> memref<2048x32xf32, #tpu.memory_space<hbm>>
    tpu.wait_indirect_dma semaphore(%arg7 : memref<!tpu.dma_semaphore, #tpu.memory_space<semaphore_mem>>) src(%dma_wait3A_78 : memref<2048x32xf32, #tpu.memory_space<hbm>>) dst(%dma_wait3A_72 : memref<128x32xf32, #tpu.memory_space<vmem>>)
    %mul3A_79 = arith.constant 512 : i32
    %mul3A_80 = arith.muli %add3A, %mul3A_79 : i32
    "tpu.region"() ({
      %run_scoped3A = tpu.sem_alloc : memref<!tpu.dma_semaphore, #tpu.memory_space<semaphore_mem>>
      %dma_start3A_81 = arith.constant 0 : i32
      %dma_start3A_82 = tpu.memref_slice %arg4[%mul3A_80, %dma_start3A_81] : memref<16384x32xf32, #tpu.memory_space<hbm>> -> memref<512x32xf32, #tpu.memory_space<hbm>>
      %dma_start3A_83 = arith.constant 0 : i32
      %dma_start3A_84 = tpu.memref_slice %arg4[%mul3A_80, %dma_start3A_83] : memref<16384x32xf32, #tpu.memory_space<hbm>> -> memref<512x32xf32, #tpu.memory_space<hbm>>
      tpu.enqueue_dma source(%arg6 : memref<512x32xf32, #tpu.memory_space<vmem>>) target(%dma_start3A_84 : memref<512x32xf32, #tpu.memory_space<hbm>>) target_semaphore(%run_scoped3A : memref<!tpu.dma_semaphore, #tpu.memory_space<semaphore_mem>>)
      %dma_wait3A_85 = arith.constant 0 : i32
      %dma_wait3A_86 = tpu.memref_slice %arg4[%mul3A_80, %dma_wait3A_85] : memref<16384x32xf32, #tpu.memory_space<hbm>> -> memref<512x32xf32, #tpu.memory_space<hbm>>
      %dma_wait3A_87 = arith.constant 0 : i32
      %dma_wait3A_88 = tpu.memref_slice %arg4[%mul3A_80, %dma_wait3A_87] : memref<16384x32xf32, #tpu.memory_space<hbm>> -> memref<512x32xf32, #tpu.memory_space<hbm>>
      tpu.wait_dma2 semaphore(%run_scoped3A : memref<!tpu.dma_semaphore, #tpu.memory_space<semaphore_mem>>) src(%arg6 : memref<512x32xf32, #tpu.memory_space<vmem>>) dst(%dma_wait3A_88 : memref<512x32xf32, #tpu.memory_space<hbm>>)
      tpu.yield
    }) : () -> ()
    return
  }
}

#map = affine_map<(d0, d1) -> (0, 0)>
#map1 = affine_map<(d0, d1) -> (0, 0, 0)>
module attributes {stable_mosaic.version = 14 : i64} {
  func.func @_sc_gather_body(%arg0: i32, %arg1: i32, %arg2: memref<2048x32xf32, #tpu.memory_space<hbm>>, %arg3: memref<32x4x128xi32, #tpu.memory_space<hbm>>, %arg4: memref<16384x32xf32, #tpu.memory_space<hbm>>, %arg5: memref<4x128xi32, #tpu.memory_space<vmem>>, %arg6: memref<512x32xf32, #tpu.memory_space<vmem>>, %arg7: memref<!tpu.dma_semaphore, #tpu.memory_space<semaphore_mem>>) attributes {dimension_semantics = [#tpu.dimension_semantics<core_parallel>, #tpu.dimension_semantics<subcore_parallel>], iteration_bounds = array<i64: 2, 16>, scalar_prefetch = 0 : i64, scratch_operands = 3 : i64, tpu.core_type = #tpu.core_type<sc_vector_subcore>, window_params = [{transform_indices = #map}, {transform_indices = #map1}, {transform_indices = #map}]} {
    %mul3A = arith.constant 2 : i32
    %mul3A_0 = arith.muli %arg1, %mul3A : i32
    %add3A = arith.addi %mul3A_0, %arg0 : i32
    "tpu.region"() ({
      %run_scoped3A = tpu.sem_alloc : memref<!tpu.dma_semaphore, #tpu.memory_space<semaphore_mem>>
      %dma_start3A_81 = arith.constant 0 : i32
      %dma_start3A_82 = arith.constant 0 : i32
      %dma_start3A_83 = tpu.memref_slice %arg3[%add3A, %dma_start3A_81, %dma_start3A_82] : memref<32x4x128xi32, #tpu.memory_space<hbm>> -> memref<1x4x128xi32, #tpu.memory_space<hbm>>
      %dma_start3A_84 = tpu.memref_squeeze %dma_start3A_83 : memref<1x4x128xi32, #tpu.memory_space<hbm>> -> memref<4x128xi32, #tpu.memory_space<hbm>>
      %dma_start3A_85 = arith.constant 0 : i32
      %dma_start3A_86 = arith.constant 0 : i32
      %dma_start3A_87 = tpu.memref_slice %arg3[%add3A, %dma_start3A_85, %dma_start3A_86] : memref<32x4x128xi32, #tpu.memory_space<hbm>> -> memref<1x4x128xi32, #tpu.memory_space<hbm>>
      %dma_start3A_88 = tpu.memref_squeeze %dma_start3A_87 : memref<1x4x128xi32, #tpu.memory_space<hbm>> -> memref<4x128xi32, #tpu.memory_space<hbm>>
      tpu.enqueue_dma source(%dma_start3A_88 : memref<4x128xi32, #tpu.memory_space<hbm>>) target(%arg5 : memref<4x128xi32, #tpu.memory_space<vmem>>) target_semaphore(%run_scoped3A : memref<!tpu.dma_semaphore, #tpu.memory_space<semaphore_mem>>)
      %dma_wait3A_89 = arith.constant 0 : i32
      %dma_wait3A_90 = arith.constant 0 : i32
      %dma_wait3A_91 = tpu.memref_slice %arg3[%add3A, %dma_wait3A_89, %dma_wait3A_90] : memref<32x4x128xi32, #tpu.memory_space<hbm>> -> memref<1x4x128xi32, #tpu.memory_space<hbm>>
      %dma_wait3A_92 = tpu.memref_squeeze %dma_wait3A_91 : memref<1x4x128xi32, #tpu.memory_space<hbm>> -> memref<4x128xi32, #tpu.memory_space<hbm>>
      %dma_wait3A_93 = arith.constant 0 : i32
      %dma_wait3A_94 = arith.constant 0 : i32
      %dma_wait3A_95 = tpu.memref_slice %arg3[%add3A, %dma_wait3A_93, %dma_wait3A_94] : memref<32x4x128xi32, #tpu.memory_space<hbm>> -> memref<1x4x128xi32, #tpu.memory_space<hbm>>
      %dma_wait3A_96 = tpu.memref_squeeze %dma_wait3A_95 : memref<1x4x128xi32, #tpu.memory_space<hbm>> -> memref<4x128xi32, #tpu.memory_space<hbm>>
      tpu.wait_dma2 semaphore(%run_scoped3A : memref<!tpu.dma_semaphore, #tpu.memory_space<semaphore_mem>>) src(%dma_wait3A_96 : memref<4x128xi32, #tpu.memory_space<hbm>>) dst(%arg5 : memref<4x128xi32, #tpu.memory_space<vmem>>)
      tpu.yield
    }) : () -> ()
    %dma_start3A = arith.constant 0 : i32
    %dma_start3A_1 = arith.constant 0 : i32
    %dma_start3A_2 = arith.constant 0 : i32
    %dma_start3A_3 = tpu.memref_slice %arg6[%dma_start3A_1, %dma_start3A_2] : memref<512x32xf32, #tpu.memory_space<vmem>> -> memref<128x32xf32, #tpu.memory_space<vmem>>
    %dma_start3A_4 = arith.constant 0 : i32
    %dma_start3A_5 = tpu.memref_slice %arg5[%dma_start3A, %dma_start3A_4] : memref<4x128xi32, #tpu.memory_space<vmem>> -> memref<1x128xi32, #tpu.memory_space<vmem>>
    %dma_start3A_6 = tpu.memref_squeeze %dma_start3A_5 : memref<1x128xi32, #tpu.memory_space<vmem>> -> memref<128xi32, #tpu.memory_space<vmem>>
    %dma_start3A_7 = arith.constant 0 : i32
    %dma_start3A_8 = arith.constant 0 : i32
    %dma_start3A_9 = tpu.memref_slice %arg2[%dma_start3A_7, %dma_start3A_8] : memref<2048x32xf32, #tpu.memory_space<hbm>> -> memref<2048x32xf32, #tpu.memory_space<hbm>>
    tpu.enqueue_indirect_dma source(%dma_start3A_9 : memref<2048x32xf32, #tpu.memory_space<hbm>>) target(%dma_start3A_3 : memref<128x32xf32, #tpu.memory_space<vmem>>) offsets(%dma_start3A_6 : memref<128xi32, #tpu.memory_space<vmem>>) semaphore(%arg7 : memref<!tpu.dma_semaphore, #tpu.memory_space<semaphore_mem>>)
    %dma_start3A_10 = arith.constant 1 : i32
    %dma_start3A_11 = arith.constant 128 : i32
    %dma_start3A_12 = arith.constant 0 : i32
    %dma_start3A_13 = tpu.memref_slice %arg6[%dma_start3A_11, %dma_start3A_12] : memref<512x32xf32, #tpu.memory_space<vmem>> -> memref<128x32xf32, #tpu.memory_space<vmem>>
    %dma_start3A_14 = arith.constant 0 : i32
    %dma_start3A_15 = tpu.memref_slice %arg5[%dma_start3A_10, %dma_start3A_14] : memref<4x128xi32, #tpu.memory_space<vmem>> -> memref<1x128xi32, #tpu.memory_space<vmem>>
    %dma_start3A_16 = tpu.memref_squeeze %dma_start3A_15 : memref<1x128xi32, #tpu.memory_space<vmem>> -> memref<128xi32, #tpu.memory_space<vmem>>
    %dma_start3A_17 = arith.constant 0 : i32
    %dma_start3A_18 = arith.constant 0 : i32
    %dma_start3A_19 = tpu.memref_slice %arg2[%dma_start3A_17, %dma_start3A_18] : memref<2048x32xf32, #tpu.memory_space<hbm>> -> memref<2048x32xf32, #tpu.memory_space<hbm>>
    tpu.enqueue_indirect_dma source(%dma_start3A_19 : memref<2048x32xf32, #tpu.memory_space<hbm>>) target(%dma_start3A_13 : memref<128x32xf32, #tpu.memory_space<vmem>>) offsets(%dma_start3A_16 : memref<128xi32, #tpu.memory_space<vmem>>) semaphore(%arg7 : memref<!tpu.dma_semaphore, #tpu.memory_space<semaphore_mem>>)
    %dma_start3A_20 = arith.constant 2 : i32
    %dma_start3A_21 = arith.constant 256 : i32
    %dma_start3A_22 = arith.constant 0 : i32
    %dma_start3A_23 = tpu.memref_slice %arg6[%dma_start3A_21, %dma_start3A_22] : memref<512x32xf32, #tpu.memory_space<vmem>> -> memref<128x32xf32, #tpu.memory_space<vmem>>
    %dma_start3A_24 = arith.constant 0 : i32
    %dma_start3A_25 = tpu.memref_slice %arg5[%dma_start3A_20, %dma_start3A_24] : memref<4x128xi32, #tpu.memory_space<vmem>> -> memref<1x128xi32, #tpu.memory_space<vmem>>
    %dma_start3A_26 = tpu.memref_squeeze %dma_start3A_25 : memref<1x128xi32, #tpu.memory_space<vmem>> -> memref<128xi32, #tpu.memory_space<vmem>>
    %dma_start3A_27 = arith.constant 0 : i32
    %dma_start3A_28 = arith.constant 0 : i32
    %dma_start3A_29 = tpu.memref_slice %arg2[%dma_start3A_27, %dma_start3A_28] : memref<2048x32xf32, #tpu.memory_space<hbm>> -> memref<2048x32xf32, #tpu.memory_space<hbm>>
    tpu.enqueue_indirect_dma source(%dma_start3A_29 : memref<2048x32xf32, #tpu.memory_space<hbm>>) target(%dma_start3A_23 : memref<128x32xf32, #tpu.memory_space<vmem>>) offsets(%dma_start3A_26 : memref<128xi32, #tpu.memory_space<vmem>>) semaphore(%arg7 : memref<!tpu.dma_semaphore, #tpu.memory_space<semaphore_mem>>)
    %dma_start3A_30 = arith.constant 3 : i32
    %dma_start3A_31 = arith.constant 384 : i32
    %dma_start3A_32 = arith.constant 0 : i32
    %dma_start3A_33 = tpu.memref_slice %arg6[%dma_start3A_31, %dma_start3A_32] : memref<512x32xf32, #tpu.memory_space<vmem>> -> memref<128x32xf32, #tpu.memory_space<vmem>>
    %dma_start3A_34 = arith.constant 0 : i32
    %dma_start3A_35 = tpu.memref_slice %arg5[%dma_start3A_30, %dma_start3A_34] : memref<4x128xi32, #tpu.memory_space<vmem>> -> memref<1x128xi32, #tpu.memory_space<vmem>>
    %dma_start3A_36 = tpu.memref_squeeze %dma_start3A_35 : memref<1x128xi32, #tpu.memory_space<vmem>> -> memref<128xi32, #tpu.memory_space<vmem>>
    %dma_start3A_37 = arith.constant 0 : i32
    %dma_start3A_38 = arith.constant 0 : i32
    %dma_start3A_39 = tpu.memref_slice %arg2[%dma_start3A_37, %dma_start3A_38] : memref<2048x32xf32, #tpu.memory_space<hbm>> -> memref<2048x32xf32, #tpu.memory_space<hbm>>
    tpu.enqueue_indirect_dma source(%dma_start3A_39 : memref<2048x32xf32, #tpu.memory_space<hbm>>) target(%dma_start3A_33 : memref<128x32xf32, #tpu.memory_space<vmem>>) offsets(%dma_start3A_36 : memref<128xi32, #tpu.memory_space<vmem>>) semaphore(%arg7 : memref<!tpu.dma_semaphore, #tpu.memory_space<semaphore_mem>>)
    %dma_wait3A = arith.constant 0 : i32
    %dma_wait3A_40 = arith.constant 0 : i32
    %dma_wait3A_41 = arith.constant 0 : i32
    %dma_wait3A_42 = tpu.memref_slice %arg6[%dma_wait3A_40, %dma_wait3A_41] : memref<512x32xf32, #tpu.memory_space<vmem>> -> memref<128x32xf32, #tpu.memory_space<vmem>>
    %dma_wait3A_43 = arith.constant 0 : i32
    %dma_wait3A_44 = tpu.memref_slice %arg5[%dma_wait3A, %dma_wait3A_43] : memref<4x128xi32, #tpu.memory_space<vmem>> -> memref<1x128xi32, #tpu.memory_space<vmem>>
    %dma_wait3A_45 = tpu.memref_squeeze %dma_wait3A_44 : memref<1x128xi32, #tpu.memory_space<vmem>> -> memref<128xi32, #tpu.memory_space<vmem>>
    %dma_wait3A_46 = arith.constant 0 : i32
    %dma_wait3A_47 = arith.constant 0 : i32
    %dma_wait3A_48 = tpu.memref_slice %arg2[%dma_wait3A_46, %dma_wait3A_47] : memref<2048x32xf32, #tpu.memory_space<hbm>> -> memref<2048x32xf32, #tpu.memory_space<hbm>>
    tpu.wait_indirect_dma semaphore(%arg7 : memref<!tpu.dma_semaphore, #tpu.memory_space<semaphore_mem>>) src(%dma_wait3A_48 : memref<2048x32xf32, #tpu.memory_space<hbm>>) dst(%dma_wait3A_42 : memref<128x32xf32, #tpu.memory_space<vmem>>)
    %dma_wait3A_49 = arith.constant 1 : i32
    %dma_wait3A_50 = arith.constant 128 : i32
    %dma_wait3A_51 = arith.constant 0 : i32
    %dma_wait3A_52 = tpu.memref_slice %arg6[%dma_wait3A_50, %dma_wait3A_51] : memref<512x32xf32, #tpu.memory_space<vmem>> -> memref<128x32xf32, #tpu.memory_space<vmem>>
    %dma_wait3A_53 = arith.constant 0 : i32
    %dma_wait3A_54 = tpu.memref_slice %arg5[%dma_wait3A_49, %dma_wait3A_53] : memref<4x128xi32, #tpu.memory_space<vmem>> -> memref<1x128xi32, #tpu.memory_space<vmem>>
    %dma_wait3A_55 = tpu.memref_squeeze %dma_wait3A_54 : memref<1x128xi32, #tpu.memory_space<vmem>> -> memref<128xi32, #tpu.memory_space<vmem>>
    %dma_wait3A_56 = arith.constant 0 : i32
    %dma_wait3A_57 = arith.constant 0 : i32
    %dma_wait3A_58 = tpu.memref_slice %arg2[%dma_wait3A_56, %dma_wait3A_57] : memref<2048x32xf32, #tpu.memory_space<hbm>> -> memref<2048x32xf32, #tpu.memory_space<hbm>>
    tpu.wait_indirect_dma semaphore(%arg7 : memref<!tpu.dma_semaphore, #tpu.memory_space<semaphore_mem>>) src(%dma_wait3A_58 : memref<2048x32xf32, #tpu.memory_space<hbm>>) dst(%dma_wait3A_52 : memref<128x32xf32, #tpu.memory_space<vmem>>)
    %dma_wait3A_59 = arith.constant 2 : i32
    %dma_wait3A_60 = arith.constant 256 : i32
    %dma_wait3A_61 = arith.constant 0 : i32
    %dma_wait3A_62 = tpu.memref_slice %arg6[%dma_wait3A_60, %dma_wait3A_61] : memref<512x32xf32, #tpu.memory_space<vmem>> -> memref<128x32xf32, #tpu.memory_space<vmem>>
    %dma_wait3A_63 = arith.constant 0 : i32
    %dma_wait3A_64 = tpu.memref_slice %arg5[%dma_wait3A_59, %dma_wait3A_63] : memref<4x128xi32, #tpu.memory_space<vmem>> -> memref<1x128xi32, #tpu.memory_space<vmem>>
    %dma_wait3A_65 = tpu.memref_squeeze %dma_wait3A_64 : memref<1x128xi32, #tpu.memory_space<vmem>> -> memref<128xi32, #tpu.memory_space<vmem>>
    %dma_wait3A_66 = arith.constant 0 : i32
    %dma_wait3A_67 = arith.constant 0 : i32
    %dma_wait3A_68 = tpu.memref_slice %arg2[%dma_wait3A_66, %dma_wait3A_67] : memref<2048x32xf32, #tpu.memory_space<hbm>> -> memref<2048x32xf32, #tpu.memory_space<hbm>>
    tpu.wait_indirect_dma semaphore(%arg7 : memref<!tpu.dma_semaphore, #tpu.memory_space<semaphore_mem>>) src(%dma_wait3A_68 : memref<2048x32xf32, #tpu.memory_space<hbm>>) dst(%dma_wait3A_62 : memref<128x32xf32, #tpu.memory_space<vmem>>)
    %dma_wait3A_69 = arith.constant 3 : i32
    %dma_wait3A_70 = arith.constant 384 : i32
    %dma_wait3A_71 = arith.constant 0 : i32
    %dma_wait3A_72 = tpu.memref_slice %arg6[%dma_wait3A_70, %dma_wait3A_71] : memref<512x32xf32, #tpu.memory_space<vmem>> -> memref<128x32xf32, #tpu.memory_space<vmem>>
    %dma_wait3A_73 = arith.constant 0 : i32
    %dma_wait3A_74 = tpu.memref_slice %arg5[%dma_wait3A_69, %dma_wait3A_73] : memref<4x128xi32, #tpu.memory_space<vmem>> -> memref<1x128xi32, #tpu.memory_space<vmem>>
    %dma_wait3A_75 = tpu.memref_squeeze %dma_wait3A_74 : memref<1x128xi32, #tpu.memory_space<vmem>> -> memref<128xi32, #tpu.memory_space<vmem>>
    %dma_wait3A_76 = arith.constant 0 : i32
    %dma_wait3A_77 = arith.constant 0 : i32
    %dma_wait3A_78 = tpu.memref_slice %arg2[%dma_wait3A_76, %dma_wait3A_77] : memref<2048x32xf32, #tpu.memory_space<hbm>> -> memref<2048x32xf32, #tpu.memory_space<hbm>>
    tpu.wait_indirect_dma semaphore(%arg7 : memref<!tpu.dma_semaphore, #tpu.memory_space<semaphore_mem>>) src(%dma_wait3A_78 : memref<2048x32xf32, #tpu.memory_space<hbm>>) dst(%dma_wait3A_72 : memref<128x32xf32, #tpu.memory_space<vmem>>)
    %mul3A_79 = arith.constant 512 : i32
    %mul3A_80 = arith.muli %add3A, %mul3A_79 : i32
    "tpu.region"() ({
      %run_scoped3A = tpu.sem_alloc : memref<!tpu.dma_semaphore, #tpu.memory_space<semaphore_mem>>
      %dma_start3A_81 = arith.constant 0 : i32
      %dma_start3A_82 = tpu.memref_slice %arg4[%mul3A_80, %dma_start3A_81] : memref<16384x32xf32, #tpu.memory_space<hbm>> -> memref<512x32xf32, #tpu.memory_space<hbm>>
      %dma_start3A_83 = arith.constant 0 : i32
      %dma_start3A_84 = tpu.memref_slice %arg4[%mul3A_80, %dma_start3A_83] : memref<16384x32xf32, #tpu.memory_space<hbm>> -> memref<512x32xf32, #tpu.memory_space<hbm>>
      tpu.enqueue_dma source(%arg6 : memref<512x32xf32, #tpu.memory_space<vmem>>) target(%dma_start3A_84 : memref<512x32xf32, #tpu.memory_space<hbm>>) target_semaphore(%run_scoped3A : memref<!tpu.dma_semaphore, #tpu.memory_space<semaphore_mem>>)
      %dma_wait3A_85 = arith.constant 0 : i32
      %dma_wait3A_86 = tpu.memref_slice %arg4[%mul3A_80, %dma_wait3A_85] : memref<16384x32xf32, #tpu.memory_space<hbm>> -> memref<512x32xf32, #tpu.memory_space<hbm>>
      %dma_wait3A_87 = arith.constant 0 : i32
      %dma_wait3A_88 = tpu.memref_slice %arg4[%mul3A_80, %dma_wait3A_87] : memref<16384x32xf32, #tpu.memory_space<hbm>> -> memref<512x32xf32, #tpu.memory_space<hbm>>
      tpu.wait_dma2 semaphore(%run_scoped3A : memref<!tpu.dma_semaphore, #tpu.memory_space<semaphore_mem>>) src(%arg6 : memref<512x32xf32, #tpu.memory_space<vmem>>) dst(%dma_wait3A_88 : memref<512x32xf32, #tpu.memory_space<hbm>>)
      tpu.yield
    }) : () -> ()
    return
  }
}

#map = affine_map<(d0, d1) -> (0, 0)>
#map1 = affine_map<(d0, d1) -> (0, 0, 0)>
module attributes {stable_mosaic.version = 14 : i64} {
  func.func @_sc_gather_body(%arg0: i32, %arg1: i32, %arg2: memref<2048x32xf32, #tpu.memory_space<hbm>>, %arg3: memref<32x4x128xi32, #tpu.memory_space<hbm>>, %arg4: memref<16384x32xf32, #tpu.memory_space<hbm>>, %arg5: memref<4x128xi32, #tpu.memory_space<vmem>>, %arg6: memref<512x32xf32, #tpu.memory_space<vmem>>, %arg7: memref<!tpu.dma_semaphore, #tpu.memory_space<semaphore_mem>>) attributes {dimension_semantics = [#tpu.dimension_semantics<core_parallel>, #tpu.dimension_semantics<subcore_parallel>], iteration_bounds = array<i64: 2, 16>, scalar_prefetch = 0 : i64, scratch_operands = 3 : i64, tpu.core_type = #tpu.core_type<sc_vector_subcore>, window_params = [{transform_indices = #map}, {transform_indices = #map1}, {transform_indices = #map}]} {
    %mul3A = arith.constant 2 : i32
    %mul3A_0 = arith.muli %arg1, %mul3A : i32
    %add3A = arith.addi %mul3A_0, %arg0 : i32
    "tpu.region"() ({
      %run_scoped3A = tpu.sem_alloc : memref<!tpu.dma_semaphore, #tpu.memory_space<semaphore_mem>>
      %dma_start3A_81 = arith.constant 0 : i32
      %dma_start3A_82 = arith.constant 0 : i32
      %dma_start3A_83 = tpu.memref_slice %arg3[%add3A, %dma_start3A_81, %dma_start3A_82] : memref<32x4x128xi32, #tpu.memory_space<hbm>> -> memref<1x4x128xi32, #tpu.memory_space<hbm>>
      %dma_start3A_84 = tpu.memref_squeeze %dma_start3A_83 : memref<1x4x128xi32, #tpu.memory_space<hbm>> -> memref<4x128xi32, #tpu.memory_space<hbm>>
      %dma_start3A_85 = arith.constant 0 : i32
      %dma_start3A_86 = arith.constant 0 : i32
      %dma_start3A_87 = tpu.memref_slice %arg3[%add3A, %dma_start3A_85, %dma_start3A_86] : memref<32x4x128xi32, #tpu.memory_space<hbm>> -> memref<1x4x128xi32, #tpu.memory_space<hbm>>
      %dma_start3A_88 = tpu.memref_squeeze %dma_start3A_87 : memref<1x4x128xi32, #tpu.memory_space<hbm>> -> memref<4x128xi32, #tpu.memory_space<hbm>>
      tpu.enqueue_dma source(%dma_start3A_88 : memref<4x128xi32, #tpu.memory_space<hbm>>) target(%arg5 : memref<4x128xi32, #tpu.memory_space<vmem>>) target_semaphore(%run_scoped3A : memref<!tpu.dma_semaphore, #tpu.memory_space<semaphore_mem>>)
      %dma_wait3A_89 = arith.constant 0 : i32
      %dma_wait3A_90 = arith.constant 0 : i32
      %dma_wait3A_91 = tpu.memref_slice %arg3[%add3A, %dma_wait3A_89, %dma_wait3A_90] : memref<32x4x128xi32, #tpu.memory_space<hbm>> -> memref<1x4x128xi32, #tpu.memory_space<hbm>>
      %dma_wait3A_92 = tpu.memref_squeeze %dma_wait3A_91 : memref<1x4x128xi32, #tpu.memory_space<hbm>> -> memref<4x128xi32, #tpu.memory_space<hbm>>
      %dma_wait3A_93 = arith.constant 0 : i32
      %dma_wait3A_94 = arith.constant 0 : i32
      %dma_wait3A_95 = tpu.memref_slice %arg3[%add3A, %dma_wait3A_93, %dma_wait3A_94] : memref<32x4x128xi32, #tpu.memory_space<hbm>> -> memref<1x4x128xi32, #tpu.memory_space<hbm>>
      %dma_wait3A_96 = tpu.memref_squeeze %dma_wait3A_95 : memref<1x4x128xi32, #tpu.memory_space<hbm>> -> memref<4x128xi32, #tpu.memory_space<hbm>>
      tpu.wait_dma2 semaphore(%run_scoped3A : memref<!tpu.dma_semaphore, #tpu.memory_space<semaphore_mem>>) src(%dma_wait3A_96 : memref<4x128xi32, #tpu.memory_space<hbm>>) dst(%arg5 : memref<4x128xi32, #tpu.memory_space<vmem>>)
      tpu.yield
    }) : () -> ()
    %dma_start3A = arith.constant 0 : i32
    %dma_start3A_1 = arith.constant 0 : i32
    %dma_start3A_2 = arith.constant 0 : i32
    %dma_start3A_3 = tpu.memref_slice %arg6[%dma_start3A_1, %dma_start3A_2] : memref<512x32xf32, #tpu.memory_space<vmem>> -> memref<128x32xf32, #tpu.memory_space<vmem>>
    %dma_start3A_4 = arith.constant 0 : i32
    %dma_start3A_5 = tpu.memref_slice %arg5[%dma_start3A, %dma_start3A_4] : memref<4x128xi32, #tpu.memory_space<vmem>> -> memref<1x128xi32, #tpu.memory_space<vmem>>
    %dma_start3A_6 = tpu.memref_squeeze %dma_start3A_5 : memref<1x128xi32, #tpu.memory_space<vmem>> -> memref<128xi32, #tpu.memory_space<vmem>>
    %dma_start3A_7 = arith.constant 0 : i32
    %dma_start3A_8 = arith.constant 0 : i32
    %dma_start3A_9 = tpu.memref_slice %arg2[%dma_start3A_7, %dma_start3A_8] : memref<2048x32xf32, #tpu.memory_space<hbm>> -> memref<2048x32xf32, #tpu.memory_space<hbm>>
    tpu.enqueue_indirect_dma source(%dma_start3A_9 : memref<2048x32xf32, #tpu.memory_space<hbm>>) target(%dma_start3A_3 : memref<128x32xf32, #tpu.memory_space<vmem>>) offsets(%dma_start3A_6 : memref<128xi32, #tpu.memory_space<vmem>>) semaphore(%arg7 : memref<!tpu.dma_semaphore, #tpu.memory_space<semaphore_mem>>)
    %dma_start3A_10 = arith.constant 1 : i32
    %dma_start3A_11 = arith.constant 128 : i32
    %dma_start3A_12 = arith.constant 0 : i32
    %dma_start3A_13 = tpu.memref_slice %arg6[%dma_start3A_11, %dma_start3A_12] : memref<512x32xf32, #tpu.memory_space<vmem>> -> memref<128x32xf32, #tpu.memory_space<vmem>>
    %dma_start3A_14 = arith.constant 0 : i32
    %dma_start3A_15 = tpu.memref_slice %arg5[%dma_start3A_10, %dma_start3A_14] : memref<4x128xi32, #tpu.memory_space<vmem>> -> memref<1x128xi32, #tpu.memory_space<vmem>>
    %dma_start3A_16 = tpu.memref_squeeze %dma_start3A_15 : memref<1x128xi32, #tpu.memory_space<vmem>> -> memref<128xi32, #tpu.memory_space<vmem>>
    %dma_start3A_17 = arith.constant 0 : i32
    %dma_start3A_18 = arith.constant 0 : i32
    %dma_start3A_19 = tpu.memref_slice %arg2[%dma_start3A_17, %dma_start3A_18] : memref<2048x32xf32, #tpu.memory_space<hbm>> -> memref<2048x32xf32, #tpu.memory_space<hbm>>
    tpu.enqueue_indirect_dma source(%dma_start3A_19 : memref<2048x32xf32, #tpu.memory_space<hbm>>) target(%dma_start3A_13 : memref<128x32xf32, #tpu.memory_space<vmem>>) offsets(%dma_start3A_16 : memref<128xi32, #tpu.memory_space<vmem>>) semaphore(%arg7 : memref<!tpu.dma_semaphore, #tpu.memory_space<semaphore_mem>>)
    %dma_start3A_20 = arith.constant 2 : i32
    %dma_start3A_21 = arith.constant 256 : i32
    %dma_start3A_22 = arith.constant 0 : i32
    %dma_start3A_23 = tpu.memref_slice %arg6[%dma_start3A_21, %dma_start3A_22] : memref<512x32xf32, #tpu.memory_space<vmem>> -> memref<128x32xf32, #tpu.memory_space<vmem>>
    %dma_start3A_24 = arith.constant 0 : i32
    %dma_start3A_25 = tpu.memref_slice %arg5[%dma_start3A_20, %dma_start3A_24] : memref<4x128xi32, #tpu.memory_space<vmem>> -> memref<1x128xi32, #tpu.memory_space<vmem>>
    %dma_start3A_26 = tpu.memref_squeeze %dma_start3A_25 : memref<1x128xi32, #tpu.memory_space<vmem>> -> memref<128xi32, #tpu.memory_space<vmem>>
    %dma_start3A_27 = arith.constant 0 : i32
    %dma_start3A_28 = arith.constant 0 : i32
    %dma_start3A_29 = tpu.memref_slice %arg2[%dma_start3A_27, %dma_start3A_28] : memref<2048x32xf32, #tpu.memory_space<hbm>> -> memref<2048x32xf32, #tpu.memory_space<hbm>>
    tpu.enqueue_indirect_dma source(%dma_start3A_29 : memref<2048x32xf32, #tpu.memory_space<hbm>>) target(%dma_start3A_23 : memref<128x32xf32, #tpu.memory_space<vmem>>) offsets(%dma_start3A_26 : memref<128xi32, #tpu.memory_space<vmem>>) semaphore(%arg7 : memref<!tpu.dma_semaphore, #tpu.memory_space<semaphore_mem>>)
    %dma_start3A_30 = arith.constant 3 : i32
    %dma_start3A_31 = arith.constant 384 : i32
    %dma_start3A_32 = arith.constant 0 : i32
    %dma_start3A_33 = tpu.memref_slice %arg6[%dma_start3A_31, %dma_start3A_32] : memref<512x32xf32, #tpu.memory_space<vmem>> -> memref<128x32xf32, #tpu.memory_space<vmem>>
    %dma_start3A_34 = arith.constant 0 : i32
    %dma_start3A_35 = tpu.memref_slice %arg5[%dma_start3A_30, %dma_start3A_34] : memref<4x128xi32, #tpu.memory_space<vmem>> -> memref<1x128xi32, #tpu.memory_space<vmem>>
    %dma_start3A_36 = tpu.memref_squeeze %dma_start3A_35 : memref<1x128xi32, #tpu.memory_space<vmem>> -> memref<128xi32, #tpu.memory_space<vmem>>
    %dma_start3A_37 = arith.constant 0 : i32
    %dma_start3A_38 = arith.constant 0 : i32
    %dma_start3A_39 = tpu.memref_slice %arg2[%dma_start3A_37, %dma_start3A_38] : memref<2048x32xf32, #tpu.memory_space<hbm>> -> memref<2048x32xf32, #tpu.memory_space<hbm>>
    tpu.enqueue_indirect_dma source(%dma_start3A_39 : memref<2048x32xf32, #tpu.memory_space<hbm>>) target(%dma_start3A_33 : memref<128x32xf32, #tpu.memory_space<vmem>>) offsets(%dma_start3A_36 : memref<128xi32, #tpu.memory_space<vmem>>) semaphore(%arg7 : memref<!tpu.dma_semaphore, #tpu.memory_space<semaphore_mem>>)
    %dma_wait3A = arith.constant 0 : i32
    %dma_wait3A_40 = arith.constant 0 : i32
    %dma_wait3A_41 = arith.constant 0 : i32
    %dma_wait3A_42 = tpu.memref_slice %arg6[%dma_wait3A_40, %dma_wait3A_41] : memref<512x32xf32, #tpu.memory_space<vmem>> -> memref<128x32xf32, #tpu.memory_space<vmem>>
    %dma_wait3A_43 = arith.constant 0 : i32
    %dma_wait3A_44 = tpu.memref_slice %arg5[%dma_wait3A, %dma_wait3A_43] : memref<4x128xi32, #tpu.memory_space<vmem>> -> memref<1x128xi32, #tpu.memory_space<vmem>>
    %dma_wait3A_45 = tpu.memref_squeeze %dma_wait3A_44 : memref<1x128xi32, #tpu.memory_space<vmem>> -> memref<128xi32, #tpu.memory_space<vmem>>
    %dma_wait3A_46 = arith.constant 0 : i32
    %dma_wait3A_47 = arith.constant 0 : i32
    %dma_wait3A_48 = tpu.memref_slice %arg2[%dma_wait3A_46, %dma_wait3A_47] : memref<2048x32xf32, #tpu.memory_space<hbm>> -> memref<2048x32xf32, #tpu.memory_space<hbm>>
    tpu.wait_indirect_dma semaphore(%arg7 : memref<!tpu.dma_semaphore, #tpu.memory_space<semaphore_mem>>) src(%dma_wait3A_48 : memref<2048x32xf32, #tpu.memory_space<hbm>>) dst(%dma_wait3A_42 : memref<128x32xf32, #tpu.memory_space<vmem>>)
    %dma_wait3A_49 = arith.constant 1 : i32
    %dma_wait3A_50 = arith.constant 128 : i32
    %dma_wait3A_51 = arith.constant 0 : i32
    %dma_wait3A_52 = tpu.memref_slice %arg6[%dma_wait3A_50, %dma_wait3A_51] : memref<512x32xf32, #tpu.memory_space<vmem>> -> memref<128x32xf32, #tpu.memory_space<vmem>>
    %dma_wait3A_53 = arith.constant 0 : i32
    %dma_wait3A_54 = tpu.memref_slice %arg5[%dma_wait3A_49, %dma_wait3A_53] : memref<4x128xi32, #tpu.memory_space<vmem>> -> memref<1x128xi32, #tpu.memory_space<vmem>>
    %dma_wait3A_55 = tpu.memref_squeeze %dma_wait3A_54 : memref<1x128xi32, #tpu.memory_space<vmem>> -> memref<128xi32, #tpu.memory_space<vmem>>
    %dma_wait3A_56 = arith.constant 0 : i32
    %dma_wait3A_57 = arith.constant 0 : i32
    %dma_wait3A_58 = tpu.memref_slice %arg2[%dma_wait3A_56, %dma_wait3A_57] : memref<2048x32xf32, #tpu.memory_space<hbm>> -> memref<2048x32xf32, #tpu.memory_space<hbm>>
    tpu.wait_indirect_dma semaphore(%arg7 : memref<!tpu.dma_semaphore, #tpu.memory_space<semaphore_mem>>) src(%dma_wait3A_58 : memref<2048x32xf32, #tpu.memory_space<hbm>>) dst(%dma_wait3A_52 : memref<128x32xf32, #tpu.memory_space<vmem>>)
    %dma_wait3A_59 = arith.constant 2 : i32
    %dma_wait3A_60 = arith.constant 256 : i32
    %dma_wait3A_61 = arith.constant 0 : i32
    %dma_wait3A_62 = tpu.memref_slice %arg6[%dma_wait3A_60, %dma_wait3A_61] : memref<512x32xf32, #tpu.memory_space<vmem>> -> memref<128x32xf32, #tpu.memory_space<vmem>>
    %dma_wait3A_63 = arith.constant 0 : i32
    %dma_wait3A_64 = tpu.memref_slice %arg5[%dma_wait3A_59, %dma_wait3A_63] : memref<4x128xi32, #tpu.memory_space<vmem>> -> memref<1x128xi32, #tpu.memory_space<vmem>>
    %dma_wait3A_65 = tpu.memref_squeeze %dma_wait3A_64 : memref<1x128xi32, #tpu.memory_space<vmem>> -> memref<128xi32, #tpu.memory_space<vmem>>
    %dma_wait3A_66 = arith.constant 0 : i32
    %dma_wait3A_67 = arith.constant 0 : i32
    %dma_wait3A_68 = tpu.memref_slice %arg2[%dma_wait3A_66, %dma_wait3A_67] : memref<2048x32xf32, #tpu.memory_space<hbm>> -> memref<2048x32xf32, #tpu.memory_space<hbm>>
    tpu.wait_indirect_dma semaphore(%arg7 : memref<!tpu.dma_semaphore, #tpu.memory_space<semaphore_mem>>) src(%dma_wait3A_68 : memref<2048x32xf32, #tpu.memory_space<hbm>>) dst(%dma_wait3A_62 : memref<128x32xf32, #tpu.memory_space<vmem>>)
    %dma_wait3A_69 = arith.constant 3 : i32
    %dma_wait3A_70 = arith.constant 384 : i32
    %dma_wait3A_71 = arith.constant 0 : i32
    %dma_wait3A_72 = tpu.memref_slice %arg6[%dma_wait3A_70, %dma_wait3A_71] : memref<512x32xf32, #tpu.memory_space<vmem>> -> memref<128x32xf32, #tpu.memory_space<vmem>>
    %dma_wait3A_73 = arith.constant 0 : i32
    %dma_wait3A_74 = tpu.memref_slice %arg5[%dma_wait3A_69, %dma_wait3A_73] : memref<4x128xi32, #tpu.memory_space<vmem>> -> memref<1x128xi32, #tpu.memory_space<vmem>>
    %dma_wait3A_75 = tpu.memref_squeeze %dma_wait3A_74 : memref<1x128xi32, #tpu.memory_space<vmem>> -> memref<128xi32, #tpu.memory_space<vmem>>
    %dma_wait3A_76 = arith.constant 0 : i32
    %dma_wait3A_77 = arith.constant 0 : i32
    %dma_wait3A_78 = tpu.memref_slice %arg2[%dma_wait3A_76, %dma_wait3A_77] : memref<2048x32xf32, #tpu.memory_space<hbm>> -> memref<2048x32xf32, #tpu.memory_space<hbm>>
    tpu.wait_indirect_dma semaphore(%arg7 : memref<!tpu.dma_semaphore, #tpu.memory_space<semaphore_mem>>) src(%dma_wait3A_78 : memref<2048x32xf32, #tpu.memory_space<hbm>>) dst(%dma_wait3A_72 : memref<128x32xf32, #tpu.memory_space<vmem>>)
    %mul3A_79 = arith.constant 512 : i32
    %mul3A_80 = arith.muli %add3A, %mul3A_79 : i32
    "tpu.region"() ({
      %run_scoped3A = tpu.sem_alloc : memref<!tpu.dma_semaphore, #tpu.memory_space<semaphore_mem>>
      %dma_start3A_81 = arith.constant 0 : i32
      %dma_start3A_82 = tpu.memref_slice %arg4[%mul3A_80, %dma_start3A_81] : memref<16384x32xf32, #tpu.memory_space<hbm>> -> memref<512x32xf32, #tpu.memory_space<hbm>>
      %dma_start3A_83 = arith.constant 0 : i32
      %dma_start3A_84 = tpu.memref_slice %arg4[%mul3A_80, %dma_start3A_83] : memref<16384x32xf32, #tpu.memory_space<hbm>> -> memref<512x32xf32, #tpu.memory_space<hbm>>
      tpu.enqueue_dma source(%arg6 : memref<512x32xf32, #tpu.memory_space<vmem>>) target(%dma_start3A_84 : memref<512x32xf32, #tpu.memory_space<hbm>>) target_semaphore(%run_scoped3A : memref<!tpu.dma_semaphore, #tpu.memory_space<semaphore_mem>>)
      %dma_wait3A_85 = arith.constant 0 : i32
      %dma_wait3A_86 = tpu.memref_slice %arg4[%mul3A_80, %dma_wait3A_85] : memref<16384x32xf32, #tpu.memory_space<hbm>> -> memref<512x32xf32, #tpu.memory_space<hbm>>
      %dma_wait3A_87 = arith.constant 0 : i32
      %dma_wait3A_88 = tpu.memref_slice %arg4[%mul3A_80, %dma_wait3A_87] : memref<16384x32xf32, #tpu.memory_space<hbm>> -> memref<512x32xf32, #tpu.memory_space<hbm>>
      tpu.wait_dma2 semaphore(%run_scoped3A : memref<!tpu.dma_semaphore, #tpu.memory_space<semaphore_mem>>) src(%arg6 : memref<512x32xf32, #tpu.memory_space<vmem>>) dst(%dma_wait3A_88 : memref<512x32xf32, #tpu.memory_space<hbm>>)
      tpu.yield
    }) : () -> ()
    return
  }
}

#map = affine_map<(d0, d1) -> (0, 0)>
#map1 = affine_map<(d0, d1) -> (0, 0, 0)>
module attributes {stable_mosaic.version = 14 : i64} {
  func.func @_sc_gather_body(%arg0: i32, %arg1: i32, %arg2: memref<2048x32xf32, #tpu.memory_space<hbm>>, %arg3: memref<32x4x128xi32, #tpu.memory_space<hbm>>, %arg4: memref<16384x32xf32, #tpu.memory_space<hbm>>, %arg5: memref<4x128xi32, #tpu.memory_space<vmem>>, %arg6: memref<512x32xf32, #tpu.memory_space<vmem>>, %arg7: memref<!tpu.dma_semaphore, #tpu.memory_space<semaphore_mem>>) attributes {dimension_semantics = [#tpu.dimension_semantics<core_parallel>, #tpu.dimension_semantics<subcore_parallel>], iteration_bounds = array<i64: 2, 16>, scalar_prefetch = 0 : i64, scratch_operands = 3 : i64, tpu.core_type = #tpu.core_type<sc_vector_subcore>, window_params = [{transform_indices = #map}, {transform_indices = #map1}, {transform_indices = #map}]} {
    %mul3A = arith.constant 2 : i32
    %mul3A_0 = arith.muli %arg1, %mul3A : i32
    %add3A = arith.addi %mul3A_0, %arg0 : i32
    "tpu.region"() ({
      %run_scoped3A = tpu.sem_alloc : memref<!tpu.dma_semaphore, #tpu.memory_space<semaphore_mem>>
      %dma_start3A_81 = arith.constant 0 : i32
      %dma_start3A_82 = arith.constant 0 : i32
      %dma_start3A_83 = tpu.memref_slice %arg3[%add3A, %dma_start3A_81, %dma_start3A_82] : memref<32x4x128xi32, #tpu.memory_space<hbm>> -> memref<1x4x128xi32, #tpu.memory_space<hbm>>
      %dma_start3A_84 = tpu.memref_squeeze %dma_start3A_83 : memref<1x4x128xi32, #tpu.memory_space<hbm>> -> memref<4x128xi32, #tpu.memory_space<hbm>>
      %dma_start3A_85 = arith.constant 0 : i32
      %dma_start3A_86 = arith.constant 0 : i32
      %dma_start3A_87 = tpu.memref_slice %arg3[%add3A, %dma_start3A_85, %dma_start3A_86] : memref<32x4x128xi32, #tpu.memory_space<hbm>> -> memref<1x4x128xi32, #tpu.memory_space<hbm>>
      %dma_start3A_88 = tpu.memref_squeeze %dma_start3A_87 : memref<1x4x128xi32, #tpu.memory_space<hbm>> -> memref<4x128xi32, #tpu.memory_space<hbm>>
      tpu.enqueue_dma source(%dma_start3A_88 : memref<4x128xi32, #tpu.memory_space<hbm>>) target(%arg5 : memref<4x128xi32, #tpu.memory_space<vmem>>) target_semaphore(%run_scoped3A : memref<!tpu.dma_semaphore, #tpu.memory_space<semaphore_mem>>)
      %dma_wait3A_89 = arith.constant 0 : i32
      %dma_wait3A_90 = arith.constant 0 : i32
      %dma_wait3A_91 = tpu.memref_slice %arg3[%add3A, %dma_wait3A_89, %dma_wait3A_90] : memref<32x4x128xi32, #tpu.memory_space<hbm>> -> memref<1x4x128xi32, #tpu.memory_space<hbm>>
      %dma_wait3A_92 = tpu.memref_squeeze %dma_wait3A_91 : memref<1x4x128xi32, #tpu.memory_space<hbm>> -> memref<4x128xi32, #tpu.memory_space<hbm>>
      %dma_wait3A_93 = arith.constant 0 : i32
      %dma_wait3A_94 = arith.constant 0 : i32
      %dma_wait3A_95 = tpu.memref_slice %arg3[%add3A, %dma_wait3A_93, %dma_wait3A_94] : memref<32x4x128xi32, #tpu.memory_space<hbm>> -> memref<1x4x128xi32, #tpu.memory_space<hbm>>
      %dma_wait3A_96 = tpu.memref_squeeze %dma_wait3A_95 : memref<1x4x128xi32, #tpu.memory_space<hbm>> -> memref<4x128xi32, #tpu.memory_space<hbm>>
      tpu.wait_dma2 semaphore(%run_scoped3A : memref<!tpu.dma_semaphore, #tpu.memory_space<semaphore_mem>>) src(%dma_wait3A_96 : memref<4x128xi32, #tpu.memory_space<hbm>>) dst(%arg5 : memref<4x128xi32, #tpu.memory_space<vmem>>)
      tpu.yield
    }) : () -> ()
    %dma_start3A = arith.constant 0 : i32
    %dma_start3A_1 = arith.constant 0 : i32
    %dma_start3A_2 = arith.constant 0 : i32
    %dma_start3A_3 = tpu.memref_slice %arg6[%dma_start3A_1, %dma_start3A_2] : memref<512x32xf32, #tpu.memory_space<vmem>> -> memref<128x32xf32, #tpu.memory_space<vmem>>
    %dma_start3A_4 = arith.constant 0 : i32
    %dma_start3A_5 = tpu.memref_slice %arg5[%dma_start3A, %dma_start3A_4] : memref<4x128xi32, #tpu.memory_space<vmem>> -> memref<1x128xi32, #tpu.memory_space<vmem>>
    %dma_start3A_6 = tpu.memref_squeeze %dma_start3A_5 : memref<1x128xi32, #tpu.memory_space<vmem>> -> memref<128xi32, #tpu.memory_space<vmem>>
    %dma_start3A_7 = arith.constant 0 : i32
    %dma_start3A_8 = arith.constant 0 : i32
    %dma_start3A_9 = tpu.memref_slice %arg2[%dma_start3A_7, %dma_start3A_8] : memref<2048x32xf32, #tpu.memory_space<hbm>> -> memref<2048x32xf32, #tpu.memory_space<hbm>>
    tpu.enqueue_indirect_dma source(%dma_start3A_9 : memref<2048x32xf32, #tpu.memory_space<hbm>>) target(%dma_start3A_3 : memref<128x32xf32, #tpu.memory_space<vmem>>) offsets(%dma_start3A_6 : memref<128xi32, #tpu.memory_space<vmem>>) semaphore(%arg7 : memref<!tpu.dma_semaphore, #tpu.memory_space<semaphore_mem>>)
    %dma_start3A_10 = arith.constant 1 : i32
    %dma_start3A_11 = arith.constant 128 : i32
    %dma_start3A_12 = arith.constant 0 : i32
    %dma_start3A_13 = tpu.memref_slice %arg6[%dma_start3A_11, %dma_start3A_12] : memref<512x32xf32, #tpu.memory_space<vmem>> -> memref<128x32xf32, #tpu.memory_space<vmem>>
    %dma_start3A_14 = arith.constant 0 : i32
    %dma_start3A_15 = tpu.memref_slice %arg5[%dma_start3A_10, %dma_start3A_14] : memref<4x128xi32, #tpu.memory_space<vmem>> -> memref<1x128xi32, #tpu.memory_space<vmem>>
    %dma_start3A_16 = tpu.memref_squeeze %dma_start3A_15 : memref<1x128xi32, #tpu.memory_space<vmem>> -> memref<128xi32, #tpu.memory_space<vmem>>
    %dma_start3A_17 = arith.constant 0 : i32
    %dma_start3A_18 = arith.constant 0 : i32
    %dma_start3A_19 = tpu.memref_slice %arg2[%dma_start3A_17, %dma_start3A_18] : memref<2048x32xf32, #tpu.memory_space<hbm>> -> memref<2048x32xf32, #tpu.memory_space<hbm>>
    tpu.enqueue_indirect_dma source(%dma_start3A_19 : memref<2048x32xf32, #tpu.memory_space<hbm>>) target(%dma_start3A_13 : memref<128x32xf32, #tpu.memory_space<vmem>>) offsets(%dma_start3A_16 : memref<128xi32, #tpu.memory_space<vmem>>) semaphore(%arg7 : memref<!tpu.dma_semaphore, #tpu.memory_space<semaphore_mem>>)
    %dma_start3A_20 = arith.constant 2 : i32
    %dma_start3A_21 = arith.constant 256 : i32
    %dma_start3A_22 = arith.constant 0 : i32
    %dma_start3A_23 = tpu.memref_slice %arg6[%dma_start3A_21, %dma_start3A_22] : memref<512x32xf32, #tpu.memory_space<vmem>> -> memref<128x32xf32, #tpu.memory_space<vmem>>
    %dma_start3A_24 = arith.constant 0 : i32
    %dma_start3A_25 = tpu.memref_slice %arg5[%dma_start3A_20, %dma_start3A_24] : memref<4x128xi32, #tpu.memory_space<vmem>> -> memref<1x128xi32, #tpu.memory_space<vmem>>
    %dma_start3A_26 = tpu.memref_squeeze %dma_start3A_25 : memref<1x128xi32, #tpu.memory_space<vmem>> -> memref<128xi32, #tpu.memory_space<vmem>>
    %dma_start3A_27 = arith.constant 0 : i32
    %dma_start3A_28 = arith.constant 0 : i32
    %dma_start3A_29 = tpu.memref_slice %arg2[%dma_start3A_27, %dma_start3A_28] : memref<2048x32xf32, #tpu.memory_space<hbm>> -> memref<2048x32xf32, #tpu.memory_space<hbm>>
    tpu.enqueue_indirect_dma source(%dma_start3A_29 : memref<2048x32xf32, #tpu.memory_space<hbm>>) target(%dma_start3A_23 : memref<128x32xf32, #tpu.memory_space<vmem>>) offsets(%dma_start3A_26 : memref<128xi32, #tpu.memory_space<vmem>>) semaphore(%arg7 : memref<!tpu.dma_semaphore, #tpu.memory_space<semaphore_mem>>)
    %dma_start3A_30 = arith.constant 3 : i32
    %dma_start3A_31 = arith.constant 384 : i32
    %dma_start3A_32 = arith.constant 0 : i32
    %dma_start3A_33 = tpu.memref_slice %arg6[%dma_start3A_31, %dma_start3A_32] : memref<512x32xf32, #tpu.memory_space<vmem>> -> memref<128x32xf32, #tpu.memory_space<vmem>>
    %dma_start3A_34 = arith.constant 0 : i32
    %dma_start3A_35 = tpu.memref_slice %arg5[%dma_start3A_30, %dma_start3A_34] : memref<4x128xi32, #tpu.memory_space<vmem>> -> memref<1x128xi32, #tpu.memory_space<vmem>>
    %dma_start3A_36 = tpu.memref_squeeze %dma_start3A_35 : memref<1x128xi32, #tpu.memory_space<vmem>> -> memref<128xi32, #tpu.memory_space<vmem>>
    %dma_start3A_37 = arith.constant 0 : i32
    %dma_start3A_38 = arith.constant 0 : i32
    %dma_start3A_39 = tpu.memref_slice %arg2[%dma_start3A_37, %dma_start3A_38] : memref<2048x32xf32, #tpu.memory_space<hbm>> -> memref<2048x32xf32, #tpu.memory_space<hbm>>
    tpu.enqueue_indirect_dma source(%dma_start3A_39 : memref<2048x32xf32, #tpu.memory_space<hbm>>) target(%dma_start3A_33 : memref<128x32xf32, #tpu.memory_space<vmem>>) offsets(%dma_start3A_36 : memref<128xi32, #tpu.memory_space<vmem>>) semaphore(%arg7 : memref<!tpu.dma_semaphore, #tpu.memory_space<semaphore_mem>>)
    %dma_wait3A = arith.constant 0 : i32
    %dma_wait3A_40 = arith.constant 0 : i32
    %dma_wait3A_41 = arith.constant 0 : i32
    %dma_wait3A_42 = tpu.memref_slice %arg6[%dma_wait3A_40, %dma_wait3A_41] : memref<512x32xf32, #tpu.memory_space<vmem>> -> memref<128x32xf32, #tpu.memory_space<vmem>>
    %dma_wait3A_43 = arith.constant 0 : i32
    %dma_wait3A_44 = tpu.memref_slice %arg5[%dma_wait3A, %dma_wait3A_43] : memref<4x128xi32, #tpu.memory_space<vmem>> -> memref<1x128xi32, #tpu.memory_space<vmem>>
    %dma_wait3A_45 = tpu.memref_squeeze %dma_wait3A_44 : memref<1x128xi32, #tpu.memory_space<vmem>> -> memref<128xi32, #tpu.memory_space<vmem>>
    %dma_wait3A_46 = arith.constant 0 : i32
    %dma_wait3A_47 = arith.constant 0 : i32
    %dma_wait3A_48 = tpu.memref_slice %arg2[%dma_wait3A_46, %dma_wait3A_47] : memref<2048x32xf32, #tpu.memory_space<hbm>> -> memref<2048x32xf32, #tpu.memory_space<hbm>>
    tpu.wait_indirect_dma semaphore(%arg7 : memref<!tpu.dma_semaphore, #tpu.memory_space<semaphore_mem>>) src(%dma_wait3A_48 : memref<2048x32xf32, #tpu.memory_space<hbm>>) dst(%dma_wait3A_42 : memref<128x32xf32, #tpu.memory_space<vmem>>)
    %dma_wait3A_49 = arith.constant 1 : i32
    %dma_wait3A_50 = arith.constant 128 : i32
    %dma_wait3A_51 = arith.constant 0 : i32
    %dma_wait3A_52 = tpu.memref_slice %arg6[%dma_wait3A_50, %dma_wait3A_51] : memref<512x32xf32, #tpu.memory_space<vmem>> -> memref<128x32xf32, #tpu.memory_space<vmem>>
    %dma_wait3A_53 = arith.constant 0 : i32
    %dma_wait3A_54 = tpu.memref_slice %arg5[%dma_wait3A_49, %dma_wait3A_53] : memref<4x128xi32, #tpu.memory_space<vmem>> -> memref<1x128xi32, #tpu.memory_space<vmem>>
    %dma_wait3A_55 = tpu.memref_squeeze %dma_wait3A_54 : memref<1x128xi32, #tpu.memory_space<vmem>> -> memref<128xi32, #tpu.memory_space<vmem>>
    %dma_wait3A_56 = arith.constant 0 : i32
    %dma_wait3A_57 = arith.constant 0 : i32
    %dma_wait3A_58 = tpu.memref_slice %arg2[%dma_wait3A_56, %dma_wait3A_57] : memref<2048x32xf32, #tpu.memory_space<hbm>> -> memref<2048x32xf32, #tpu.memory_space<hbm>>
    tpu.wait_indirect_dma semaphore(%arg7 : memref<!tpu.dma_semaphore, #tpu.memory_space<semaphore_mem>>) src(%dma_wait3A_58 : memref<2048x32xf32, #tpu.memory_space<hbm>>) dst(%dma_wait3A_52 : memref<128x32xf32, #tpu.memory_space<vmem>>)
    %dma_wait3A_59 = arith.constant 2 : i32
    %dma_wait3A_60 = arith.constant 256 : i32
    %dma_wait3A_61 = arith.constant 0 : i32
    %dma_wait3A_62 = tpu.memref_slice %arg6[%dma_wait3A_60, %dma_wait3A_61] : memref<512x32xf32, #tpu.memory_space<vmem>> -> memref<128x32xf32, #tpu.memory_space<vmem>>
    %dma_wait3A_63 = arith.constant 0 : i32
    %dma_wait3A_64 = tpu.memref_slice %arg5[%dma_wait3A_59, %dma_wait3A_63] : memref<4x128xi32, #tpu.memory_space<vmem>> -> memref<1x128xi32, #tpu.memory_space<vmem>>
    %dma_wait3A_65 = tpu.memref_squeeze %dma_wait3A_64 : memref<1x128xi32, #tpu.memory_space<vmem>> -> memref<128xi32, #tpu.memory_space<vmem>>
    %dma_wait3A_66 = arith.constant 0 : i32
    %dma_wait3A_67 = arith.constant 0 : i32
    %dma_wait3A_68 = tpu.memref_slice %arg2[%dma_wait3A_66, %dma_wait3A_67] : memref<2048x32xf32, #tpu.memory_space<hbm>> -> memref<2048x32xf32, #tpu.memory_space<hbm>>
    tpu.wait_indirect_dma semaphore(%arg7 : memref<!tpu.dma_semaphore, #tpu.memory_space<semaphore_mem>>) src(%dma_wait3A_68 : memref<2048x32xf32, #tpu.memory_space<hbm>>) dst(%dma_wait3A_62 : memref<128x32xf32, #tpu.memory_space<vmem>>)
    %dma_wait3A_69 = arith.constant 3 : i32
    %dma_wait3A_70 = arith.constant 384 : i32
    %dma_wait3A_71 = arith.constant 0 : i32
    %dma_wait3A_72 = tpu.memref_slice %arg6[%dma_wait3A_70, %dma_wait3A_71] : memref<512x32xf32, #tpu.memory_space<vmem>> -> memref<128x32xf32, #tpu.memory_space<vmem>>
    %dma_wait3A_73 = arith.constant 0 : i32
    %dma_wait3A_74 = tpu.memref_slice %arg5[%dma_wait3A_69, %dma_wait3A_73] : memref<4x128xi32, #tpu.memory_space<vmem>> -> memref<1x128xi32, #tpu.memory_space<vmem>>
    %dma_wait3A_75 = tpu.memref_squeeze %dma_wait3A_74 : memref<1x128xi32, #tpu.memory_space<vmem>> -> memref<128xi32, #tpu.memory_space<vmem>>
    %dma_wait3A_76 = arith.constant 0 : i32
    %dma_wait3A_77 = arith.constant 0 : i32
    %dma_wait3A_78 = tpu.memref_slice %arg2[%dma_wait3A_76, %dma_wait3A_77] : memref<2048x32xf32, #tpu.memory_space<hbm>> -> memref<2048x32xf32, #tpu.memory_space<hbm>>
    tpu.wait_indirect_dma semaphore(%arg7 : memref<!tpu.dma_semaphore, #tpu.memory_space<semaphore_mem>>) src(%dma_wait3A_78 : memref<2048x32xf32, #tpu.memory_space<hbm>>) dst(%dma_wait3A_72 : memref<128x32xf32, #tpu.memory_space<vmem>>)
    %mul3A_79 = arith.constant 512 : i32
    %mul3A_80 = arith.muli %add3A, %mul3A_79 : i32
    "tpu.region"() ({
      %run_scoped3A = tpu.sem_alloc : memref<!tpu.dma_semaphore, #tpu.memory_space<semaphore_mem>>
      %dma_start3A_81 = arith.constant 0 : i32
      %dma_start3A_82 = tpu.memref_slice %arg4[%mul3A_80, %dma_start3A_81] : memref<16384x32xf32, #tpu.memory_space<hbm>> -> memref<512x32xf32, #tpu.memory_space<hbm>>
      %dma_start3A_83 = arith.constant 0 : i32
      %dma_start3A_84 = tpu.memref_slice %arg4[%mul3A_80, %dma_start3A_83] : memref<16384x32xf32, #tpu.memory_space<hbm>> -> memref<512x32xf32, #tpu.memory_space<hbm>>
      tpu.enqueue_dma source(%arg6 : memref<512x32xf32, #tpu.memory_space<vmem>>) target(%dma_start3A_84 : memref<512x32xf32, #tpu.memory_space<hbm>>) target_semaphore(%run_scoped3A : memref<!tpu.dma_semaphore, #tpu.memory_space<semaphore_mem>>)
      %dma_wait3A_85 = arith.constant 0 : i32
      %dma_wait3A_86 = tpu.memref_slice %arg4[%mul3A_80, %dma_wait3A_85] : memref<16384x32xf32, #tpu.memory_space<hbm>> -> memref<512x32xf32, #tpu.memory_space<hbm>>
      %dma_wait3A_87 = arith.constant 0 : i32
      %dma_wait3A_88 = tpu.memref_slice %arg4[%mul3A_80, %dma_wait3A_87] : memref<16384x32xf32, #tpu.memory_space<hbm>> -> memref<512x32xf32, #tpu.memory_space<hbm>>
      tpu.wait_dma2 semaphore(%run_scoped3A : memref<!tpu.dma_semaphore, #tpu.memory_space<semaphore_mem>>) src(%arg6 : memref<512x32xf32, #tpu.memory_space<vmem>>) dst(%dma_wait3A_88 : memref<512x32xf32, #tpu.memory_space<hbm>>)
      tpu.yield
    }) : () -> ()
    return
  }
}

module attributes {stable_mosaic.version = 14 : i64} {
  func.func @_knn_kernel(%arg0: i32, %arg1: memref<1x1024x3xf32, #tpu.memory_space<vmem>>, %arg2: memref<1x3x1024xf32, #tpu.memory_space<vmem>>, %arg3: memref<1x32xf32, #tpu.memory_space<vmem>>, %arg4: memref<1x32xf32, #tpu.memory_space<vmem>>, %arg5: memref<1024x32xf32, #tpu.memory_space<vmem>>, %arg6: memref<1x1024x8xi32, #tpu.memory_space<vmem>>, %arg7: memref<1x1024x8xf32, #tpu.memory_space<vmem>>) attributes {dimension_semantics = [#tpu.dimension_semantics<arbitrary>], iteration_bounds = array<i64: 2>, scalar_prefetch = 0 : i64, scratch_operands = 0 : i64, tpu.core_type = #tpu.core_type<tc>, window_params = [{transform_indices = @transform_0, window_bounds = array<i64: 1, 1024, 3>}, {transform_indices = @transform_1, window_bounds = array<i64: 1, 3, 1024>}, {pipeline_mode = #tpu.pipeline_mode<synchronous>, transform_indices = @transform_2, window_bounds = array<i64: 1, 32>}, {pipeline_mode = #tpu.pipeline_mode<synchronous>, transform_indices = @transform_3, window_bounds = array<i64: 1, 32>}, {transform_indices = @transform_4, window_bounds = array<i64: 1024, 32>}, {transform_indices = @transform_5, window_bounds = array<i64: 1, 1024, 8>}, {transform_indices = @transform_6, window_bounds = array<i64: 1, 1024, 8>}]} {
    %get3A = arith.constant 0 : index
    %get3A_0 = arith.constant 0 : index
    %get3A_1 = arith.constant 0 : index
    %get3A_2 = vector.load %arg1[%get3A, %get3A_0, %get3A_1] : memref<1x1024x3xf32, #tpu.memory_space<vmem>>, vector<1x1024x3xf32>
    %get3A_3 = vector.shape_cast %get3A_2 : vector<1x1024x3xf32> to vector<1024x3xf32>
    %get3A_4 = arith.constant 0 : index
    %get3A_5 = arith.constant 0 : index
    %get3A_6 = arith.constant 0 : index
    %get3A_7 = vector.load %arg2[%get3A_4, %get3A_5, %get3A_6] : memref<1x3x1024xf32, #tpu.memory_space<vmem>>, vector<1x3x1024xf32>
    %get3A_8 = vector.shape_cast %get3A_7 : vector<1x3x1024xf32> to vector<3x1024xf32>
    %slice3A = vector.extract_strided_slice %get3A_3 {offsets = [0, 0], sizes = [1024, 1], strides = [1, 1]} : vector<1024x3xf32> to vector<1024x1xf32>
    %slice3A_9 = vector.extract_strided_slice %get3A_8 {offsets = [0, 0], sizes = [1, 1024], strides = [1, 1]} : vector<3x1024xf32> to vector<1x1024xf32>
    %sub3A = vector.broadcast %slice3A : vector<1024x1xf32> to vector<1024x1024xf32>
    %sub3A_10 = vector.broadcast %slice3A_9 : vector<1x1024xf32> to vector<1024x1024xf32>
    %sub3A_11 = arith.subf %sub3A, %sub3A_10 : vector<1024x1024xf32>
    %mul3A = arith.mulf %sub3A_11, %sub3A_11 : vector<1024x1024xf32>
    %slice3A_12 = vector.extract_strided_slice %get3A_3 {offsets = [0, 1], sizes = [1024, 1], strides = [1, 1]} : vector<1024x3xf32> to vector<1024x1xf32>
    %slice3A_13 = vector.extract_strided_slice %get3A_8 {offsets = [1, 0], sizes = [1, 1024], strides = [1, 1]} : vector<3x1024xf32> to vector<1x1024xf32>
    %sub3A_14 = vector.broadcast %slice3A_12 : vector<1024x1xf32> to vector<1024x1024xf32>
    %sub3A_15 = vector.broadcast %slice3A_13 : vector<1x1024xf32> to vector<1024x1024xf32>
    %sub3A_16 = arith.subf %sub3A_14, %sub3A_15 : vector<1024x1024xf32>
    %mul3A_17 = arith.mulf %sub3A_16, %sub3A_16 : vector<1024x1024xf32>
    %add3A = arith.addf %mul3A, %mul3A_17 : vector<1024x1024xf32>
    %slice3A_18 = vector.extract_strided_slice %get3A_3 {offsets = [0, 2], sizes = [1024, 1], strides = [1, 1]} : vector<1024x3xf32> to vector<1024x1xf32>
    %slice3A_19 = vector.extract_strided_slice %get3A_8 {offsets = [2, 0], sizes = [1, 1024], strides = [1, 1]} : vector<3x1024xf32> to vector<1x1024xf32>
    %sub3A_20 = vector.broadcast %slice3A_18 : vector<1024x1xf32> to vector<1024x1024xf32>
    %sub3A_21 = vector.broadcast %slice3A_19 : vector<1x1024xf32> to vector<1024x1024xf32>
    %sub3A_22 = arith.subf %sub3A_20, %sub3A_21 : vector<1024x1024xf32>
    %mul3A_23 = arith.mulf %sub3A_22, %sub3A_22 : vector<1024x1024xf32>
    %add3A_24 = arith.addf %add3A, %mul3A_23 : vector<1024x1024xf32>
    %iota3A = tpu.iota {dimensions = array<i32: 1>} : vector<1024x1024xi32>
    %iota3A_25 = tpu.iota {dimensions = array<i32: 0>} : vector<1024x1024xi32>
    %eq3A = arith.cmpi eq, %iota3A, %iota3A_25 : vector<1024x1024xi32>
    %jit3A = arith.constant 1.000000e+30 : f32
    %broadcast_in_dim3A = vector.broadcast %jit3A : f32 to vector<1024x1024xf32>
    %select_n3A = arith.select %eq3A, %broadcast_in_dim3A, %add3A_24 : vector<1024x1024xi1>, vector<1024x1024xf32>
    %reduce_min3A = arith.constant dense<0x7F800000> : vector<1024xf32>
    %reduce_min3A_26 = vector.multi_reduction <minimumf>, %select_n3A, %reduce_min3A [1] : vector<1024x1024xf32> to vector<1024xf32>
    %broadcast_in_dim3A_27 = vector.shape_cast %reduce_min3A_26 : vector<1024xf32> to vector<1024x1xf32>
    %eq3A_28 = vector.broadcast %broadcast_in_dim3A_27 : vector<1024x1xf32> to vector<1024x1024xf32>
    %eq3A_29 = arith.cmpf oeq, %select_n3A, %eq3A_28 : vector<1024x1024xf32>
    %jit3A_30 = arith.constant 1024 : i32
    %broadcast_in_dim3A_31 = vector.broadcast %jit3A_30 : i32 to vector<1024x1024xi32>
    %select_n3A_32 = arith.select %eq3A_29, %iota3A, %broadcast_in_dim3A_31 : vector<1024x1024xi1>, vector<1024x1024xi32>
    %reduce_min3A_33 = arith.constant dense<2147483647> : vector<1024xi32>
    %reduce_min3A_34 = vector.multi_reduction <minsi>, %select_n3A_32, %reduce_min3A_33 [1] : vector<1024x1024xi32> to vector<1024xi32>
    %broadcast_in_dim3A_35 = vector.shape_cast %reduce_min3A_34 : vector<1024xi32> to vector<1024x1xi32>
    %eq3A_36 = vector.broadcast %broadcast_in_dim3A_35 : vector<1024x1xi32> to vector<1024x1024xi32>
    %eq3A_37 = arith.cmpi eq, %iota3A, %eq3A_36 : vector<1024x1024xi32>
    %jit3A_38 = arith.constant 1.000000e+30 : f32
    %broadcast_in_dim3A_39 = vector.broadcast %jit3A_38 : f32 to vector<1024x1024xf32>
    %select_n3A_40 = arith.select %eq3A_37, %broadcast_in_dim3A_39, %select_n3A : vector<1024x1024xi1>, vector<1024x1024xf32>
    %reduce_min3A_41 = arith.constant dense<0x7F800000> : vector<1024xf32>
    %reduce_min3A_42 = vector.multi_reduction <minimumf>, %select_n3A_40, %reduce_min3A_41 [1] : vector<1024x1024xf32> to vector<1024xf32>
    %broadcast_in_dim3A_43 = vector.shape_cast %reduce_min3A_42 : vector<1024xf32> to vector<1024x1xf32>
    %eq3A_44 = vector.broadcast %broadcast_in_dim3A_43 : vector<1024x1xf32> to vector<1024x1024xf32>
    %eq3A_45 = arith.cmpf oeq, %select_n3A_40, %eq3A_44 : vector<1024x1024xf32>
    %jit3A_46 = arith.constant 1024 : i32
    %broadcast_in_dim3A_47 = vector.broadcast %jit3A_46 : i32 to vector<1024x1024xi32>
    %select_n3A_48 = arith.select %eq3A_45, %iota3A, %broadcast_in_dim3A_47 : vector<1024x1024xi1>, vector<1024x1024xi32>
    %reduce_min3A_49 = arith.constant dense<2147483647> : vector<1024xi32>
    %reduce_min3A_50 = vector.multi_reduction <minsi>, %select_n3A_48, %reduce_min3A_49 [1] : vector<1024x1024xi32> to vector<1024xi32>
    %broadcast_in_dim3A_51 = vector.shape_cast %reduce_min3A_50 : vector<1024xi32> to vector<1024x1xi32>
    %eq3A_52 = vector.broadcast %broadcast_in_dim3A_51 : vector<1024x1xi32> to vector<1024x1024xi32>
    %eq3A_53 = arith.cmpi eq, %iota3A, %eq3A_52 : vector<1024x1024xi32>
    %jit3A_54 = arith.constant 1.000000e+30 : f32
    %broadcast_in_dim3A_55 = vector.broadcast %jit3A_54 : f32 to vector<1024x1024xf32>
    %select_n3A_56 = arith.select %eq3A_53, %broadcast_in_dim3A_55, %select_n3A_40 : vector<1024x1024xi1>, vector<1024x1024xf32>
    %reduce_min3A_57 = arith.constant dense<0x7F800000> : vector<1024xf32>
    %reduce_min3A_58 = vector.multi_reduction <minimumf>, %select_n3A_56, %reduce_min3A_57 [1] : vector<1024x1024xf32> to vector<1024xf32>
    %broadcast_in_dim3A_59 = vector.shape_cast %reduce_min3A_58 : vector<1024xf32> to vector<1024x1xf32>
    %eq3A_60 = vector.broadcast %broadcast_in_dim3A_59 : vector<1024x1xf32> to vector<1024x1024xf32>
    %eq3A_61 = arith.cmpf oeq, %select_n3A_56, %eq3A_60 : vector<1024x1024xf32>
    %jit3A_62 = arith.constant 1024 : i32
    %broadcast_in_dim3A_63 = vector.broadcast %jit3A_62 : i32 to vector<1024x1024xi32>
    %select_n3A_64 = arith.select %eq3A_61, %iota3A, %broadcast_in_dim3A_63 : vector<1024x1024xi1>, vector<1024x1024xi32>
    %reduce_min3A_65 = arith.constant dense<2147483647> : vector<1024xi32>
    %reduce_min3A_66 = vector.multi_reduction <minsi>, %select_n3A_64, %reduce_min3A_65 [1] : vector<1024x1024xi32> to vector<1024xi32>
    %broadcast_in_dim3A_67 = vector.shape_cast %reduce_min3A_66 : vector<1024xi32> to vector<1024x1xi32>
    %eq3A_68 = vector.broadcast %broadcast_in_dim3A_67 : vector<1024x1xi32> to vector<1024x1024xi32>
    %eq3A_69 = arith.cmpi eq, %iota3A, %eq3A_68 : vector<1024x1024xi32>
    %jit3A_70 = arith.constant 1.000000e+30 : f32
    %broadcast_in_dim3A_71 = vector.broadcast %jit3A_70 : f32 to vector<1024x1024xf32>
    %select_n3A_72 = arith.select %eq3A_69, %broadcast_in_dim3A_71, %select_n3A_56 : vector<1024x1024xi1>, vector<1024x1024xf32>
    %reduce_min3A_73 = arith.constant dense<0x7F800000> : vector<1024xf32>
    %reduce_min3A_74 = vector.multi_reduction <minimumf>, %select_n3A_72, %reduce_min3A_73 [1] : vector<1024x1024xf32> to vector<1024xf32>
    %broadcast_in_dim3A_75 = vector.shape_cast %reduce_min3A_74 : vector<1024xf32> to vector<1024x1xf32>
    %eq3A_76 = vector.broadcast %broadcast_in_dim3A_75 : vector<1024x1xf32> to vector<1024x1024xf32>
    %eq3A_77 = arith.cmpf oeq, %select_n3A_72, %eq3A_76 : vector<1024x1024xf32>
    %jit3A_78 = arith.constant 1024 : i32
    %broadcast_in_dim3A_79 = vector.broadcast %jit3A_78 : i32 to vector<1024x1024xi32>
    %select_n3A_80 = arith.select %eq3A_77, %iota3A, %broadcast_in_dim3A_79 : vector<1024x1024xi1>, vector<1024x1024xi32>
    %reduce_min3A_81 = arith.constant dense<2147483647> : vector<1024xi32>
    %reduce_min3A_82 = vector.multi_reduction <minsi>, %select_n3A_80, %reduce_min3A_81 [1] : vector<1024x1024xi32> to vector<1024xi32>
    %broadcast_in_dim3A_83 = vector.shape_cast %reduce_min3A_82 : vector<1024xi32> to vector<1024x1xi32>
    %eq3A_84 = vector.broadcast %broadcast_in_dim3A_83 : vector<1024x1xi32> to vector<1024x1024xi32>
    %eq3A_85 = arith.cmpi eq, %iota3A, %eq3A_84 : vector<1024x1024xi32>
    %jit3A_86 = arith.constant 1.000000e+30 : f32
    %broadcast_in_dim3A_87 = vector.broadcast %jit3A_86 : f32 to vector<1024x1024xf32>
    %select_n3A_88 = arith.select %eq3A_85, %broadcast_in_dim3A_87, %select_n3A_72 : vector<1024x1024xi1>, vector<1024x1024xf32>
    %reduce_min3A_89 = arith.constant dense<0x7F800000> : vector<1024xf32>
    %reduce_min3A_90 = vector.multi_reduction <minimumf>, %select_n3A_88, %reduce_min3A_89 [1] : vector<1024x1024xf32> to vector<1024xf32>
    %broadcast_in_dim3A_91 = vector.shape_cast %reduce_min3A_90 : vector<1024xf32> to vector<1024x1xf32>
    %eq3A_92 = vector.broadcast %broadcast_in_dim3A_91 : vector<1024x1xf32> to vector<1024x1024xf32>
    %eq3A_93 = arith.cmpf oeq, %select_n3A_88, %eq3A_92 : vector<1024x1024xf32>
    %jit3A_94 = arith.constant 1024 : i32
    %broadcast_in_dim3A_95 = vector.broadcast %jit3A_94 : i32 to vector<1024x1024xi32>
    %select_n3A_96 = arith.select %eq3A_93, %iota3A, %broadcast_in_dim3A_95 : vector<1024x1024xi1>, vector<1024x1024xi32>
    %reduce_min3A_97 = arith.constant dense<2147483647> : vector<1024xi32>
    %reduce_min3A_98 = vector.multi_reduction <minsi>, %select_n3A_96, %reduce_min3A_97 [1] : vector<1024x1024xi32> to vector<1024xi32>
    %broadcast_in_dim3A_99 = vector.shape_cast %reduce_min3A_98 : vector<1024xi32> to vector<1024x1xi32>
    %eq3A_100 = vector.broadcast %broadcast_in_dim3A_99 : vector<1024x1xi32> to vector<1024x1024xi32>
    %eq3A_101 = arith.cmpi eq, %iota3A, %eq3A_100 : vector<1024x1024xi32>
    %jit3A_102 = arith.constant 1.000000e+30 : f32
    %broadcast_in_dim3A_103 = vector.broadcast %jit3A_102 : f32 to vector<1024x1024xf32>
    %select_n3A_104 = arith.select %eq3A_101, %broadcast_in_dim3A_103, %select_n3A_88 : vector<1024x1024xi1>, vector<1024x1024xf32>
    %reduce_min3A_105 = arith.constant dense<0x7F800000> : vector<1024xf32>
    %reduce_min3A_106 = vector.multi_reduction <minimumf>, %select_n3A_104, %reduce_min3A_105 [1] : vector<1024x1024xf32> to vector<1024xf32>
    %broadcast_in_dim3A_107 = vector.shape_cast %reduce_min3A_106 : vector<1024xf32> to vector<1024x1xf32>
    %eq3A_108 = vector.broadcast %broadcast_in_dim3A_107 : vector<1024x1xf32> to vector<1024x1024xf32>
    %eq3A_109 = arith.cmpf oeq, %select_n3A_104, %eq3A_108 : vector<1024x1024xf32>
    %jit3A_110 = arith.constant 1024 : i32
    %broadcast_in_dim3A_111 = vector.broadcast %jit3A_110 : i32 to vector<1024x1024xi32>
    %select_n3A_112 = arith.select %eq3A_109, %iota3A, %broadcast_in_dim3A_111 : vector<1024x1024xi1>, vector<1024x1024xi32>
    %reduce_min3A_113 = arith.constant dense<2147483647> : vector<1024xi32>
    %reduce_min3A_114 = vector.multi_reduction <minsi>, %select_n3A_112, %reduce_min3A_113 [1] : vector<1024x1024xi32> to vector<1024xi32>
    %broadcast_in_dim3A_115 = vector.shape_cast %reduce_min3A_114 : vector<1024xi32> to vector<1024x1xi32>
    %eq3A_116 = vector.broadcast %broadcast_in_dim3A_115 : vector<1024x1xi32> to vector<1024x1024xi32>
    %eq3A_117 = arith.cmpi eq, %iota3A, %eq3A_116 : vector<1024x1024xi32>
    %jit3A_118 = arith.constant 1.000000e+30 : f32
    %broadcast_in_dim3A_119 = vector.broadcast %jit3A_118 : f32 to vector<1024x1024xf32>
    %select_n3A_120 = arith.select %eq3A_117, %broadcast_in_dim3A_119, %select_n3A_104 : vector<1024x1024xi1>, vector<1024x1024xf32>
    %reduce_min3A_121 = arith.constant dense<0x7F800000> : vector<1024xf32>
    %reduce_min3A_122 = vector.multi_reduction <minimumf>, %select_n3A_120, %reduce_min3A_121 [1] : vector<1024x1024xf32> to vector<1024xf32>
    %broadcast_in_dim3A_123 = vector.shape_cast %reduce_min3A_122 : vector<1024xf32> to vector<1024x1xf32>
    %eq3A_124 = vector.broadcast %broadcast_in_dim3A_123 : vector<1024x1xf32> to vector<1024x1024xf32>
    %eq3A_125 = arith.cmpf oeq, %select_n3A_120, %eq3A_124 : vector<1024x1024xf32>
    %jit3A_126 = arith.constant 1024 : i32
    %broadcast_in_dim3A_127 = vector.broadcast %jit3A_126 : i32 to vector<1024x1024xi32>
    %select_n3A_128 = arith.select %eq3A_125, %iota3A, %broadcast_in_dim3A_127 : vector<1024x1024xi1>, vector<1024x1024xi32>
    %reduce_min3A_129 = arith.constant dense<2147483647> : vector<1024xi32>
    %reduce_min3A_130 = vector.multi_reduction <minsi>, %select_n3A_128, %reduce_min3A_129 [1] : vector<1024x1024xi32> to vector<1024xi32>
    %broadcast_in_dim3A_131 = vector.shape_cast %reduce_min3A_130 : vector<1024xi32> to vector<1024x1xi32>
    %eq3A_132 = vector.broadcast %broadcast_in_dim3A_131 : vector<1024x1xi32> to vector<1024x1024xi32>
    %eq3A_133 = arith.cmpi eq, %iota3A, %eq3A_132 : vector<1024x1024xi32>
    %jit3A_134 = arith.constant 1.000000e+30 : f32
    %broadcast_in_dim3A_135 = vector.broadcast %jit3A_134 : f32 to vector<1024x1024xf32>
    %select_n3A_136 = arith.select %eq3A_133, %broadcast_in_dim3A_135, %select_n3A_120 : vector<1024x1024xi1>, vector<1024x1024xf32>
    %reduce_min3A_137 = arith.constant dense<0x7F800000> : vector<1024xf32>
    %reduce_min3A_138 = vector.multi_reduction <minimumf>, %select_n3A_136, %reduce_min3A_137 [1] : vector<1024x1024xf32> to vector<1024xf32>
    %broadcast_in_dim3A_139 = vector.shape_cast %reduce_min3A_138 : vector<1024xf32> to vector<1024x1xf32>
    %eq3A_140 = vector.broadcast %broadcast_in_dim3A_139 : vector<1024x1xf32> to vector<1024x1024xf32>
    %eq3A_141 = arith.cmpf oeq, %select_n3A_136, %eq3A_140 : vector<1024x1024xf32>
    %jit3A_142 = arith.constant 1024 : i32
    %broadcast_in_dim3A_143 = vector.broadcast %jit3A_142 : i32 to vector<1024x1024xi32>
    %select_n3A_144 = arith.select %eq3A_141, %iota3A, %broadcast_in_dim3A_143 : vector<1024x1024xi1>, vector<1024x1024xi32>
    %reduce_min3A_145 = arith.constant dense<2147483647> : vector<1024xi32>
    %reduce_min3A_146 = vector.multi_reduction <minsi>, %select_n3A_144, %reduce_min3A_145 [1] : vector<1024x1024xi32> to vector<1024xi32>
    %broadcast_in_dim3A_147 = vector.shape_cast %reduce_min3A_146 : vector<1024xi32> to vector<1024x1xi32>
    %neg3A = arith.constant 0.000000e+00 : f32
    %neg3A_148 = vector.broadcast %neg3A : f32 to vector<1024x1xf32>
    %neg3A_149 = arith.subf %neg3A_148, %broadcast_in_dim3A_27 : vector<1024x1xf32>
    %div3A = arith.constant 8.000000e-02 : f32
    %div3A_150 = vector.broadcast %div3A : f32 to vector<1024x1xf32>
    %div3A_151 = arith.divf %neg3A_149, %div3A_150 : vector<1024x1xf32>
    %exp3A = math.exp %div3A_151 : vector<1024x1xf32>
    %neg3A_152 = arith.constant 0.000000e+00 : f32
    %neg3A_153 = vector.broadcast %neg3A_152 : f32 to vector<1024x1xf32>
    %neg3A_154 = arith.subf %neg3A_153, %broadcast_in_dim3A_43 : vector<1024x1xf32>
    %div3A_155 = arith.constant 8.000000e-02 : f32
    %div3A_156 = vector.broadcast %div3A_155 : f32 to vector<1024x1xf32>
    %div3A_157 = arith.divf %neg3A_154, %div3A_156 : vector<1024x1xf32>
    %exp3A_158 = math.exp %div3A_157 : vector<1024x1xf32>
    %neg3A_159 = arith.constant 0.000000e+00 : f32
    %neg3A_160 = vector.broadcast %neg3A_159 : f32 to vector<1024x1xf32>
    %neg3A_161 = arith.subf %neg3A_160, %broadcast_in_dim3A_59 : vector<1024x1xf32>
    %div3A_162 = arith.constant 8.000000e-02 : f32
    %div3A_163 = vector.broadcast %div3A_162 : f32 to vector<1024x1xf32>
    %div3A_164 = arith.divf %neg3A_161, %div3A_163 : vector<1024x1xf32>
    %exp3A_165 = math.exp %div3A_164 : vector<1024x1xf32>
    %neg3A_166 = arith.constant 0.000000e+00 : f32
    %neg3A_167 = vector.broadcast %neg3A_166 : f32 to vector<1024x1xf32>
    %neg3A_168 = arith.subf %neg3A_167, %broadcast_in_dim3A_75 : vector<1024x1xf32>
    %div3A_169 = arith.constant 8.000000e-02 : f32
    %div3A_170 = vector.broadcast %div3A_169 : f32 to vector<1024x1xf32>
    %div3A_171 = arith.divf %neg3A_168, %div3A_170 : vector<1024x1xf32>
    %exp3A_172 = math.exp %div3A_171 : vector<1024x1xf32>
    %neg3A_173 = arith.constant 0.000000e+00 : f32
    %neg3A_174 = vector.broadcast %neg3A_173 : f32 to vector<1024x1xf32>
    %neg3A_175 = arith.subf %neg3A_174, %broadcast_in_dim3A_91 : vector<1024x1xf32>
    %div3A_176 = arith.constant 8.000000e-02 : f32
    %div3A_177 = vector.broadcast %div3A_176 : f32 to vector<1024x1xf32>
    %div3A_178 = arith.divf %neg3A_175, %div3A_177 : vector<1024x1xf32>
    %exp3A_179 = math.exp %div3A_178 : vector<1024x1xf32>
    %neg3A_180 = arith.constant 0.000000e+00 : f32
    %neg3A_181 = vector.broadcast %neg3A_180 : f32 to vector<1024x1xf32>
    %neg3A_182 = arith.subf %neg3A_181, %broadcast_in_dim3A_107 : vector<1024x1xf32>
    %div3A_183 = arith.constant 8.000000e-02 : f32
    %div3A_184 = vector.broadcast %div3A_183 : f32 to vector<1024x1xf32>
    %div3A_185 = arith.divf %neg3A_182, %div3A_184 : vector<1024x1xf32>
    %exp3A_186 = math.exp %div3A_185 : vector<1024x1xf32>
    %neg3A_187 = arith.constant 0.000000e+00 : f32
    %neg3A_188 = vector.broadcast %neg3A_187 : f32 to vector<1024x1xf32>
    %neg3A_189 = arith.subf %neg3A_188, %broadcast_in_dim3A_123 : vector<1024x1xf32>
    %div3A_190 = arith.constant 8.000000e-02 : f32
    %div3A_191 = vector.broadcast %div3A_190 : f32 to vector<1024x1xf32>
    %div3A_192 = arith.divf %neg3A_189, %div3A_191 : vector<1024x1xf32>
    %exp3A_193 = math.exp %div3A_192 : vector<1024x1xf32>
    %neg3A_194 = arith.constant 0.000000e+00 : f32
    %neg3A_195 = vector.broadcast %neg3A_194 : f32 to vector<1024x1xf32>
    %neg3A_196 = arith.subf %neg3A_195, %broadcast_in_dim3A_139 : vector<1024x1xf32>
    %div3A_197 = arith.constant 8.000000e-02 : f32
    %div3A_198 = vector.broadcast %div3A_197 : f32 to vector<1024x1xf32>
    %div3A_199 = arith.divf %neg3A_196, %div3A_198 : vector<1024x1xf32>
    %exp3A_200 = math.exp %div3A_199 : vector<1024x1xf32>
    %add3A_201 = arith.addf %exp3A, %exp3A_158 : vector<1024x1xf32>
    %add3A_202 = arith.addf %add3A_201, %exp3A_165 : vector<1024x1xf32>
    %add3A_203 = arith.addf %add3A_202, %exp3A_172 : vector<1024x1xf32>
    %add3A_204 = arith.addf %add3A_203, %exp3A_179 : vector<1024x1xf32>
    %add3A_205 = arith.addf %add3A_204, %exp3A_186 : vector<1024x1xf32>
    %add3A_206 = arith.addf %add3A_205, %exp3A_193 : vector<1024x1xf32>
    %add3A_207 = arith.addf %add3A_206, %exp3A_200 : vector<1024x1xf32>
    %add3A_208 = arith.constant 9.99999993E-9 : f32
    %add3A_209 = vector.broadcast %add3A_208 : f32 to vector<1024x1xf32>
    %add3A_210 = arith.addf %add3A_207, %add3A_209 : vector<1024x1xf32>
    %div3A_211 = arith.constant 1.000000e+00 : f32
    %div3A_212 = vector.broadcast %div3A_211 : f32 to vector<1024x1xf32>
    %div3A_213 = arith.divf %div3A_212, %add3A_210 : vector<1024x1xf32>
    %mul3A_214 = arith.mulf %add3A_207, %div3A_213 : vector<1024x1xf32>
    %concatenate3A = tpu.concatenate %broadcast_in_dim3A_35, %broadcast_in_dim3A_51, %broadcast_in_dim3A_67, %broadcast_in_dim3A_83, %broadcast_in_dim3A_99, %broadcast_in_dim3A_115, %broadcast_in_dim3A_131, %broadcast_in_dim3A_147 in 1 : vector<1024x1xi32>, vector<1024x1xi32>, vector<1024x1xi32>, vector<1024x1xi32>, vector<1024x1xi32>, vector<1024x1xi32>, vector<1024x1xi32>, vector<1024x1xi32> -> vector<1024x8xi32>
    %mul3A_215 = arith.constant 1024 : i32
    %mul3A_216 = arith.muli %arg0, %mul3A_215 : i32
    %add3A_217 = vector.broadcast %mul3A_216 : i32 to vector<1024x8xi32>
    %add3A_218 = arith.addi %concatenate3A, %add3A_217 : vector<1024x8xi32>
    %swap3A = arith.constant 0 : index
    %swap3A_219 = arith.constant 0 : index
    %swap3A_220 = arith.constant 0 : index
    %swap3A_221 = vector.load %arg6[%swap3A, %swap3A_219, %swap3A_220] : memref<1x1024x8xi32, #tpu.memory_space<vmem>>, vector<1x1024x8xi32>
    %swap3A_222 = vector.shape_cast %swap3A_221 : vector<1x1024x8xi32> to vector<1024x8xi32>
    %swap3A_223 = vector.shape_cast %add3A_218 : vector<1024x8xi32> to vector<1x1024x8xi32>
    tpu.vector_store %arg6[%swap3A, %swap3A_219, %swap3A_220], %swap3A_223 {strides = array<i32>} : memref<1x1024x8xi32, #tpu.memory_space<vmem>>, vector<1x1024x8xi32>,
    %concatenate3A_224 = tpu.concatenate %exp3A, %exp3A_158, %exp3A_165, %exp3A_172, %exp3A_179, %exp3A_186, %exp3A_193, %exp3A_200 in 1 : vector<1024x1xf32>, vector<1024x1xf32>, vector<1024x1xf32>, vector<1024x1xf32>, vector<1024x1xf32>, vector<1024x1xf32>, vector<1024x1xf32>, vector<1024x1xf32> -> vector<1024x8xf32>
    %mul3A_225 = vector.broadcast %div3A_213 : vector<1024x1xf32> to vector<1024x8xf32>
    %mul3A_226 = arith.mulf %concatenate3A_224, %mul3A_225 : vector<1024x8xf32>
    %swap3A_227 = arith.constant 0 : index
    %swap3A_228 = arith.constant 0 : index
    %swap3A_229 = arith.constant 0 : index
    %swap3A_230 = vector.load %arg7[%swap3A_227, %swap3A_228, %swap3A_229] : memref<1x1024x8xf32, #tpu.memory_space<vmem>>, vector<1x1024x8xf32>
    %swap3A_231 = vector.shape_cast %swap3A_230 : vector<1x1024x8xf32> to vector<1024x8xf32>
    %swap3A_232 = vector.shape_cast %mul3A_226 : vector<1024x8xf32> to vector<1x1024x8xf32>
    tpu.vector_store %arg7[%swap3A_227, %swap3A_228, %swap3A_229], %swap3A_232 {strides = array<i32>} : memref<1x1024x8xf32, #tpu.memory_space<vmem>>, vector<1x1024x8xf32>,
    %get3A_233 = arith.constant 0 : index
    %get3A_234 = arith.constant 0 : index
    %get3A_235 = vector.load %arg3[%get3A_233, %get3A_234] : memref<1x32xf32, #tpu.memory_space<vmem>>, vector<1x32xf32>
    %mul3A_236 = vector.broadcast %mul3A_214 : vector<1024x1xf32> to vector<1024x32xf32>
    %mul3A_237 = vector.broadcast %get3A_235 : vector<1x32xf32> to vector<1024x32xf32>
    %mul3A_238 = arith.mulf %mul3A_236, %mul3A_237 : vector<1024x32xf32>
    %get3A_239 = arith.constant 0 : index
    %get3A_240 = arith.constant 0 : index
    %get3A_241 = vector.load %arg4[%get3A_239, %get3A_240] : memref<1x32xf32, #tpu.memory_space<vmem>>, vector<1x32xf32>
    %add3A_242 = vector.broadcast %get3A_241 : vector<1x32xf32> to vector<1024x32xf32>
    %add3A_243 = arith.addf %mul3A_238, %add3A_242 : vector<1024x32xf32>
    %ge3A = arith.constant 0.000000e+00 : f32
    %ge3A_244 = vector.broadcast %ge3A : f32 to vector<1024x32xf32>
    %ge3A_245 = arith.cmpf oge, %add3A_243, %ge3A_244 : vector<1024x32xf32>
    %mul3A_246 = arith.constant 0.00999999977 : f32
    %mul3A_247 = vector.broadcast %mul3A_246 : f32 to vector<1024x32xf32>
    %mul3A_248 = arith.mulf %mul3A_247, %add3A_243 : vector<1024x32xf32>
    %select_n3A_249 = arith.select %ge3A_245, %add3A_243, %mul3A_248 : vector<1024x32xi1>, vector<1024x32xf32>
    %swap3A_250 = arith.constant 0 : index
    %swap3A_251 = arith.constant 0 : index
    %swap3A_252 = vector.load %arg5[%swap3A_250, %swap3A_251] : memref<1024x32xf32, #tpu.memory_space<vmem>>, vector<1024x32xf32>
    tpu.vector_store %arg5[%swap3A_250, %swap3A_251], %select_n3A_249 {strides = array<i32>} : memref<1024x32xf32, #tpu.memory_space<vmem>>, vector<1024x32xf32>,
    return
  }
  func.func @transform_0(%arg0: i32) -> (i32, i32, i32) {
    %c0_i32 = arith.constant 0 : i32
    %c0_i32_0 = arith.constant 0 : i32
    %c0_i32_1 = arith.constant 0 : i32
    return %arg0, %c0_i32, %c0_i32_0 : i32, i32, i32
  }
  func.func @transform_1(%arg0: i32) -> (i32, i32, i32) {
    %c0_i32 = arith.constant 0 : i32
    %c0_i32_0 = arith.constant 0 : i32
    %c0_i32_1 = arith.constant 0 : i32
    return %arg0, %c0_i32, %c0_i32_0 : i32, i32, i32
  }
  func.func @transform_2(%arg0: i32) -> (i32, i32) {
    %c0_i32 = arith.constant 0 : i32
    %c0_i32_0 = arith.constant 0 : i32
    %c0_i32_1 = arith.constant 0 : i32
    return %c0_i32, %c0_i32_0 : i32, i32
  }
  func.func @transform_3(%arg0: i32) -> (i32, i32) {
    %c0_i32 = arith.constant 0 : i32
    %c0_i32_0 = arith.constant 0 : i32
    %c0_i32_1 = arith.constant 0 : i32
    return %c0_i32, %c0_i32_0 : i32, i32
  }
  func.func @transform_4(%arg0: i32) -> (i32, i32) {
    %c0_i32 = arith.constant 0 : i32
    %c0_i32_0 = arith.constant 0 : i32
    return %arg0, %c0_i32 : i32, i32
  }
  func.func @transform_5(%arg0: i32) -> (i32, i32, i32) {
    %c0_i32 = arith.constant 0 : i32
    %c0_i32_0 = arith.constant 0 : i32
    %c0_i32_1 = arith.constant 0 : i32
    return %arg0, %c0_i32, %c0_i32_0 : i32, i32, i32
  }
  func.func @transform_6(%arg0: i32) -> (i32, i32, i32) {
    %c0_i32 = arith.constant 0 : i32
    %c0_i32_0 = arith.constant 0 : i32
    %c0_i32_1 = arith.constant 0 : i32
    return %arg0, %c0_i32, %c0_i32_0 : i32, i32, i32
  }
}

module attributes {stable_mosaic.version = 14 : i64} {
  func.func @_conv_kernel(%arg0: memref<2048x8x32xf32, #tpu.memory_space<vmem>>, %arg1: memref<2048x8xf32, #tpu.memory_space<vmem>>, %arg2: memref<32x32xf32, #tpu.memory_space<vmem>>, %arg3: memref<1x32xf32, #tpu.memory_space<vmem>>, %arg4: memref<2048x32xf32, #tpu.memory_space<vmem>>) attributes {dimension_semantics = [], scalar_prefetch = 0 : i64, scratch_operands = 0 : i64, tpu.core_type = #tpu.core_type<tc>} {
    %get3A = arith.constant 0 : index
    %get3A_0 = arith.constant 0 : index
    %get3A_1 = vector.load %arg1[%get3A, %get3A_0] : memref<2048x8xf32, #tpu.memory_space<vmem>>, vector<2048x1xf32>
    %get3A_2 = arith.constant 0 : index
    %get3A_3 = arith.constant 0 : index
    %get3A_4 = arith.constant 0 : index
    %get3A_5 = vector.load %arg0[%get3A_2, %get3A_3, %get3A_4] : memref<2048x8x32xf32, #tpu.memory_space<vmem>>, vector<2048x1x32xf32>
    %get3A_6 = vector.shape_cast %get3A_5 : vector<2048x1x32xf32> to vector<2048x32xf32>
    %mul3A = vector.broadcast %get3A_1 : vector<2048x1xf32> to vector<2048x32xf32>
    %mul3A_7 = arith.mulf %mul3A, %get3A_6 : vector<2048x32xf32>
    %get3A_8 = arith.constant 0 : index
    %get3A_9 = arith.constant 1 : index
    %get3A_10 = vector.load %arg1[%get3A_8, %get3A_9] : memref<2048x8xf32, #tpu.memory_space<vmem>>, vector<2048x1xf32>
    %get3A_11 = arith.constant 0 : index
    %get3A_12 = arith.constant 1 : index
    %get3A_13 = arith.constant 0 : index
    %get3A_14 = vector.load %arg0[%get3A_11, %get3A_12, %get3A_13] : memref<2048x8x32xf32, #tpu.memory_space<vmem>>, vector<2048x1x32xf32>
    %get3A_15 = vector.shape_cast %get3A_14 : vector<2048x1x32xf32> to vector<2048x32xf32>
    %mul3A_16 = vector.broadcast %get3A_10 : vector<2048x1xf32> to vector<2048x32xf32>
    %mul3A_17 = arith.mulf %mul3A_16, %get3A_15 : vector<2048x32xf32>
    %add3A = arith.addf %mul3A_7, %mul3A_17 : vector<2048x32xf32>
    %get3A_18 = arith.constant 0 : index
    %get3A_19 = arith.constant 2 : index
    %get3A_20 = vector.load %arg1[%get3A_18, %get3A_19] : memref<2048x8xf32, #tpu.memory_space<vmem>>, vector<2048x1xf32>
    %get3A_21 = arith.constant 0 : index
    %get3A_22 = arith.constant 2 : index
    %get3A_23 = arith.constant 0 : index
    %get3A_24 = vector.load %arg0[%get3A_21, %get3A_22, %get3A_23] : memref<2048x8x32xf32, #tpu.memory_space<vmem>>, vector<2048x1x32xf32>
    %get3A_25 = vector.shape_cast %get3A_24 : vector<2048x1x32xf32> to vector<2048x32xf32>
    %mul3A_26 = vector.broadcast %get3A_20 : vector<2048x1xf32> to vector<2048x32xf32>
    %mul3A_27 = arith.mulf %mul3A_26, %get3A_25 : vector<2048x32xf32>
    %add3A_28 = arith.addf %add3A, %mul3A_27 : vector<2048x32xf32>
    %get3A_29 = arith.constant 0 : index
    %get3A_30 = arith.constant 3 : index
    %get3A_31 = vector.load %arg1[%get3A_29, %get3A_30] : memref<2048x8xf32, #tpu.memory_space<vmem>>, vector<2048x1xf32>
    %get3A_32 = arith.constant 0 : index
    %get3A_33 = arith.constant 3 : index
    %get3A_34 = arith.constant 0 : index
    %get3A_35 = vector.load %arg0[%get3A_32, %get3A_33, %get3A_34] : memref<2048x8x32xf32, #tpu.memory_space<vmem>>, vector<2048x1x32xf32>
    %get3A_36 = vector.shape_cast %get3A_35 : vector<2048x1x32xf32> to vector<2048x32xf32>
    %mul3A_37 = vector.broadcast %get3A_31 : vector<2048x1xf32> to vector<2048x32xf32>
    %mul3A_38 = arith.mulf %mul3A_37, %get3A_36 : vector<2048x32xf32>
    %add3A_39 = arith.addf %add3A_28, %mul3A_38 : vector<2048x32xf32>
    %get3A_40 = arith.constant 0 : index
    %get3A_41 = arith.constant 4 : index
    %get3A_42 = vector.load %arg1[%get3A_40, %get3A_41] : memref<2048x8xf32, #tpu.memory_space<vmem>>, vector<2048x1xf32>
    %get3A_43 = arith.constant 0 : index
    %get3A_44 = arith.constant 4 : index
    %get3A_45 = arith.constant 0 : index
    %get3A_46 = vector.load %arg0[%get3A_43, %get3A_44, %get3A_45] : memref<2048x8x32xf32, #tpu.memory_space<vmem>>, vector<2048x1x32xf32>
    %get3A_47 = vector.shape_cast %get3A_46 : vector<2048x1x32xf32> to vector<2048x32xf32>
    %mul3A_48 = vector.broadcast %get3A_42 : vector<2048x1xf32> to vector<2048x32xf32>
    %mul3A_49 = arith.mulf %mul3A_48, %get3A_47 : vector<2048x32xf32>
    %add3A_50 = arith.addf %add3A_39, %mul3A_49 : vector<2048x32xf32>
    %get3A_51 = arith.constant 0 : index
    %get3A_52 = arith.constant 5 : index
    %get3A_53 = vector.load %arg1[%get3A_51, %get3A_52] : memref<2048x8xf32, #tpu.memory_space<vmem>>, vector<2048x1xf32>
    %get3A_54 = arith.constant 0 : index
    %get3A_55 = arith.constant 5 : index
    %get3A_56 = arith.constant 0 : index
    %get3A_57 = vector.load %arg0[%get3A_54, %get3A_55, %get3A_56] : memref<2048x8x32xf32, #tpu.memory_space<vmem>>, vector<2048x1x32xf32>
    %get3A_58 = vector.shape_cast %get3A_57 : vector<2048x1x32xf32> to vector<2048x32xf32>
    %mul3A_59 = vector.broadcast %get3A_53 : vector<2048x1xf32> to vector<2048x32xf32>
    %mul3A_60 = arith.mulf %mul3A_59, %get3A_58 : vector<2048x32xf32>
    %add3A_61 = arith.addf %add3A_50, %mul3A_60 : vector<2048x32xf32>
    %get3A_62 = arith.constant 0 : index
    %get3A_63 = arith.constant 6 : index
    %get3A_64 = vector.load %arg1[%get3A_62, %get3A_63] : memref<2048x8xf32, #tpu.memory_space<vmem>>, vector<2048x1xf32>
    %get3A_65 = arith.constant 0 : index
    %get3A_66 = arith.constant 6 : index
    %get3A_67 = arith.constant 0 : index
    %get3A_68 = vector.load %arg0[%get3A_65, %get3A_66, %get3A_67] : memref<2048x8x32xf32, #tpu.memory_space<vmem>>, vector<2048x1x32xf32>
    %get3A_69 = vector.shape_cast %get3A_68 : vector<2048x1x32xf32> to vector<2048x32xf32>
    %mul3A_70 = vector.broadcast %get3A_64 : vector<2048x1xf32> to vector<2048x32xf32>
    %mul3A_71 = arith.mulf %mul3A_70, %get3A_69 : vector<2048x32xf32>
    %add3A_72 = arith.addf %add3A_61, %mul3A_71 : vector<2048x32xf32>
    %get3A_73 = arith.constant 0 : index
    %get3A_74 = arith.constant 7 : index
    %get3A_75 = vector.load %arg1[%get3A_73, %get3A_74] : memref<2048x8xf32, #tpu.memory_space<vmem>>, vector<2048x1xf32>
    %get3A_76 = arith.constant 0 : index
    %get3A_77 = arith.constant 7 : index
    %get3A_78 = arith.constant 0 : index
    %get3A_79 = vector.load %arg0[%get3A_76, %get3A_77, %get3A_78] : memref<2048x8x32xf32, #tpu.memory_space<vmem>>, vector<2048x1x32xf32>
    %get3A_80 = vector.shape_cast %get3A_79 : vector<2048x1x32xf32> to vector<2048x32xf32>
    %mul3A_81 = vector.broadcast %get3A_75 : vector<2048x1xf32> to vector<2048x32xf32>
    %mul3A_82 = arith.mulf %mul3A_81, %get3A_80 : vector<2048x32xf32>
    %add3A_83 = arith.addf %add3A_72, %mul3A_82 : vector<2048x32xf32>
    %get3A_84 = arith.constant 0 : index
    %get3A_85 = arith.constant 0 : index
    %get3A_86 = vector.load %arg2[%get3A_84, %get3A_85] : memref<32x32xf32, #tpu.memory_space<vmem>>, vector<32x32xf32>
    %dot_general3A = arith.constant dense<0.000000e+00> : vector<2048x32xf32>
    %dot_general3A_87 = tpu.matmul %add3A_83, %get3A_86, %dot_general3A {dimension_numbers = #tpu.dot_dimension_numbers<[1], [0], [0], [1], [0, 0, 1, 1], [], []>, transpose_lhs_hint = false} : vector<2048x32xf32>, vector<32x32xf32>, vector<2048x32xf32> -> vector<2048x32xf32>
    %get3A_88 = arith.constant 0 : index
    %get3A_89 = arith.constant 0 : index
    %get3A_90 = vector.load %arg3[%get3A_88, %get3A_89] : memref<1x32xf32, #tpu.memory_space<vmem>>, vector<1x32xf32>
    %add3A_91 = vector.broadcast %get3A_90 : vector<1x32xf32> to vector<2048x32xf32>
    %add3A_92 = arith.addf %dot_general3A_87, %add3A_91 : vector<2048x32xf32>
    %ge3A = arith.constant 0.000000e+00 : f32
    %ge3A_93 = vector.broadcast %ge3A : f32 to vector<2048x32xf32>
    %ge3A_94 = arith.cmpf oge, %add3A_92, %ge3A_93 : vector<2048x32xf32>
    %mul3A_95 = arith.constant 0.00999999977 : f32
    %mul3A_96 = vector.broadcast %mul3A_95 : f32 to vector<2048x32xf32>
    %mul3A_97 = arith.mulf %mul3A_96, %add3A_92 : vector<2048x32xf32>
    %select_n3A = arith.select %ge3A_94, %add3A_92, %mul3A_97 : vector<2048x32xi1>, vector<2048x32xf32>
    %swap3A = arith.constant 0 : index
    %swap3A_98 = arith.constant 0 : index
    %swap3A_99 = vector.load %arg4[%swap3A, %swap3A_98] : memref<2048x32xf32, #tpu.memory_space<vmem>>, vector<2048x32xf32>
    tpu.vector_store %arg4[%swap3A, %swap3A_98], %select_n3A {strides = array<i32>} : memref<2048x32xf32, #tpu.memory_space<vmem>>, vector<2048x32xf32>,
    return
  }
}

module attributes {stable_mosaic.version = 14 : i64} {
  func.func @_out_kernel(%arg0: memref<2048x32xf32, #tpu.memory_space<vmem>>, %arg1: memref<32x128xf32, #tpu.memory_space<vmem>>, %arg2: memref<1x128xf32, #tpu.memory_space<vmem>>, %arg3: memref<128x128xf32, #tpu.memory_space<vmem>>, %arg4: memref<1x128xf32, #tpu.memory_space<vmem>>, %arg5: memref<60x4xf32, #tpu.memory_space<vmem>>, %arg6: memref<128x64xf32, #tpu.memory_space<vmem>>, %arg7: memref<1x64xf32, #tpu.memory_space<vmem>>, %arg8: memref<64x3xf32, #tpu.memory_space<vmem>>, %arg9: memref<1x3xf32, #tpu.memory_space<vmem>>, %arg10: memref<2x71xf32, #tpu.memory_space<vmem>>) attributes {dimension_semantics = [], scalar_prefetch = 0 : i64, scratch_operands = 0 : i64, tpu.core_type = #tpu.core_type<tc>} {
    %get3A = arith.constant 0 : index
    %get3A_0 = arith.constant 0 : index
    %get3A_1 = vector.load %arg0[%get3A, %get3A_0] : memref<2048x32xf32, #tpu.memory_space<vmem>>, vector<2048x32xf32>
    %get3A_2 = arith.constant 0 : index
    %get3A_3 = arith.constant 0 : index
    %get3A_4 = vector.load %arg1[%get3A_2, %get3A_3] : memref<32x128xf32, #tpu.memory_space<vmem>>, vector<32x128xf32>
    %dot_general3A = arith.constant dense<0.000000e+00> : vector<2048x128xf32>
    %dot_general3A_5 = tpu.matmul %get3A_1, %get3A_4, %dot_general3A {dimension_numbers = #tpu.dot_dimension_numbers<[1], [0], [0], [1], [0, 0, 1, 1], [], []>, transpose_lhs_hint = false} : vector<2048x32xf32>, vector<32x128xf32>, vector<2048x128xf32> -> vector<2048x128xf32>
    %get3A_6 = arith.constant 0 : index
    %get3A_7 = arith.constant 0 : index
    %get3A_8 = vector.load %arg2[%get3A_6, %get3A_7] : memref<1x128xf32, #tpu.memory_space<vmem>>, vector<1x128xf32>
    %add3A = vector.broadcast %get3A_8 : vector<1x128xf32> to vector<2048x128xf32>
    %add3A_9 = arith.addf %dot_general3A_5, %add3A : vector<2048x128xf32>
    %max3A = arith.constant 0.000000e+00 : f32
    %max3A_10 = vector.broadcast %max3A : f32 to vector<2048x128xf32>
    %max3A_11 = arith.maximumf %add3A_9, %max3A_10 : vector<2048x128xf32>
    %get3A_12 = arith.constant 0 : index
    %get3A_13 = arith.constant 0 : index
    %get3A_14 = vector.load %arg3[%get3A_12, %get3A_13] : memref<128x128xf32, #tpu.memory_space<vmem>>, vector<128x128xf32>
    %dot_general3A_15 = arith.constant dense<0.000000e+00> : vector<2048x128xf32>
    %dot_general3A_16 = tpu.matmul %max3A_11, %get3A_14, %dot_general3A_15 {dimension_numbers = #tpu.dot_dimension_numbers<[1], [0], [0], [1], [0, 0, 1, 1], [], []>, transpose_lhs_hint = false} : vector<2048x128xf32>, vector<128x128xf32>, vector<2048x128xf32> -> vector<2048x128xf32>
    %get3A_17 = arith.constant 0 : index
    %get3A_18 = arith.constant 0 : index
    %get3A_19 = vector.load %arg4[%get3A_17, %get3A_18] : memref<1x128xf32, #tpu.memory_space<vmem>>, vector<1x128xf32>
    %add3A_20 = vector.broadcast %get3A_19 : vector<1x128xf32> to vector<2048x128xf32>
    %add3A_21 = arith.addf %dot_general3A_16, %add3A_20 : vector<2048x128xf32>
    %get3A_22 = arith.constant 0 : index
    %get3A_23 = arith.constant 0 : index
    %get3A_24 = vector.load %arg5[%get3A_22, %get3A_23] : memref<60x4xf32, #tpu.memory_space<vmem>>, vector<60x4xf32>
    %reduce_sum3A = arith.constant dense<0.000000e+00> : vector<4xf32>
    %reduce_sum3A_25 = vector.multi_reduction <add>, %get3A_24, %reduce_sum3A [0] : vector<60x4xf32> to vector<4xf32>
    %broadcast_in_dim3A = vector.shape_cast %reduce_sum3A_25 : vector<4xf32> to vector<1x4xf32>
    %div3A = arith.constant 6.000000e+01 : f32
    %div3A_26 = vector.broadcast %div3A : f32 to vector<1x4xf32>
    %div3A_27 = arith.divf %broadcast_in_dim3A, %div3A_26 : vector<1x4xf32>
    %mul3A = arith.mulf %div3A_27, %div3A_27 : vector<1x4xf32>
    %reduce_sum3A_28 = vector.shape_cast %mul3A : vector<1x4xf32> to vector<1x1x4xf32>
    %reduce_sum3A_29 = arith.constant dense<0.000000e+00> : vector<1xf32>
    %reduce_sum3A_30 = vector.multi_reduction <add>, %reduce_sum3A_28, %reduce_sum3A_29 [1, 2] : vector<1x1x4xf32> to vector<1xf32>
    %reduce_sum3A_31 = vector.shape_cast %reduce_sum3A_30 : vector<1xf32> to vector<1x1x1xf32>
    %reduce_sum3A_32 = vector.extract %reduce_sum3A_31[0, 0, 0] : f32 from vector<1x1x1xf32>
    %sqrt3A = math.sqrt %reduce_sum3A_32 : f32
    %add3A_33 = arith.constant 9.99999993E-9 : f32
    %add3A_34 = arith.addf %sqrt3A, %add3A_33 : f32
    %div3A_35 = vector.broadcast %add3A_34 : f32 to vector<1x4xf32>
    %div3A_36 = arith.divf %div3A_27, %div3A_35 : vector<1x4xf32>
    %slice3A = vector.extract_strided_slice %add3A_21 {offsets = [0, 0], sizes = [1024, 128], strides = [1, 1]} : vector<2048x128xf32> to vector<1024x128xf32>
    %reduce_max3A = arith.constant dense<0xFF800000> : vector<128xf32>
    %reduce_max3A_37 = vector.multi_reduction <maximumf>, %slice3A, %reduce_max3A [0] : vector<1024x128xf32> to vector<128xf32>
    %broadcast_in_dim3A_38 = vector.shape_cast %reduce_max3A_37 : vector<128xf32> to vector<1x128xf32>
    %get3A_39 = arith.constant 0 : index
    %get3A_40 = arith.constant 0 : index
    %get3A_41 = vector.load %arg6[%get3A_39, %get3A_40] : memref<128x64xf32, #tpu.memory_space<vmem>>, vector<128x64xf32>
    %dot_general3A_42 = arith.constant dense<0.000000e+00> : vector<1x64xf32>
    %dot_general3A_43 = tpu.matmul %broadcast_in_dim3A_38, %get3A_41, %dot_general3A_42 {dimension_numbers = #tpu.dot_dimension_numbers<[1], [0], [0], [1], [0, 0, 1, 1], [], []>, transpose_lhs_hint = false} : vector<1x128xf32>, vector<128x64xf32>, vector<1x64xf32> -> vector<1x64xf32>
    %get3A_44 = arith.constant 0 : index
    %get3A_45 = arith.constant 0 : index
    %get3A_46 = vector.load %arg7[%get3A_44, %get3A_45] : memref<1x64xf32, #tpu.memory_space<vmem>>, vector<1x64xf32>
    %add3A_47 = arith.addf %dot_general3A_43, %get3A_46 : vector<1x64xf32>
    %max3A_48 = arith.constant 0.000000e+00 : f32
    %max3A_49 = vector.broadcast %max3A_48 : f32 to vector<1x64xf32>
    %max3A_50 = arith.maximumf %add3A_47, %max3A_49 : vector<1x64xf32>
    %get3A_51 = arith.constant 0 : index
    %get3A_52 = arith.constant 0 : index
    %get3A_53 = vector.load %arg8[%get3A_51, %get3A_52] : memref<64x3xf32, #tpu.memory_space<vmem>>, vector<64x3xf32>
    %dot_general3A_54 = arith.constant dense<0.000000e+00> : vector<1x3xf32>
    %dot_general3A_55 = tpu.matmul %max3A_50, %get3A_53, %dot_general3A_54 {dimension_numbers = #tpu.dot_dimension_numbers<[1], [0], [0], [1], [0, 0, 1, 1], [], []>, transpose_lhs_hint = false} : vector<1x64xf32>, vector<64x3xf32>, vector<1x3xf32> -> vector<1x3xf32>
    %get3A_56 = arith.constant 0 : index
    %get3A_57 = arith.constant 0 : index
    %get3A_58 = vector.load %arg9[%get3A_56, %get3A_57] : memref<1x3xf32, #tpu.memory_space<vmem>>, vector<1x3xf32>
    %add3A_59 = arith.addf %dot_general3A_55, %get3A_58 : vector<1x3xf32>
    %concatenate3A = tpu.concatenate %div3A_36, %add3A_59, %max3A_50 in 1 : vector<1x4xf32>, vector<1x3xf32>, vector<1x64xf32> -> vector<1x71xf32>
    %slice3A_60 = vector.extract_strided_slice %add3A_21 {offsets = [1024, 0], sizes = [1024, 128], strides = [1, 1]} : vector<2048x128xf32> to vector<1024x128xf32>
    %reduce_max3A_61 = arith.constant dense<0xFF800000> : vector<128xf32>
    %reduce_max3A_62 = vector.multi_reduction <maximumf>, %slice3A_60, %reduce_max3A_61 [0] : vector<1024x128xf32> to vector<128xf32>
    %broadcast_in_dim3A_63 = vector.shape_cast %reduce_max3A_62 : vector<128xf32> to vector<1x128xf32>
    %get3A_64 = arith.constant 0 : index
    %get3A_65 = arith.constant 0 : index
    %get3A_66 = vector.load %arg6[%get3A_64, %get3A_65] : memref<128x64xf32, #tpu.memory_space<vmem>>, vector<128x64xf32>
    %dot_general3A_67 = arith.constant dense<0.000000e+00> : vector<1x64xf32>
    %dot_general3A_68 = tpu.matmul %broadcast_in_dim3A_63, %get3A_66, %dot_general3A_67 {dimension_numbers = #tpu.dot_dimension_numbers<[1], [0], [0], [1], [0, 0, 1, 1], [], []>, transpose_lhs_hint = false} : vector<1x128xf32>, vector<128x64xf32>, vector<1x64xf32> -> vector<1x64xf32>
    %get3A_69 = arith.constant 0 : index
    %get3A_70 = arith.constant 0 : index
    %get3A_71 = vector.load %arg7[%get3A_69, %get3A_70] : memref<1x64xf32, #tpu.memory_space<vmem>>, vector<1x64xf32>
    %add3A_72 = arith.addf %dot_general3A_68, %get3A_71 : vector<1x64xf32>
    %max3A_73 = arith.constant 0.000000e+00 : f32
    %max3A_74 = vector.broadcast %max3A_73 : f32 to vector<1x64xf32>
    %max3A_75 = arith.maximumf %add3A_72, %max3A_74 : vector<1x64xf32>
    %get3A_76 = arith.constant 0 : index
    %get3A_77 = arith.constant 0 : index
    %get3A_78 = vector.load %arg8[%get3A_76, %get3A_77] : memref<64x3xf32, #tpu.memory_space<vmem>>, vector<64x3xf32>
    %dot_general3A_79 = arith.constant dense<0.000000e+00> : vector<1x3xf32>
    %dot_general3A_80 = tpu.matmul %max3A_75, %get3A_78, %dot_general3A_79 {dimension_numbers = #tpu.dot_dimension_numbers<[1], [0], [0], [1], [0, 0, 1, 1], [], []>, transpose_lhs_hint = false} : vector<1x64xf32>, vector<64x3xf32>, vector<1x3xf32> -> vector<1x3xf32>
    %get3A_81 = arith.constant 0 : index
    %get3A_82 = arith.constant 0 : index
    %get3A_83 = vector.load %arg9[%get3A_81, %get3A_82] : memref<1x3xf32, #tpu.memory_space<vmem>>, vector<1x3xf32>
    %add3A_84 = arith.addf %dot_general3A_80, %get3A_83 : vector<1x3xf32>
    %concatenate3A_85 = tpu.concatenate %div3A_36, %add3A_84, %max3A_75 in 1 : vector<1x4xf32>, vector<1x3xf32>, vector<1x64xf32> -> vector<1x71xf32>
    %concatenate3A_86 = tpu.concatenate %concatenate3A, %concatenate3A_85 in 0 : vector<1x71xf32>, vector<1x71xf32> -> vector<2x71xf32>
    %swap3A = arith.constant 0 : index
    %swap3A_87 = arith.constant 0 : index
    %swap3A_88 = vector.load %arg10[%swap3A, %swap3A_87] : memref<2x71xf32, #tpu.memory_space<vmem>>, vector<2x71xf32>
    tpu.vector_store %arg10[%swap3A, %swap3A_87], %concatenate3A_86 {strides = array<i32>} : memref<2x71xf32, #tpu.memory_space<vmem>>, vector<2x71xf32>,
    return
  }
}

</mosaic_0001>

<sc_bundles>
// kernel: kernel.18.cloned.1.call-start
scs
__scs_entry_jumppad:
0x0: {  	(pc) =	sbr.rel $0x88, $3  }
0x1: {  	(tag) =	ssettag $0x0;
	lr =	simm.s32 $0x1  }
0x2: {  	[smem:$0x3F87] =	sst lr;
	_ =	strace $0xD0000000  }
0x3: {  	_ = 	snop  }
0x4: {  	_ = 	snop  }
0x5: {  	_ = 	snop  }
0x6: {  	_ = 	snop  }
0x7: {  	_ = 	snop  }
__scs_overlays_trampoline_lowered:
0x8: {  	[smem:$0x3F96] =	sst s0  }
0x9: {  	[smem:$0x3F97] =	sst s1  }
0xa: {  	[smem:$0x3F98] =	sst s2  }
0xb: {  	[smem:$0x3F99] =	sst s3  }
0xc: {  	[smem:$0x3F9A] =	sst s4  }
0xd: {  	[smem:$0x3F9B] =	sst s5  }
0xe: {  	[smem:$0x3F9C] =	sst s6  }
0xf: {  	[smem:$0x3F9D] =	sst s7  }
0x10: {  	[smem:$0x3F9E] =	sst s8  }
0x11: {  	[smem:$0x3F9F] =	sst s9;
	s0 =	simm.s32 @!p0 $0x0  }
0x12: {  	s1 =	sld [smem:$0x3F85];
	s0 =	simm.s32 @p0 $0x1  }
0x13: {  	[smem:$0x3FA0] =	sst s0;
	s0 =	simm.s32 @!p1 $0x0  }
0x14: {  	s2 =	sld [smem:$0x3F84];
	s0 =	simm.s32 @p1 $0x1  }
0x15: {  	[smem:$0x3FA1] =	sst s0;
	s0 =	simm.s32 @!p2 $0x0  }
0x16: {  	s3 =	sld [smem:$0x3FDB];
	s0 =	simm.s32 @p2 $0x1  }
0x17: {  	s4 =	simm.s32 $0x1BF5;
	[smem:$0x3FA3] =	sst s0  }
0x18: {  	s0 =	sld [smem:$0x3F86];
	_ =	swait.ge [sflag:s4], $0x0  }
0x19: {  	s7 =	sld [smem:$0x3F87]  }
0x1a: {  	s8 =	sadd.s32 $0xFFFFE003, lr  }
0x1b: {  	s9 =	sadd.s32 $0xFFFFFEF7, lr;
	s5 =	simm.s32 $0xFFFFFFFF;
	p2 =	slt.u32 s8, $0xFFFFF086  }
0x1c: {  	p1 =	slt.u32 s9, $0xF7A;
	s5 =	simm.s32 @!p2 $0x0  }
0x1d: {  	s5 =	simm.s32 @p1 $0x1;
	p0 =	seq.s32 s7, s2  }
0x1e: {  	s7 =	smul.u32 @!p0 $0xF7A, s2;
	p2 =	seq.s32 @!p0 s5, $0x0  }
0x1f: {  	s9 =	smul.u32 $0xF7A, s1;
	s8 =	simm.s32 @!p0 $0x1BF5;
	p2 =	por !p2, p0  }
0x20: {  	[sflag:s8] =	ssyncset.s32 @!p0 $0xFFFFF086;
	s6 =	sadd.s32 @!p0 s3, s7;
	s7 =	simm.s32 @!p0 $0x108  }
0x21: {  	s3 =	sadd.s32 s3, s9;
	s6 =	sadd.s32 @!p0 $0x88, s6;
	s7 =	simm.s32 @p2 $0x1082  }
0x22: {  	[simem:s7], [sflag:s8] =	dma.local @!p0 [hbm:s6], $0xF7A  }
0x23: {  	s9 =	sor.u32 $0xD0000000, s2;
	s6 =	simm.s32 $0x108;
	_ =	swait.ge @!p0 [sflag:s8], $0x0  }
0x24: {  	s3 =	sadd.s32 $0x88, s3;
	s6 =	simm.s32 @!p1 $0x1082;
	[sflag:s4] =	ssyncset.s32 $0xFFFFF086  }
0x25: {  	[simem:s6], [sflag:s4] =	dma.local [hbm:s3], $0xF7A  }
0x26: {  	[smem:$0x3F87] =	sst s1;
	(tag) =	ssettag s2;
	_ =	strace s9  }
0x27: {  	s1 =	sld [smem:$0x3F97]  }
0x28: {  	s2 =	sld [smem:$0x3F98]  }
0x29: {  	s4 =	sld [smem:$0x3F9A]  }
0x2a: {  	p0 =	seq.s32 s5, $0x0;
	s5 =	sld [smem:$0x3F9B]  }
0x2b: {  	s6 =	sld [smem:$0x3F9C]  }
0x2c: {  	s7 =	sld [smem:$0x3F9D]  }
0x2d: {  	s3 =	simm.s32 $0x108;
	s8 =	sld [smem:$0x3F9E]  }
0x2e: {  	s3 =	simm.s32 @!p0 $0x1082;
	s9 =	sld [smem:$0x3F9F]  }
0x2f: {  	lr =	sadd.s32 s0, s3;
	s0 =	sld [smem:$0x3F96]  }
0x30: {  	s3 =	sld [smem:$0x3F99]  }
0x31: {  	[smem:$0x3FA2] =	sst s10  }
0x32: {  	s10 =	sld [smem:$0x3FA0];
	_ =	sdelay $0x3  }
0x33: {  	p0 =	seq.s32 s10, $0x1;
	s10 =	sld [smem:$0x3FA2];
	_ =	sdelay $0x3  }
0x34: {  	[smem:$0x3FA2] =	sst s10  }
0x35: {  	s10 =	sld [smem:$0x3FA1];
	_ =	sdelay $0x3  }
0x36: {  	p1 =	seq.s32 s10, $0x1;
	s10 =	sld [smem:$0x3FA2];
	_ =	sdelay $0x3  }
0x37: {  	[smem:$0x3FA2] =	sst s10  }
0x38: {  	s10 =	sld [smem:$0x3FA3]  }
0x39: {  	_ = 	snop;
	(pc) =	sbr.ind lr, $3  }
0x3a: {  	_ = 	snop  }
0x3b: {  	_ = 	snop  }
0x3c: {  	p2 =	seq.s32 s10, $0x1;
	s10 =	sld [smem:$0x3FA2]  }
0x3d: {  	_ =	shalt  }
0x3e: {  	_ =	shalt  }
0x3f: {  	_ =	shalt  }
0x40: {  	_ =	shalt  }
0x41: {  	_ =	shalt  }
0x42: {  	_ =	shalt  }
0x43: {  	_ =	shalt  }
0x44: {  	_ =	shalt  }
0x45: {  	_ =	shalt  }
0x46: {  	_ =	shalt  }
0x47: {  	_ =	shalt  }
0x48: {  	_ =	shalt  }
0x49: {  	_ =	shalt  }
0x4a: {  	_ =	shalt  }
0x4b: {  	_ =	shalt  }
0x4c: {  	_ =	shalt  }
0x4d: {  	_ =	shalt  }
0x4e: {  	_ =	shalt  }
0x4f: {  	_ =	shalt  }
0x50: {  	_ =	shalt  }
0x51: {  	_ =	shalt  }
0x52: {  	_ =	shalt  }
0x53: {  	_ =	shalt  }
0x54: {  	_ =	shalt  }
0x55: {  	_ =	shalt  }
0x56: {  	_ =	shalt  }
0x57: {  	_ =	shalt  }
0x58: {  	_ =	shalt  }
0x59: {  	_ =	shalt  }
0x5a: {  	_ =	shalt  }
0x5b: {  	_ =	shalt  }
0x5c: {  	_ =	shalt  }
0x5d: {  	_ =	shalt  }
0x5e: {  	_ =	shalt  }
0x5f: {  	_ =	shalt  }
0x60: {  	_ =	shalt  }
0x61: {  	_ =	shalt  }
0x62: {  	_ =	shalt  }
0x63: {  	_ =	shalt  }
0x64: {  	_ =	shalt  }
0x65: {  	_ =	shalt  }
0x66: {  	_ =	shalt  }
0x67: {  	_ =	shalt  }
0x68: {  	_ =	shalt  }
0x69: {  	_ =	shalt  }
0x6a: {  	_ =	shalt  }
0x6b: {  	_ =	shalt  }
0x6c: {  	_ =	shalt  }
0x6d: {  	_ =	shalt  }
0x6e: {  	_ =	shalt  }
0x6f: {  	_ =	shalt  }
0x70: {  	_ =	shalt  }
0x71: {  	_ =	shalt  }
0x72: {  	_ =	shalt  }
0x73: {  	_ =	shalt  }
0x74: {  	_ =	shalt  }
0x75: {  	_ =	shalt  }
0x76: {  	_ =	shalt  }
0x77: {  	_ =	shalt  }
0x78: {  	_ =	shalt  }
0x79: {  	_ =	shalt  }
0x7a: {  	_ =	shalt  }
0x7b: {  	_ =	shalt  }
0x7c: {  	_ =	shalt  }
0x7d: {  	_ =	shalt  }
0x7e: {  	_ =	shalt  }
0x7f: {  	_ =	shalt  }
0x80: {  	_ =	shalt  }
0x81: {  	_ =	shalt  }
0x82: {  	_ =	shalt  }
0x83: {  	_ =	shalt  }
0x84: {  	_ =	shalt  }
0x85: {  	_ =	shalt  }
0x86: {  	_ =	shalt  }
0x87: {  	_ =	shalt  }
.Lfunc_end0:
.L_simem_size_0:
called_computation_lowered:
.L_overlay_start_0:
0x88: {  	s2 =	sld [smem:$0x3FD9]  }
0x89: {  	s3 =	sld [smem:$0x3FFE];
	_ =	sdelay $0x1  }
0x8a: {  	s1 =	srdreg.scid  }
0x8b: {  	s0 =	sand.u32 $0x1, s1  }
0x8c: {  	s16 =	sshll.u32 s0, $0xA;
	s2 =	sadd.s32 s3, s2  }
0x8d: {  	s2 =	sadd.s32 s2, s16  }
0x8e: {  	[smem:$0x3FAE] =	sst s2  }
0x8f: {  	_ = 	snop  }
0x90: {  	(tm) =	ssettm $0x1  }
0x91: {  	s17 =	sld [smem:$0x3FFB];
	_ =	sdelay $0x3  }
0x92: {  	_ =	strace s17  }
0x93: {  	s2 =	sld [smem:$0x3FFC];
	_ =	sdelay $0x3  }
0x94: {  	_ =	strace s2  }
0x95: {  	s2 =	sld [smem:$0x3FFD];
	_ =	sdelay $0x3  }
0x96: {  	_ =	strace s2  }
0x97: {  	_ =	strace $0x8FFFFFFF  }
0x98: {  	s18 =	sld [smem:$0x3FDB];
	_ =	sdelay $0x1  }
0x99: {  	s19 =	simm.s32 $_scs_section_size  }
0x9a: {  	s4 =	simm.s32 $_size__tile_overlayer_lowered;
	s5 =	simm.s32 $_tile_overlayer_lowered  }
0x9b: {  	s22 =	simm.s32 $0x1BFF;
	s21 =	sshll.u32 s5, $0x1;
	s2 =	sadd.s32 s19, s18  }
0x9c: {  	s6 =	simm.s32 $0x0;
	s20 =	sshll.u32 s4, $0x1;
	s4 =	sadd.s32 s21, s2  }
0x9d: {  	[timem:s6], [sflag:s22] =	dma.local [hbm:s4], s20  }
0x9e: {  	_ =	swait.ge [sflag:s22], s20  }
0x9f: {  	s3 =	ssub.s32 $0x0, s20;
	[sflag:s22] =	ssyncset.done $0x0  }
0xa0: {  	[sflag:s22] =	ssyncadd.s32 s3;
	_ =	sdelay $0x1  }
0xa1: {  	s23 =	simm.s32 $0x1B8B  }
0xa2: {  	_ =	swait.ge [sflag:s23], $0x1  }
0xa3: {  	[sflag:s23] =	ssyncset.done $0x0  }
0xa4: {  	s25 =	simm.s32 $0x1B8E;
	s24 =	sld [smem:$0x3FFE];
	[sflag:s23] =	ssyncadd.s32 $0xFFFFFFFF  }
0xa5: {  	s26 =	simm.s32 $execute0_lowered;
	[smem:$0x3FD2] =	sst s25  }
0xa6: {  	s4 =	sshll.u32 s26, $0x1;
	_ =	strace $0x80000046;
	[dreg:$0x1] =	wrdreg $0xFFFFFFFF  }
0xa7: {  	s28 =	simm.s32 $_size_execute0_lowered;
	s2 =	sadd.s32 s2, s4;
	[dreg:$0x0] =	wrdreg $0x0  }
0xa8: {  	s4 =	sshll.u32 s28, $0x1;
	[dreg:$0x2] =	wrdreg s2  }
0xa9: {  	[dreg:$0x3] =	wrdreg s4  }
0xaa: {  	[dreg:$0x4] =	wrdreg $0xC0  }
0xab: {  	_ =	task [dreg:s6], $0x5FFFF  }
0xac: {  	[dreg:$0x1] =	wrdreg $0xFFFFFFFF  }
0xad: {  	[dreg:$0x0] =	wrdreg $0x60  }
0xae: {  	[dreg:$0x2] =	wrdreg s24  }
0xaf: {  	[dreg:$0x3] =	wrdreg $0x9  }
0xb0: {  	_ =	task.clear_ibuf [dreg:s6], $0x4FFFF;
	_ =	strace $0x90000046  }
0xb1: {  	s29 =	simm.s32 $0x9;
	_ =	strace $0x80000048  }
0xb2: {  	_ =	swait.ge [sflag:s29], $0x1  }
0xb3: {  	[sflag:s29] =	ssyncadd.s32 $0xFFFFFFFF  }
0xb4: {  	_ =	strace $0x90000048  }
0xb5: {  	_ =	sfence  }
0xb6: {  	s30 =	sld [smem:$0x0];
	_ =	sdelay $0x2  }
0xb7: {  	s31 =	sshll.u32 s1, $0xD;
	s1 =	sshrl.u32 s1, $0x2  }
0xb8: {  	s3 =	sand.u32 $0x4000, s31;
	s1 =	sadd.s32 s1, s30  }
0xb9: {  	s0 =	sor.u32 s3, s0;
	s1 =	sshll.u32 s1, $0x11  }
0xba: {  	s0 =	sor.u32 s1, s0  }
0xbb: {  	s0 =	sadd.s32 $0x8F2B, s0  }
0xbc: {  	[sflag:s0] =	ssyncadd.remote.s32 $0x1  }
0xbd: {  	_ =	sfence.sel $0xFFFF  }
0xbe: {  	[dreg:$0x0] =	wrdreg $0xFFFFFFFF;
	(pc) =	sbr.abs _section_cstart, $3  }
0xbf: {  	[dreg:$0x1] =	wrdreg $0xFFFFFFFF  }
0xc0: {  	_ =	task.clear_ibuf [dreg:s6], $0x2FFFF;
	_ =	strace $0x9FFFFFFF  }
0xc1: {  	(tm) =	ssettm $0x7FFFFFFF  }
tec
execute0_lowered:
.L_overlay_start_1:
0x0: {  	(tag) =	ssettag $0x1  }
0x1: {  	s1 =	srdreg.scid  }
0x2: {  	s0 =	stileid.u32;
	s14 =	sand.u32 $0x1, s1  }
0x3: {  	s29 =	sshll.u32 s0, $0xA;
	s2 =	sshll.u32 s14, $0x9  }
0x4: {  	s15 =	rddreg [dreg:$0x0];
	s16 =	sor.u32 s2, s29  }
0x5: {  	s1 =	rddreg [dreg:$0x1];
	s2 =	simm.s32 $0x0;
	s3 =	sshrl.u32 s16, $0x3  }
0x6: {  	[smem:$0x7FF] =	sst s2;
	s3 =	sadd.s32 s3, s15  }
0x7: {  	_ =	strace $0x80000047;
	s4 =	sadd.s32 $0x5000, s3;
	s3 =	simm.s32 $0x2  }
0x8: {  	[tilespmem:s2], [sflag:$0x2] =	stream.linear.gather [hbm4b:s4+s2], $0x200, $0x38;
	[tilespmem:$0x4200] =	vst v63  }
0x9: {  	_ =	swait.ge [sflag:s3], $0x200  }
0xa: {  	s6 =	simm.s32 $0x80;
	[sflag:s3] =	ssyncset.done $0x0  }
0xb: {  	s7 =	simm.s32 $0x200;
	s5 =	sadd.s32 $0x5800, s15;
	[sflag:s3] =	ssyncadd.s32 $0xFFFFFE00  }
0xc: {  	[tilespmem:s7], [sflag:$0x1] =	stream.indirect.gather [hbm4b:s5+s6], $0x20, s2, s6, $0xb8;
	[tilespmem:$0x4200] =	vst v63  }
0xd: {  	s8 =	simm.s32 $0x1200  }
0xe: {  	[tilespmem:s8], [sflag:$0x1] =	stream.indirect.gather [hbm4b:s5+s6], $0x20, s6, s6, $0xb8;
	[tilespmem:$0x4200] =	vst v63  }
0xf: {  	s9 =	simm.s32 $0x100;
	s10 =	simm.s32 $0x2200  }
0x10: {  	[tilespmem:s10], [sflag:$0x1] =	stream.indirect.gather [hbm4b:s5+s6], $0x20, s9, s6, $0xb8;
	[tilespmem:$0x4200] =	vst v63  }
0x11: {  	s11 =	simm.s32 $0x180;
	s12 =	simm.s32 $0x3200;
	s13 =	simm.s32 $0x1  }
0x12: {  	[tilespmem:s12], [sflag:$0x1] =	stream.indirect.gather [hbm4b:s5+s6], $0x20, s11, s6, $0xb8;
	[tilespmem:$0x4200] =	vst v63  }
0x13: {  	_ =	swait.ge [sflag:s13], $0x1000  }
0x14: {  	[sflag:s13] =	ssyncset.done $0x0  }
0x15: {  	[sflag:s13] =	ssyncadd.s32 $0xFFFFF000  }
0x16: {  	_ =	swait.ge [sflag:s13], $0x1000  }
0x17: {  	[sflag:s13] =	ssyncset.done $0x0  }
0x18: {  	s14 =	ssub.s32 $0x2, s14;
	[sflag:s13] =	ssyncadd.s32 $0xFFFFF000  }
0x19: {  	s17 =	sshrl.u32 s14, $0x1;
	_ =	swait.ge [sflag:s13], $0x1000  }
0x1a: {  	s30 =	ssub.s32 s14, s17;
	[sflag:s13] =	ssyncset.done $0x0  }
0x1b: {  	s31 =	smax.u32 s30, $0x1;
	[sflag:s13] =	ssyncadd.s32 $0xFFFFF000  }
0x1c: {  	s16 =	sshll.u32 s16, $0x2;
	p0 =	sne.s32 s31, $0x1;
	_ =	swait.ge [sflag:s13], $0x1000  }
.Ltmp0:
0x1d: {  	s15 =	sadd.s32 s16, s15;
	[sflag:s13] =	ssyncset.done $0x0;
	(pc) =	sbr.rel @!p0 .LBB2_2-.Ltmp0, $4  }
0x1e: {  	s14 =	sadd.s32 $0x7800, s15;
	[sflag:s13] =	ssyncadd.s32 $0xFFFFF000  }
0x1f: {  	[hbm4b:s14+s2] =	stream.linear.scatter [tilespmem:s7], [sflag:$0x2], $0x4000, $0x38;
	[tilespmem:$0x4200] =	vst v63  }
0x20: {  	_ =	swait.ge [sflag:s3], $0x4000  }
0x21: {  	s15 =	sadd.s32 $0xFFFFFFFF, s31;
	[sflag:s3] =	ssyncset.done $0x0  }
.LBB2_1:
0x22: {  	p0 =	sne.s32 s15, $0x1;
	s15 =	sadd.s32 $0xFFFFFFFF, s15;
	[sflag:s3] =	ssyncadd.s32 $0xFFFFC000  }
0x23: {  	[tilespmem:s2], [sflag:$0x2] =	stream.linear.gather [hbm4b:s4+s2], $0x200, $0x38;
	[tilespmem:$0x4200] =	vst v63  }
0x24: {  	_ =	swait.ge [sflag:s3], $0x200  }
0x25: {  	[sflag:s3] =	ssyncset.done $0x0  }
0x26: {  	[sflag:s3] =	ssyncadd.s32 $0xFFFFFE00  }
0x27: {  	[tilespmem:s7], [sflag:$0x1] =	stream.indirect.gather [hbm4b:s5+s6], $0x20, s2, s6, $0xb8;
	[tilespmem:$0x4200] =	vst v63  }
0x28: {  	_ = 	snop  }
0x29: {  	[tilespmem:s8], [sflag:$0x1] =	stream.indirect.gather [hbm4b:s5+s6], $0x20, s6, s6, $0xb8;
	[tilespmem:$0x4200] =	vst v63  }
0x2a: {  	_ = 	snop  }
0x2b: {  	[tilespmem:s10], [sflag:$0x1] =	stream.indirect.gather [hbm4b:s5+s6], $0x20, s9, s6, $0xb8;
	[tilespmem:$0x4200] =	vst v63  }
0x2c: {  	_ = 	snop  }
0x2d: {  	[tilespmem:s12], [sflag:$0x1] =	stream.indirect.gather [hbm4b:s5+s6], $0x20, s11, s6, $0xb8;
	[tilespmem:$0x4200] =	vst v63  }
0x2e: {  	_ =	swait.ge [sflag:s13], $0x1000  }
0x2f: {  	[sflag:s13] =	ssyncset.done $0x0  }
0x30: {  	[sflag:s13] =	ssyncadd.s32 $0xFFFFF000  }
0x31: {  	_ =	swait.ge [sflag:s13], $0x1000  }
0x32: {  	[sflag:s13] =	ssyncset.done $0x0  }
0x33: {  	[sflag:s13] =	ssyncadd.s32 $0xFFFFF000  }
0x34: {  	_ =	swait.ge [sflag:s13], $0x1000  }
0x35: {  	[sflag:s13] =	ssyncset.done $0x0  }
0x36: {  	[sflag:s13] =	ssyncadd.s32 $0xFFFFF000  }
0x37: {  	_ =	swait.ge [sflag:s13], $0x1000  }
.Ltmp1:
0x38: {  	[sflag:s13] =	ssyncset.done $0x0;
	(pc) =	sbr.rel @p0 .LBB2_1-.Ltmp1, $4  }
0x39: {  	[sflag:s13] =	ssyncadd.s32 $0xFFFFF000  }
0x3a: {  	[hbm4b:s14+s2] =	stream.linear.scatter [tilespmem:s7], [sflag:$0x2], $0x4000, $0x38;
	[tilespmem:$0x4200] =	vst v63  }
0x3b: {  	_ =	swait.ge [sflag:s3], $0x4000  }
0x3c: {  	[sflag:s3] =	ssyncset.done $0x0  }
.LBB2_2:
0x3d: {  	[sflag:s3] =	ssyncadd.s32 $0xFFFFC000  }
0x3e: {  	_ =	sfence.sel $0x180000  }
0x3f: {  	[bflag:$0x0] =	sbarrier.arrive $0xFFFF  }
0x40: {  	p0 =	sne.s32 s0, $0x0;
	_ =	strace $0x90000047  }
0x41: {  	s0 =	sadd.s32 @!p0 $0x100000, s1;
	[bflag:$0x2] =	sbarrier.arrive $0xFFFF  }
0x42: {  	[sflag:s0] =	ssyncadd.tile.s32 @!p0 $0x1;
	_ =	shalt  }
.Lfunc_end2:
_tile_overlayer_lowered:
.L_overlay_start_2:
0x43: {  	(tag) =	ssettag $0x2  }
0x44: {  	s0 =	rddreg [dreg:$0x0];
	s2 =	stileid.u32  }
0x45: {  	s1 =	rddreg [dreg:$0x1];
	p0 =	sne.s32 s2, $0x0  }
0x46: {  	s3 =	rddreg [dreg:$0x2];
	[bflag:$0x3] =	sbarrier.arrive $0xFFFF;
	s2 =	simm.s32 @!p0 $0x1C02  }
0x47: {  	[timem:s3], [sflag:s2] =	dma.local @!p0 [hbm:s0], s1  }
0x48: {  	s0 =	simm.s32 @!p0 $0x2  }
0x49: {  	_ =	swait.ge @!p0 [sflag:s0], s1  }
0x4a: {  	s1 =	ssub.s32 @!p0 $0x0, s1;
	[sflag:s0] =	ssyncset.done @!p0 $0x0  }
0x4b: {  	[sflag:s0] =	ssyncadd.s32 @!p0 s1  }
0x4c: {  	[bflag:$0x3] =	sbarrier.arrive $0xFFFF  }
0x4d: {  	_ =	shalt  }

// kernel: kernel.21.cloned.1.call-start
scs
__scs_entry_jumppad:
0x0: {  	(pc) =	sbr.rel $0x88, $3  }
0x1: {  	(tag) =	ssettag $0x0;
	lr =	simm.s32 $0x1  }
0x2: {  	[smem:$0x3F87] =	sst lr;
	_ =	strace $0xD0000000  }
0x3: {  	_ = 	snop  }
0x4: {  	_ = 	snop  }
0x5: {  	_ = 	snop  }
0x6: {  	_ = 	snop  }
0x7: {  	_ = 	snop  }
__scs_overlays_trampoline_lowered:
0x8: {  	[smem:$0x3F96] =	sst s0  }
0x9: {  	[smem:$0x3F97] =	sst s1  }
0xa: {  	[smem:$0x3F98] =	sst s2  }
0xb: {  	[smem:$0x3F99] =	sst s3  }
0xc: {  	[smem:$0x3F9A] =	sst s4  }
0xd: {  	[smem:$0x3F9B] =	sst s5  }
0xe: {  	[smem:$0x3F9C] =	sst s6  }
0xf: {  	[smem:$0x3F9D] =	sst s7  }
0x10: {  	[smem:$0x3F9E] =	sst s8  }
0x11: {  	[smem:$0x3F9F] =	sst s9;
	s0 =	simm.s32 @!p0 $0x0  }
0x12: {  	s1 =	sld [smem:$0x3F85];
	s0 =	simm.s32 @p0 $0x1  }
0x13: {  	[smem:$0x3FA0] =	sst s0;
	s0 =	simm.s32 @!p1 $0x0  }
0x14: {  	s2 =	sld [smem:$0x3F84];
	s0 =	simm.s32 @p1 $0x1  }
0x15: {  	[smem:$0x3FA1] =	sst s0;
	s0 =	simm.s32 @!p2 $0x0  }
0x16: {  	s3 =	sld [smem:$0x3FDB];
	s0 =	simm.s32 @p2 $0x1  }
0x17: {  	s4 =	simm.s32 $0x1BF5;
	[smem:$0x3FA3] =	sst s0  }
0x18: {  	s0 =	sld [smem:$0x3F86];
	_ =	swait.ge [sflag:s4], $0x0  }
0x19: {  	s7 =	sld [smem:$0x3F87]  }
0x1a: {  	s8 =	sadd.s32 $0xFFFFE003, lr  }
0x1b: {  	s9 =	sadd.s32 $0xFFFFFEF7, lr;
	s5 =	simm.s32 $0xFFFFFFFF;
	p2 =	slt.u32 s8, $0xFFFFF086  }
0x1c: {  	p1 =	slt.u32 s9, $0xF7A;
	s5 =	simm.s32 @!p2 $0x0  }
0x1d: {  	s5 =	simm.s32 @p1 $0x1;
	p0 =	seq.s32 s7, s2  }
0x1e: {  	s7 =	smul.u32 @!p0 $0xF7A, s2;
	p2 =	seq.s32 @!p0 s5, $0x0  }
0x1f: {  	s9 =	smul.u32 $0xF7A, s1;
	s8 =	simm.s32 @!p0 $0x1BF5;
	p2 =	por !p2, p0  }
0x20: {  	[sflag:s8] =	ssyncset.s32 @!p0 $0xFFFFF086;
	s6 =	sadd.s32 @!p0 s3, s7;
	s7 =	simm.s32 @!p0 $0x108  }
0x21: {  	s3 =	sadd.s32 s3, s9;
	s6 =	sadd.s32 @!p0 $0x88, s6;
	s7 =	simm.s32 @p2 $0x1082  }
0x22: {  	[simem:s7], [sflag:s8] =	dma.local @!p0 [hbm:s6], $0xF7A  }
0x23: {  	s9 =	sor.u32 $0xD0000000, s2;
	s6 =	simm.s32 $0x108;
	_ =	swait.ge @!p0 [sflag:s8], $0x0  }
0x24: {  	s3 =	sadd.s32 $0x88, s3;
	s6 =	simm.s32 @!p1 $0x1082;
	[sflag:s4] =	ssyncset.s32 $0xFFFFF086  }
0x25: {  	[simem:s6], [sflag:s4] =	dma.local [hbm:s3], $0xF7A  }
0x26: {  	[smem:$0x3F87] =	sst s1;
	(tag) =	ssettag s2;
	_ =	strace s9  }
0x27: {  	s1 =	sld [smem:$0x3F97]  }
0x28: {  	s2 =	sld [smem:$0x3F98]  }
0x29: {  	s4 =	sld [smem:$0x3F9A]  }
0x2a: {  	p0 =	seq.s32 s5, $0x0;
	s5 =	sld [smem:$0x3F9B]  }
0x2b: {  	s6 =	sld [smem:$0x3F9C]  }
0x2c: {  	s7 =	sld [smem:$0x3F9D]  }
0x2d: {  	s3 =	simm.s32 $0x108;
	s8 =	sld [smem:$0x3F9E]  }
0x2e: {  	s3 =	simm.s32 @!p0 $0x1082;
	s9 =	sld [smem:$0x3F9F]  }
0x2f: {  	lr =	sadd.s32 s0, s3;
	s0 =	sld [smem:$0x3F96]  }
0x30: {  	s3 =	sld [smem:$0x3F99]  }
0x31: {  	[smem:$0x3FA2] =	sst s10  }
0x32: {  	s10 =	sld [smem:$0x3FA0];
	_ =	sdelay $0x3  }
0x33: {  	p0 =	seq.s32 s10, $0x1;
	s10 =	sld [smem:$0x3FA2];
	_ =	sdelay $0x3  }
0x34: {  	[smem:$0x3FA2] =	sst s10  }
0x35: {  	s10 =	sld [smem:$0x3FA1];
	_ =	sdelay $0x3  }
0x36: {  	p1 =	seq.s32 s10, $0x1;
	s10 =	sld [smem:$0x3FA2];
	_ =	sdelay $0x3  }
0x37: {  	[smem:$0x3FA2] =	sst s10  }
0x38: {  	s10 =	sld [smem:$0x3FA3]  }
0x39: {  	_ = 	snop;
	(pc) =	sbr.ind lr, $3  }
0x3a: {  	_ = 	snop  }
0x3b: {  	_ = 	snop  }
0x3c: {  	p2 =	seq.s32 s10, $0x1;
	s10 =	sld [smem:$0x3FA2]  }
0x3d: {  	_ =	shalt  }
0x3e: {  	_ =	shalt  }
0x3f: {  	_ =	shalt  }
0x40: {  	_ =	shalt  }
0x41: {  	_ =	shalt  }
0x42: {  	_ =	shalt  }
0x43: {  	_ =	shalt  }
0x44: {  	_ =	shalt  }
0x45: {  	_ =	shalt  }
0x46: {  	_ =	shalt  }
0x47: {  	_ =	shalt  }
0x48: {  	_ =	shalt  }
0x49: {  	_ =	shalt  }
0x4a: {  	_ =	shalt  }
0x4b: {  	_ =	shalt  }
0x4c: {  	_ =	shalt  }
0x4d: {  	_ =	shalt  }
0x4e: {  	_ =	shalt  }
0x4f: {  	_ =	shalt  }
0x50: {  	_ =	shalt  }
0x51: {  	_ =	shalt  }
0x52: {  	_ =	shalt  }
0x53: {  	_ =	shalt  }
0x54: {  	_ =	shalt  }
0x55: {  	_ =	shalt  }
0x56: {  	_ =	shalt  }
0x57: {  	_ =	shalt  }
0x58: {  	_ =	shalt  }
0x59: {  	_ =	shalt  }
0x5a: {  	_ =	shalt  }
0x5b: {  	_ =	shalt  }
0x5c: {  	_ =	shalt  }
0x5d: {  	_ =	shalt  }
0x5e: {  	_ =	shalt  }
0x5f: {  	_ =	shalt  }
0x60: {  	_ =	shalt  }
0x61: {  	_ =	shalt  }
0x62: {  	_ =	shalt  }
0x63: {  	_ =	shalt  }
0x64: {  	_ =	shalt  }
0x65: {  	_ =	shalt  }
0x66: {  	_ =	shalt  }
0x67: {  	_ =	shalt  }
0x68: {  	_ =	shalt  }
0x69: {  	_ =	shalt  }
0x6a: {  	_ =	shalt  }
0x6b: {  	_ =	shalt  }
0x6c: {  	_ =	shalt  }
0x6d: {  	_ =	shalt  }
0x6e: {  	_ =	shalt  }
0x6f: {  	_ =	shalt  }
0x70: {  	_ =	shalt  }
0x71: {  	_ =	shalt  }
0x72: {  	_ =	shalt  }
0x73: {  	_ =	shalt  }
0x74: {  	_ =	shalt  }
0x75: {  	_ =	shalt  }
0x76: {  	_ =	shalt  }
0x77: {  	_ =	shalt  }
0x78: {  	_ =	shalt  }
0x79: {  	_ =	shalt  }
0x7a: {  	_ =	shalt  }
0x7b: {  	_ =	shalt  }
0x7c: {  	_ =	shalt  }
0x7d: {  	_ =	shalt  }
0x7e: {  	_ =	shalt  }
0x7f: {  	_ =	shalt  }
0x80: {  	_ =	shalt  }
0x81: {  	_ =	shalt  }
0x82: {  	_ =	shalt  }
0x83: {  	_ =	shalt  }
0x84: {  	_ =	shalt  }
0x85: {  	_ =	shalt  }
0x86: {  	_ =	shalt  }
0x87: {  	_ =	shalt  }
.Lfunc_end0:
.L_simem_size_0:
called_computation.1_lowered:
.L_overlay_start_0:
0x88: {  	s2 =	sld [smem:$0x3FD9]  }
0x89: {  	s3 =	sld [smem:$0x3FFE];
	_ =	sdelay $0x1  }
0x8a: {  	s1 =	srdreg.scid  }
0x8b: {  	s0 =	sand.u32 $0x1, s1  }
0x8c: {  	s16 =	sshll.u32 s0, $0xA;
	s2 =	sadd.s32 s3, s2  }
0x8d: {  	s2 =	sadd.s32 s2, s16  }
0x8e: {  	[smem:$0x3FAE] =	sst s2  }
0x8f: {  	_ = 	snop  }
0x90: {  	(tm) =	ssettm $0x1  }
0x91: {  	s17 =	sld [smem:$0x3FFB];
	_ =	sdelay $0x3  }
0x92: {  	_ =	strace s17  }
0x93: {  	s2 =	sld [smem:$0x3FFC];
	_ =	sdelay $0x3  }
0x94: {  	_ =	strace s2  }
0x95: {  	s2 =	sld [smem:$0x3FFD];
	_ =	sdelay $0x3  }
0x96: {  	_ =	strace s2  }
0x97: {  	_ =	strace $0x8FFFFFFF  }
0x98: {  	s18 =	sld [smem:$0x3FDB];
	_ =	sdelay $0x1  }
0x99: {  	s19 =	simm.s32 $_scs_section_size  }
0x9a: {  	s4 =	simm.s32 $_size__tile_overlayer_lowered;
	s5 =	simm.s32 $_tile_overlayer_lowered  }
0x9b: {  	s22 =	simm.s32 $0x1BFF;
	s21 =	sshll.u32 s5, $0x1;
	s2 =	sadd.s32 s19, s18  }
0x9c: {  	s6 =	simm.s32 $0x0;
	s20 =	sshll.u32 s4, $0x1;
	s4 =	sadd.s32 s21, s2  }
0x9d: {  	[timem:s6], [sflag:s22] =	dma.local [hbm:s4], s20  }
0x9e: {  	_ =	swait.ge [sflag:s22], s20  }
0x9f: {  	s3 =	ssub.s32 $0x0, s20;
	[sflag:s22] =	ssyncset.done $0x0  }
0xa0: {  	[sflag:s22] =	ssyncadd.s32 s3;
	_ =	sdelay $0x1  }
0xa1: {  	s23 =	simm.s32 $0x1B8B  }
0xa2: {  	_ =	swait.ge [sflag:s23], $0x1  }
0xa3: {  	[sflag:s23] =	ssyncset.done $0x0  }
0xa4: {  	s25 =	simm.s32 $0x1B8E;
	s24 =	sld [smem:$0x3FFE];
	[sflag:s23] =	ssyncadd.s32 $0xFFFFFFFF  }
0xa5: {  	s26 =	simm.s32 $execute0_lowered;
	[smem:$0x3FD2] =	sst s25  }
0xa6: {  	s4 =	sshll.u32 s26, $0x1;
	_ =	strace $0x80000049;
	[dreg:$0x1] =	wrdreg $0xFFFFFFFF  }
0xa7: {  	s28 =	simm.s32 $_size_execute0_lowered;
	s2 =	sadd.s32 s2, s4;
	[dreg:$0x0] =	wrdreg $0x0  }
0xa8: {  	s4 =	sshll.u32 s28, $0x1;
	[dreg:$0x2] =	wrdreg s2  }
0xa9: {  	[dreg:$0x3] =	wrdreg s4  }
0xaa: {  	[dreg:$0x4] =	wrdreg $0xC0  }
0xab: {  	_ =	task [dreg:s6], $0x5FFFF  }
0xac: {  	[dreg:$0x1] =	wrdreg $0xFFFFFFFF  }
0xad: {  	[dreg:$0x0] =	wrdreg $0x60  }
0xae: {  	[dreg:$0x2] =	wrdreg s24  }
0xaf: {  	[dreg:$0x3] =	wrdreg $0x9  }
0xb0: {  	_ =	task.clear_ibuf [dreg:s6], $0x4FFFF;
	_ =	strace $0x90000049  }
0xb1: {  	s29 =	simm.s32 $0x9;
	_ =	strace $0x8000004B  }
0xb2: {  	_ =	swait.ge [sflag:s29], $0x1  }
0xb3: {  	[sflag:s29] =	ssyncadd.s32 $0xFFFFFFFF  }
0xb4: {  	_ =	strace $0x9000004B  }
0xb5: {  	_ =	sfence  }
0xb6: {  	s30 =	sld [smem:$0x0];
	_ =	sdelay $0x2  }
0xb7: {  	s31 =	sshll.u32 s1, $0xD;
	s1 =	sshrl.u32 s1, $0x2  }
0xb8: {  	s3 =	sand.u32 $0x4000, s31;
	s1 =	sadd.s32 s1, s30  }
0xb9: {  	s0 =	sor.u32 s3, s0;
	s1 =	sshll.u32 s1, $0x11  }
0xba: {  	s0 =	sor.u32 s1, s0  }
0xbb: {  	s0 =	sadd.s32 $0x8F2B, s0  }
0xbc: {  	[sflag:s0] =	ssyncadd.remote.s32 $0x1  }
0xbd: {  	_ =	sfence.sel $0xFFFF  }
0xbe: {  	[dreg:$0x0] =	wrdreg $0xFFFFFFFF;
	(pc) =	sbr.abs _section_cstart, $3  }
0xbf: {  	[dreg:$0x1] =	wrdreg $0xFFFFFFFF  }
0xc0: {  	_ =	task.clear_ibuf [dreg:s6], $0x2FFFF;
	_ =	strace $0x9FFFFFFF  }
0xc1: {  	(tm) =	ssettm $0x7FFFFFFF  }
tec
execute0_lowered:
.L_overlay_start_1:
0x0: {  	(tag) =	ssettag $0x1  }
0x1: {  	s1 =	srdreg.scid  }
0x2: {  	s0 =	stileid.u32;
	s14 =	sand.u32 $0x1, s1  }
0x3: {  	s29 =	sshll.u32 s0, $0xA;
	s2 =	sshll.u32 s14, $0x9  }
0x4: {  	s15 =	rddreg [dreg:$0x0];
	s16 =	sor.u32 s2, s29  }
0x5: {  	s1 =	rddreg [dreg:$0x1];
	s2 =	simm.s32 $0x0;
	s3 =	sshrl.u32 s16, $0x3  }
0x6: {  	[smem:$0x7FF] =	sst s2;
	s3 =	sadd.s32 s3, s15  }
0x7: {  	_ =	strace $0x8000004A;
	s4 =	sadd.s32 $0x5000, s3;
	s3 =	simm.s32 $0x2  }
0x8: {  	[tilespmem:s2], [sflag:$0x2] =	stream.linear.gather [hbm4b:s4+s2], $0x200, $0x38;
	[tilespmem:$0x4200] =	vst v63  }
0x9: {  	_ =	swait.ge [sflag:s3], $0x200  }
0xa: {  	s6 =	simm.s32 $0x80;
	[sflag:s3] =	ssyncset.done $0x0  }
0xb: {  	s7 =	simm.s32 $0x200;
	s5 =	sadd.s32 $0x5800, s15;
	[sflag:s3] =	ssyncadd.s32 $0xFFFFFE00  }
0xc: {  	[tilespmem:s7], [sflag:$0x1] =	stream.indirect.gather [hbm4b:s5+s6], $0x20, s2, s6, $0xb8;
	[tilespmem:$0x4200] =	vst v63  }
0xd: {  	s8 =	simm.s32 $0x1200  }
0xe: {  	[tilespmem:s8], [sflag:$0x1] =	stream.indirect.gather [hbm4b:s5+s6], $0x20, s6, s6, $0xb8;
	[tilespmem:$0x4200] =	vst v63  }
0xf: {  	s9 =	simm.s32 $0x100;
	s10 =	simm.s32 $0x2200  }
0x10: {  	[tilespmem:s10], [sflag:$0x1] =	stream.indirect.gather [hbm4b:s5+s6], $0x20, s9, s6, $0xb8;
	[tilespmem:$0x4200] =	vst v63  }
0x11: {  	s11 =	simm.s32 $0x180;
	s12 =	simm.s32 $0x3200;
	s13 =	simm.s32 $0x1  }
0x12: {  	[tilespmem:s12], [sflag:$0x1] =	stream.indirect.gather [hbm4b:s5+s6], $0x20, s11, s6, $0xb8;
	[tilespmem:$0x4200] =	vst v63  }
0x13: {  	_ =	swait.ge [sflag:s13], $0x1000  }
0x14: {  	[sflag:s13] =	ssyncset.done $0x0  }
0x15: {  	[sflag:s13] =	ssyncadd.s32 $0xFFFFF000  }
0x16: {  	_ =	swait.ge [sflag:s13], $0x1000  }
0x17: {  	[sflag:s13] =	ssyncset.done $0x0  }
0x18: {  	s14 =	ssub.s32 $0x2, s14;
	[sflag:s13] =	ssyncadd.s32 $0xFFFFF000  }
0x19: {  	s17 =	sshrl.u32 s14, $0x1;
	_ =	swait.ge [sflag:s13], $0x1000  }
0x1a: {  	s30 =	ssub.s32 s14, s17;
	[sflag:s13] =	ssyncset.done $0x0  }
0x1b: {  	s31 =	smax.u32 s30, $0x1;
	[sflag:s13] =	ssyncadd.s32 $0xFFFFF000  }
0x1c: {  	s16 =	sshll.u32 s16, $0x2;
	p0 =	sne.s32 s31, $0x1;
	_ =	swait.ge [sflag:s13], $0x1000  }
.Ltmp0:
0x1d: {  	s15 =	sadd.s32 s16, s15;
	[sflag:s13] =	ssyncset.done $0x0;
	(pc) =	sbr.rel @!p0 .LBB2_2-.Ltmp0, $4  }
0x1e: {  	s14 =	sadd.s32 $0x7800, s15;
	[sflag:s13] =	ssyncadd.s32 $0xFFFFF000  }
0x1f: {  	[hbm4b:s14+s2] =	stream.linear.scatter [tilespmem:s7], [sflag:$0x2], $0x4000, $0x38;
	[tilespmem:$0x4200] =	vst v63  }
0x20: {  	_ =	swait.ge [sflag:s3], $0x4000  }
0x21: {  	s15 =	sadd.s32 $0xFFFFFFFF, s31;
	[sflag:s3] =	ssyncset.done $0x0  }
.LBB2_1:
0x22: {  	p0 =	sne.s32 s15, $0x1;
	s15 =	sadd.s32 $0xFFFFFFFF, s15;
	[sflag:s3] =	ssyncadd.s32 $0xFFFFC000  }
0x23: {  	[tilespmem:s2], [sflag:$0x2] =	stream.linear.gather [hbm4b:s4+s2], $0x200, $0x38;
	[tilespmem:$0x4200] =	vst v63  }
0x24: {  	_ =	swait.ge [sflag:s3], $0x200  }
0x25: {  	[sflag:s3] =	ssyncset.done $0x0  }
0x26: {  	[sflag:s3] =	ssyncadd.s32 $0xFFFFFE00  }
0x27: {  	[tilespmem:s7], [sflag:$0x1] =	stream.indirect.gather [hbm4b:s5+s6], $0x20, s2, s6, $0xb8;
	[tilespmem:$0x4200] =	vst v63  }
0x28: {  	_ = 	snop  }
0x29: {  	[tilespmem:s8], [sflag:$0x1] =	stream.indirect.gather [hbm4b:s5+s6], $0x20, s6, s6, $0xb8;
	[tilespmem:$0x4200] =	vst v63  }
0x2a: {  	_ = 	snop  }
0x2b: {  	[tilespmem:s10], [sflag:$0x1] =	stream.indirect.gather [hbm4b:s5+s6], $0x20, s9, s6, $0xb8;
	[tilespmem:$0x4200] =	vst v63  }
0x2c: {  	_ = 	snop  }
0x2d: {  	[tilespmem:s12], [sflag:$0x1] =	stream.indirect.gather [hbm4b:s5+s6], $0x20, s11, s6, $0xb8;
	[tilespmem:$0x4200] =	vst v63  }
0x2e: {  	_ =	swait.ge [sflag:s13], $0x1000  }
0x2f: {  	[sflag:s13] =	ssyncset.done $0x0  }
0x30: {  	[sflag:s13] =	ssyncadd.s32 $0xFFFFF000  }
0x31: {  	_ =	swait.ge [sflag:s13], $0x1000  }
0x32: {  	[sflag:s13] =	ssyncset.done $0x0  }
0x33: {  	[sflag:s13] =	ssyncadd.s32 $0xFFFFF000  }
0x34: {  	_ =	swait.ge [sflag:s13], $0x1000  }
0x35: {  	[sflag:s13] =	ssyncset.done $0x0  }
0x36: {  	[sflag:s13] =	ssyncadd.s32 $0xFFFFF000  }
0x37: {  	_ =	swait.ge [sflag:s13], $0x1000  }
.Ltmp1:
0x38: {  	[sflag:s13] =	ssyncset.done $0x0;
	(pc) =	sbr.rel @p0 .LBB2_1-.Ltmp1, $4  }
0x39: {  	[sflag:s13] =	ssyncadd.s32 $0xFFFFF000  }
0x3a: {  	[hbm4b:s14+s2] =	stream.linear.scatter [tilespmem:s7], [sflag:$0x2], $0x4000, $0x38;
	[tilespmem:$0x4200] =	vst v63  }
0x3b: {  	_ =	swait.ge [sflag:s3], $0x4000  }
0x3c: {  	[sflag:s3] =	ssyncset.done $0x0  }
.LBB2_2:
0x3d: {  	[sflag:s3] =	ssyncadd.s32 $0xFFFFC000  }
0x3e: {  	_ =	sfence.sel $0x180000  }
0x3f: {  	[bflag:$0x0] =	sbarrier.arrive $0xFFFF  }
0x40: {  	p0 =	sne.s32 s0, $0x0;
	_ =	strace $0x9000004A  }
0x41: {  	s0 =	sadd.s32 @!p0 $0x100000, s1;
	[bflag:$0x2] =	sbarrier.arrive $0xFFFF  }
0x42: {  	[sflag:s0] =	ssyncadd.tile.s32 @!p0 $0x1;
	_ =	shalt  }
.Lfunc_end2:
_tile_overlayer_lowered:
.L_overlay_start_2:
0x43: {  	(tag) =	ssettag $0x2  }
0x44: {  	s0 =	rddreg [dreg:$0x0];
	s2 =	stileid.u32  }
0x45: {  	s1 =	rddreg [dreg:$0x1];
	p0 =	sne.s32 s2, $0x0  }
0x46: {  	s3 =	rddreg [dreg:$0x2];
	[bflag:$0x3] =	sbarrier.arrive $0xFFFF;
	s2 =	simm.s32 @!p0 $0x1C02  }
0x47: {  	[timem:s3], [sflag:s2] =	dma.local @!p0 [hbm:s0], s1  }
0x48: {  	s0 =	simm.s32 @!p0 $0x2  }
0x49: {  	_ =	swait.ge @!p0 [sflag:s0], s1  }
0x4a: {  	s1 =	ssub.s32 @!p0 $0x0, s1;
	[sflag:s0] =	ssyncset.done @!p0 $0x0  }
0x4b: {  	[sflag:s0] =	ssyncadd.s32 @!p0 s1  }
0x4c: {  	[bflag:$0x3] =	sbarrier.arrive $0xFFFF  }
0x4d: {  	_ =	shalt  }

// kernel: kernel.24.cloned.1.call-start
scs
__scs_entry_jumppad:
0x0: {  	(pc) =	sbr.rel $0x88, $3  }
0x1: {  	(tag) =	ssettag $0x0;
	lr =	simm.s32 $0x1  }
0x2: {  	[smem:$0x3F87] =	sst lr;
	_ =	strace $0xD0000000  }
0x3: {  	_ = 	snop  }
0x4: {  	_ = 	snop  }
0x5: {  	_ = 	snop  }
0x6: {  	_ = 	snop  }
0x7: {  	_ = 	snop  }
__scs_overlays_trampoline_lowered:
0x8: {  	[smem:$0x3F96] =	sst s0  }
0x9: {  	[smem:$0x3F97] =	sst s1  }
0xa: {  	[smem:$0x3F98] =	sst s2  }
0xb: {  	[smem:$0x3F99] =	sst s3  }
0xc: {  	[smem:$0x3F9A] =	sst s4  }
0xd: {  	[smem:$0x3F9B] =	sst s5  }
0xe: {  	[smem:$0x3F9C] =	sst s6  }
0xf: {  	[smem:$0x3F9D] =	sst s7  }
0x10: {  	[smem:$0x3F9E] =	sst s8  }
0x11: {  	[smem:$0x3F9F] =	sst s9;
	s0 =	simm.s32 @!p0 $0x0  }
0x12: {  	s1 =	sld [smem:$0x3F85];
	s0 =	simm.s32 @p0 $0x1  }
0x13: {  	[smem:$0x3FA0] =	sst s0;
	s0 =	simm.s32 @!p1 $0x0  }
0x14: {  	s2 =	sld [smem:$0x3F84];
	s0 =	simm.s32 @p1 $0x1  }
0x15: {  	[smem:$0x3FA1] =	sst s0;
	s0 =	simm.s32 @!p2 $0x0  }
0x16: {  	s3 =	sld [smem:$0x3FDB];
	s0 =	simm.s32 @p2 $0x1  }
0x17: {  	s4 =	simm.s32 $0x1BF5;
	[smem:$0x3FA3] =	sst s0  }
0x18: {  	s0 =	sld [smem:$0x3F86];
	_ =	swait.ge [sflag:s4], $0x0  }
0x19: {  	s7 =	sld [smem:$0x3F87]  }
0x1a: {  	s8 =	sadd.s32 $0xFFFFE003, lr  }
0x1b: {  	s9 =	sadd.s32 $0xFFFFFEF7, lr;
	s5 =	simm.s32 $0xFFFFFFFF;
	p2 =	slt.u32 s8, $0xFFFFF086  }
0x1c: {  	p1 =	slt.u32 s9, $0xF7A;
	s5 =	simm.s32 @!p2 $0x0  }
0x1d: {  	s5 =	simm.s32 @p1 $0x1;
	p0 =	seq.s32 s7, s2  }
0x1e: {  	s7 =	smul.u32 @!p0 $0xF7A, s2;
	p2 =	seq.s32 @!p0 s5, $0x0  }
0x1f: {  	s9 =	smul.u32 $0xF7A, s1;
	s8 =	simm.s32 @!p0 $0x1BF5;
	p2 =	por !p2, p0  }
0x20: {  	[sflag:s8] =	ssyncset.s32 @!p0 $0xFFFFF086;
	s6 =	sadd.s32 @!p0 s3, s7;
	s7 =	simm.s32 @!p0 $0x108  }
0x21: {  	s3 =	sadd.s32 s3, s9;
	s6 =	sadd.s32 @!p0 $0x88, s6;
	s7 =	simm.s32 @p2 $0x1082  }
0x22: {  	[simem:s7], [sflag:s8] =	dma.local @!p0 [hbm:s6], $0xF7A  }
0x23: {  	s9 =	sor.u32 $0xD0000000, s2;
	s6 =	simm.s32 $0x108;
	_ =	swait.ge @!p0 [sflag:s8], $0x0  }
0x24: {  	s3 =	sadd.s32 $0x88, s3;
	s6 =	simm.s32 @!p1 $0x1082;
	[sflag:s4] =	ssyncset.s32 $0xFFFFF086  }
0x25: {  	[simem:s6], [sflag:s4] =	dma.local [hbm:s3], $0xF7A  }
0x26: {  	[smem:$0x3F87] =	sst s1;
	(tag) =	ssettag s2;
	_ =	strace s9  }
0x27: {  	s1 =	sld [smem:$0x3F97]  }
0x28: {  	s2 =	sld [smem:$0x3F98]  }
0x29: {  	s4 =	sld [smem:$0x3F9A]  }
0x2a: {  	p0 =	seq.s32 s5, $0x0;
	s5 =	sld [smem:$0x3F9B]  }
0x2b: {  	s6 =	sld [smem:$0x3F9C]  }
0x2c: {  	s7 =	sld [smem:$0x3F9D]  }
0x2d: {  	s3 =	simm.s32 $0x108;
	s8 =	sld [smem:$0x3F9E]  }
0x2e: {  	s3 =	simm.s32 @!p0 $0x1082;
	s9 =	sld [smem:$0x3F9F]  }
0x2f: {  	lr =	sadd.s32 s0, s3;
	s0 =	sld [smem:$0x3F96]  }
0x30: {  	s3 =	sld [smem:$0x3F99]  }
0x31: {  	[smem:$0x3FA2] =	sst s10  }
0x32: {  	s10 =	sld [smem:$0x3FA0];
	_ =	sdelay $0x3  }
0x33: {  	p0 =	seq.s32 s10, $0x1;
	s10 =	sld [smem:$0x3FA2];
	_ =	sdelay $0x3  }
0x34: {  	[smem:$0x3FA2] =	sst s10  }
0x35: {  	s10 =	sld [smem:$0x3FA1];
	_ =	sdelay $0x3  }
0x36: {  	p1 =	seq.s32 s10, $0x1;
	s10 =	sld [smem:$0x3FA2];
	_ =	sdelay $0x3  }
0x37: {  	[smem:$0x3FA2] =	sst s10  }
0x38: {  	s10 =	sld [smem:$0x3FA3]  }
0x39: {  	_ = 	snop;
	(pc) =	sbr.ind lr, $3  }
0x3a: {  	_ = 	snop  }
0x3b: {  	_ = 	snop  }
0x3c: {  	p2 =	seq.s32 s10, $0x1;
	s10 =	sld [smem:$0x3FA2]  }
0x3d: {  	_ =	shalt  }
0x3e: {  	_ =	shalt  }
0x3f: {  	_ =	shalt  }
0x40: {  	_ =	shalt  }
0x41: {  	_ =	shalt  }
0x42: {  	_ =	shalt  }
0x43: {  	_ =	shalt  }
0x44: {  	_ =	shalt  }
0x45: {  	_ =	shalt  }
0x46: {  	_ =	shalt  }
0x47: {  	_ =	shalt  }
0x48: {  	_ =	shalt  }
0x49: {  	_ =	shalt  }
0x4a: {  	_ =	shalt  }
0x4b: {  	_ =	shalt  }
0x4c: {  	_ =	shalt  }
0x4d: {  	_ =	shalt  }
0x4e: {  	_ =	shalt  }
0x4f: {  	_ =	shalt  }
0x50: {  	_ =	shalt  }
0x51: {  	_ =	shalt  }
0x52: {  	_ =	shalt  }
0x53: {  	_ =	shalt  }
0x54: {  	_ =	shalt  }
0x55: {  	_ =	shalt  }
0x56: {  	_ =	shalt  }
0x57: {  	_ =	shalt  }
0x58: {  	_ =	shalt  }
0x59: {  	_ =	shalt  }
0x5a: {  	_ =	shalt  }
0x5b: {  	_ =	shalt  }
0x5c: {  	_ =	shalt  }
0x5d: {  	_ =	shalt  }
0x5e: {  	_ =	shalt  }
0x5f: {  	_ =	shalt  }
0x60: {  	_ =	shalt  }
0x61: {  	_ =	shalt  }
0x62: {  	_ =	shalt  }
0x63: {  	_ =	shalt  }
0x64: {  	_ =	shalt  }
0x65: {  	_ =	shalt  }
0x66: {  	_ =	shalt  }
0x67: {  	_ =	shalt  }
0x68: {  	_ =	shalt  }
0x69: {  	_ =	shalt  }
0x6a: {  	_ =	shalt  }
0x6b: {  	_ =	shalt  }
0x6c: {  	_ =	shalt  }
0x6d: {  	_ =	shalt  }
0x6e: {  	_ =	shalt  }
0x6f: {  	_ =	shalt  }
0x70: {  	_ =	shalt  }
0x71: {  	_ =	shalt  }
0x72: {  	_ =	shalt  }
0x73: {  	_ =	shalt  }
0x74: {  	_ =	shalt  }
0x75: {  	_ =	shalt  }
0x76: {  	_ =	shalt  }
0x77: {  	_ =	shalt  }
0x78: {  	_ =	shalt  }
0x79: {  	_ =	shalt  }
0x7a: {  	_ =	shalt  }
0x7b: {  	_ =	shalt  }
0x7c: {  	_ =	shalt  }
0x7d: {  	_ =	shalt  }
0x7e: {  	_ =	shalt  }
0x7f: {  	_ =	shalt  }
0x80: {  	_ =	shalt  }
0x81: {  	_ =	shalt  }
0x82: {  	_ =	shalt  }
0x83: {  	_ =	shalt  }
0x84: {  	_ =	shalt  }
0x85: {  	_ =	shalt  }
0x86: {  	_ =	shalt  }
0x87: {  	_ =	shalt  }
.Lfunc_end0:
.L_simem_size_0:
called_computation.2_lowered:
.L_overlay_start_0:
0x88: {  	s2 =	sld [smem:$0x3FD9]  }
0x89: {  	s3 =	sld [smem:$0x3FFE];
	_ =	sdelay $0x1  }
0x8a: {  	s1 =	srdreg.scid  }
0x8b: {  	s0 =	sand.u32 $0x1, s1  }
0x8c: {  	s16 =	sshll.u32 s0, $0xA;
	s2 =	sadd.s32 s3, s2  }
0x8d: {  	s2 =	sadd.s32 s2, s16  }
0x8e: {  	[smem:$0x3FAE] =	sst s2  }
0x8f: {  	_ = 	snop  }
0x90: {  	(tm) =	ssettm $0x1  }
0x91: {  	s17 =	sld [smem:$0x3FFB];
	_ =	sdelay $0x3  }
0x92: {  	_ =	strace s17  }
0x93: {  	s2 =	sld [smem:$0x3FFC];
	_ =	sdelay $0x3  }
0x94: {  	_ =	strace s2  }
0x95: {  	s2 =	sld [smem:$0x3FFD];
	_ =	sdelay $0x3  }
0x96: {  	_ =	strace s2  }
0x97: {  	_ =	strace $0x8FFFFFFF  }
0x98: {  	s18 =	sld [smem:$0x3FDB];
	_ =	sdelay $0x1  }
0x99: {  	s19 =	simm.s32 $_scs_section_size  }
0x9a: {  	s4 =	simm.s32 $_size__tile_overlayer_lowered;
	s5 =	simm.s32 $_tile_overlayer_lowered  }
0x9b: {  	s22 =	simm.s32 $0x1BFF;
	s21 =	sshll.u32 s5, $0x1;
	s2 =	sadd.s32 s19, s18  }
0x9c: {  	s6 =	simm.s32 $0x0;
	s20 =	sshll.u32 s4, $0x1;
	s4 =	sadd.s32 s21, s2  }
0x9d: {  	[timem:s6], [sflag:s22] =	dma.local [hbm:s4], s20  }
0x9e: {  	_ =	swait.ge [sflag:s22], s20  }
0x9f: {  	s3 =	ssub.s32 $0x0, s20;
	[sflag:s22] =	ssyncset.done $0x0  }
0xa0: {  	[sflag:s22] =	ssyncadd.s32 s3;
	_ =	sdelay $0x1  }
0xa1: {  	s23 =	simm.s32 $0x1B8B  }
0xa2: {  	_ =	swait.ge [sflag:s23], $0x1  }
0xa3: {  	[sflag:s23] =	ssyncset.done $0x0  }
0xa4: {  	s25 =	simm.s32 $0x1B8E;
	s24 =	sld [smem:$0x3FFE];
	[sflag:s23] =	ssyncadd.s32 $0xFFFFFFFF  }
0xa5: {  	s26 =	simm.s32 $execute0_lowered;
	[smem:$0x3FD2] =	sst s25  }
0xa6: {  	s4 =	sshll.u32 s26, $0x1;
	_ =	strace $0x8000004C;
	[dreg:$0x1] =	wrdreg $0xFFFFFFFF  }
0xa7: {  	s28 =	simm.s32 $_size_execute0_lowered;
	s2 =	sadd.s32 s2, s4;
	[dreg:$0x0] =	wrdreg $0x0  }
0xa8: {  	s4 =	sshll.u32 s28, $0x1;
	[dreg:$0x2] =	wrdreg s2  }
0xa9: {  	[dreg:$0x3] =	wrdreg s4  }
0xaa: {  	[dreg:$0x4] =	wrdreg $0xC0  }
0xab: {  	_ =	task [dreg:s6], $0x5FFFF  }
0xac: {  	[dreg:$0x1] =	wrdreg $0xFFFFFFFF  }
0xad: {  	[dreg:$0x0] =	wrdreg $0x60  }
0xae: {  	[dreg:$0x2] =	wrdreg s24  }
0xaf: {  	[dreg:$0x3] =	wrdreg $0x9  }
0xb0: {  	_ =	task.clear_ibuf [dreg:s6], $0x4FFFF;
	_ =	strace $0x9000004C  }
0xb1: {  	s29 =	simm.s32 $0x9;
	_ =	strace $0x8000004E  }
0xb2: {  	_ =	swait.ge [sflag:s29], $0x1  }
0xb3: {  	[sflag:s29] =	ssyncadd.s32 $0xFFFFFFFF  }
0xb4: {  	_ =	strace $0x9000004E  }
0xb5: {  	_ =	sfence  }
0xb6: {  	s30 =	sld [smem:$0x0];
	_ =	sdelay $0x2  }
0xb7: {  	s31 =	sshll.u32 s1, $0xD;
	s1 =	sshrl.u32 s1, $0x2  }
0xb8: {  	s3 =	sand.u32 $0x4000, s31;
	s1 =	sadd.s32 s1, s30  }
0xb9: {  	s0 =	sor.u32 s3, s0;
	s1 =	sshll.u32 s1, $0x11  }
0xba: {  	s0 =	sor.u32 s1, s0  }
0xbb: {  	s0 =	sadd.s32 $0x8F2B, s0  }
0xbc: {  	[sflag:s0] =	ssyncadd.remote.s32 $0x1  }
0xbd: {  	_ =	sfence.sel $0xFFFF  }
0xbe: {  	[dreg:$0x0] =	wrdreg $0xFFFFFFFF;
	(pc) =	sbr.abs _section_cstart, $3  }
0xbf: {  	[dreg:$0x1] =	wrdreg $0xFFFFFFFF  }
0xc0: {  	_ =	task.clear_ibuf [dreg:s6], $0x2FFFF;
	_ =	strace $0x9FFFFFFF  }
0xc1: {  	(tm) =	ssettm $0x7FFFFFFF  }
tec
execute0_lowered:
.L_overlay_start_1:
0x0: {  	(tag) =	ssettag $0x1  }
0x1: {  	s1 =	srdreg.scid  }
0x2: {  	s0 =	stileid.u32;
	s14 =	sand.u32 $0x1, s1  }
0x3: {  	s29 =	sshll.u32 s0, $0xA;
	s2 =	sshll.u32 s14, $0x9  }
0x4: {  	s15 =	rddreg [dreg:$0x0];
	s16 =	sor.u32 s2, s29  }
0x5: {  	s1 =	rddreg [dreg:$0x1];
	s2 =	simm.s32 $0x0;
	s3 =	sshrl.u32 s16, $0x3  }
0x6: {  	[smem:$0x7FF] =	sst s2;
	s3 =	sadd.s32 s3, s15  }
0x7: {  	_ =	strace $0x8000004D;
	s4 =	sadd.s32 $0x5000, s3;
	s3 =	simm.s32 $0x2  }
0x8: {  	[tilespmem:s2], [sflag:$0x2] =	stream.linear.gather [hbm4b:s4+s2], $0x200, $0x38;
	[tilespmem:$0x4200] =	vst v63  }
0x9: {  	_ =	swait.ge [sflag:s3], $0x200  }
0xa: {  	s6 =	simm.s32 $0x80;
	[sflag:s3] =	ssyncset.done $0x0  }
0xb: {  	s7 =	simm.s32 $0x200;
	s5 =	sadd.s32 $0x5800, s15;
	[sflag:s3] =	ssyncadd.s32 $0xFFFFFE00  }
0xc: {  	[tilespmem:s7], [sflag:$0x1] =	stream.indirect.gather [hbm4b:s5+s6], $0x20, s2, s6, $0xb8;
	[tilespmem:$0x4200] =	vst v63  }
0xd: {  	s8 =	simm.s32 $0x1200  }
0xe: {  	[tilespmem:s8], [sflag:$0x1] =	stream.indirect.gather [hbm4b:s5+s6], $0x20, s6, s6, $0xb8;
	[tilespmem:$0x4200] =	vst v63  }
0xf: {  	s9 =	simm.s32 $0x100;
	s10 =	simm.s32 $0x2200  }
0x10: {  	[tilespmem:s10], [sflag:$0x1] =	stream.indirect.gather [hbm4b:s5+s6], $0x20, s9, s6, $0xb8;
	[tilespmem:$0x4200] =	vst v63  }
0x11: {  	s11 =	simm.s32 $0x180;
	s12 =	simm.s32 $0x3200;
	s13 =	simm.s32 $0x1  }
0x12: {  	[tilespmem:s12], [sflag:$0x1] =	stream.indirect.gather [hbm4b:s5+s6], $0x20, s11, s6, $0xb8;
	[tilespmem:$0x4200] =	vst v63  }
0x13: {  	_ =	swait.ge [sflag:s13], $0x1000  }
0x14: {  	[sflag:s13] =	ssyncset.done $0x0  }
0x15: {  	[sflag:s13] =	ssyncadd.s32 $0xFFFFF000  }
0x16: {  	_ =	swait.ge [sflag:s13], $0x1000  }
0x17: {  	[sflag:s13] =	ssyncset.done $0x0  }
0x18: {  	s14 =	ssub.s32 $0x2, s14;
	[sflag:s13] =	ssyncadd.s32 $0xFFFFF000  }
0x19: {  	s17 =	sshrl.u32 s14, $0x1;
	_ =	swait.ge [sflag:s13], $0x1000  }
0x1a: {  	s30 =	ssub.s32 s14, s17;
	[sflag:s13] =	ssyncset.done $0x0  }
0x1b: {  	s31 =	smax.u32 s30, $0x1;
	[sflag:s13] =	ssyncadd.s32 $0xFFFFF000  }
0x1c: {  	s16 =	sshll.u32 s16, $0x2;
	p0 =	sne.s32 s31, $0x1;
	_ =	swait.ge [sflag:s13], $0x1000  }
.Ltmp0:
0x1d: {  	s15 =	sadd.s32 s16, s15;
	[sflag:s13] =	ssyncset.done $0x0;
	(pc) =	sbr.rel @!p0 .LBB2_2-.Ltmp0, $4  }
0x1e: {  	s14 =	sadd.s32 $0x7800, s15;
	[sflag:s13] =	ssyncadd.s32 $0xFFFFF000  }
0x1f: {  	[hbm4b:s14+s2] =	stream.linear.scatter [tilespmem:s7], [sflag:$0x2], $0x4000, $0x38;
	[tilespmem:$0x4200] =	vst v63  }
0x20: {  	_ =	swait.ge [sflag:s3], $0x4000  }
0x21: {  	s15 =	sadd.s32 $0xFFFFFFFF, s31;
	[sflag:s3] =	ssyncset.done $0x0  }
.LBB2_1:
0x22: {  	p0 =	sne.s32 s15, $0x1;
	s15 =	sadd.s32 $0xFFFFFFFF, s15;
	[sflag:s3] =	ssyncadd.s32 $0xFFFFC000  }
0x23: {  	[tilespmem:s2], [sflag:$0x2] =	stream.linear.gather [hbm4b:s4+s2], $0x200, $0x38;
	[tilespmem:$0x4200] =	vst v63  }
0x24: {  	_ =	swait.ge [sflag:s3], $0x200  }
0x25: {  	[sflag:s3] =	ssyncset.done $0x0  }
0x26: {  	[sflag:s3] =	ssyncadd.s32 $0xFFFFFE00  }
0x27: {  	[tilespmem:s7], [sflag:$0x1] =	stream.indirect.gather [hbm4b:s5+s6], $0x20, s2, s6, $0xb8;
	[tilespmem:$0x4200] =	vst v63  }
0x28: {  	_ = 	snop  }
0x29: {  	[tilespmem:s8], [sflag:$0x1] =	stream.indirect.gather [hbm4b:s5+s6], $0x20, s6, s6, $0xb8;
	[tilespmem:$0x4200] =	vst v63  }
0x2a: {  	_ = 	snop  }
0x2b: {  	[tilespmem:s10], [sflag:$0x1] =	stream.indirect.gather [hbm4b:s5+s6], $0x20, s9, s6, $0xb8;
	[tilespmem:$0x4200] =	vst v63  }
0x2c: {  	_ = 	snop  }
0x2d: {  	[tilespmem:s12], [sflag:$0x1] =	stream.indirect.gather [hbm4b:s5+s6], $0x20, s11, s6, $0xb8;
	[tilespmem:$0x4200] =	vst v63  }
0x2e: {  	_ =	swait.ge [sflag:s13], $0x1000  }
0x2f: {  	[sflag:s13] =	ssyncset.done $0x0  }
0x30: {  	[sflag:s13] =	ssyncadd.s32 $0xFFFFF000  }
0x31: {  	_ =	swait.ge [sflag:s13], $0x1000  }
0x32: {  	[sflag:s13] =	ssyncset.done $0x0  }
0x33: {  	[sflag:s13] =	ssyncadd.s32 $0xFFFFF000  }
0x34: {  	_ =	swait.ge [sflag:s13], $0x1000  }
0x35: {  	[sflag:s13] =	ssyncset.done $0x0  }
0x36: {  	[sflag:s13] =	ssyncadd.s32 $0xFFFFF000  }
0x37: {  	_ =	swait.ge [sflag:s13], $0x1000  }
.Ltmp1:
0x38: {  	[sflag:s13] =	ssyncset.done $0x0;
	(pc) =	sbr.rel @p0 .LBB2_1-.Ltmp1, $4  }
0x39: {  	[sflag:s13] =	ssyncadd.s32 $0xFFFFF000  }
0x3a: {  	[hbm4b:s14+s2] =	stream.linear.scatter [tilespmem:s7], [sflag:$0x2], $0x4000, $0x38;
	[tilespmem:$0x4200] =	vst v63  }
0x3b: {  	_ =	swait.ge [sflag:s3], $0x4000  }
0x3c: {  	[sflag:s3] =	ssyncset.done $0x0  }
.LBB2_2:
0x3d: {  	[sflag:s3] =	ssyncadd.s32 $0xFFFFC000  }
0x3e: {  	_ =	sfence.sel $0x180000  }
0x3f: {  	[bflag:$0x0] =	sbarrier.arrive $0xFFFF  }
0x40: {  	p0 =	sne.s32 s0, $0x0;
	_ =	strace $0x9000004D  }
0x41: {  	s0 =	sadd.s32 @!p0 $0x100000, s1;
	[bflag:$0x2] =	sbarrier.arrive $0xFFFF  }
0x42: {  	[sflag:s0] =	ssyncadd.tile.s32 @!p0 $0x1;
	_ =	shalt  }
.Lfunc_end2:
_tile_overlayer_lowered:
.L_overlay_start_2:
0x43: {  	(tag) =	ssettag $0x2  }
0x44: {  	s0 =	rddreg [dreg:$0x0];
	s2 =	stileid.u32  }
0x45: {  	s1 =	rddreg [dreg:$0x1];
	p0 =	sne.s32 s2, $0x0  }
0x46: {  	s3 =	rddreg [dreg:$0x2];
	[bflag:$0x3] =	sbarrier.arrive $0xFFFF;
	s2 =	simm.s32 @!p0 $0x1C02  }
0x47: {  	[timem:s3], [sflag:s2] =	dma.local @!p0 [hbm:s0], s1  }
0x48: {  	s0 =	simm.s32 @!p0 $0x2  }
0x49: {  	_ =	swait.ge @!p0 [sflag:s0], s1  }
0x4a: {  	s1 =	ssub.s32 @!p0 $0x0, s1;
	[sflag:s0] =	ssyncset.done @!p0 $0x0  }
0x4b: {  	[sflag:s0] =	ssyncadd.s32 @!p0 s1  }
0x4c: {  	[bflag:$0x3] =	sbarrier.arrive $0xFFFF  }
0x4d: {  	_ =	shalt  }

// kernel: kernel.27.cloned.1.call-start
scs
__scs_entry_jumppad:
0x0: {  	(pc) =	sbr.rel $0x88, $3  }
0x1: {  	(tag) =	ssettag $0x0;
	lr =	simm.s32 $0x1  }
0x2: {  	[smem:$0x3F87] =	sst lr;
	_ =	strace $0xD0000000  }
0x3: {  	_ = 	snop  }
0x4: {  	_ = 	snop  }
0x5: {  	_ = 	snop  }
0x6: {  	_ = 	snop  }
0x7: {  	_ = 	snop  }
__scs_overlays_trampoline_lowered:
0x8: {  	[smem:$0x3F96] =	sst s0  }
0x9: {  	[smem:$0x3F97] =	sst s1  }
0xa: {  	[smem:$0x3F98] =	sst s2  }
0xb: {  	[smem:$0x3F99] =	sst s3  }
0xc: {  	[smem:$0x3F9A] =	sst s4  }
0xd: {  	[smem:$0x3F9B] =	sst s5  }
0xe: {  	[smem:$0x3F9C] =	sst s6  }
0xf: {  	[smem:$0x3F9D] =	sst s7  }
0x10: {  	[smem:$0x3F9E] =	sst s8  }
0x11: {  	[smem:$0x3F9F] =	sst s9;
	s0 =	simm.s32 @!p0 $0x0  }
0x12: {  	s1 =	sld [smem:$0x3F85];
	s0 =	simm.s32 @p0 $0x1  }
0x13: {  	[smem:$0x3FA0] =	sst s0;
	s0 =	simm.s32 @!p1 $0x0  }
0x14: {  	s2 =	sld [smem:$0x3F84];
	s0 =	simm.s32 @p1 $0x1  }
0x15: {  	[smem:$0x3FA1] =	sst s0;
	s0 =	simm.s32 @!p2 $0x0  }
0x16: {  	s3 =	sld [smem:$0x3FDB];
	s0 =	simm.s32 @p2 $0x1  }
0x17: {  	s4 =	simm.s32 $0x1BF5;
	[smem:$0x3FA3] =	sst s0  }
0x18: {  	s0 =	sld [smem:$0x3F86];
	_ =	swait.ge [sflag:s4], $0x0  }
0x19: {  	s7 =	sld [smem:$0x3F87]  }
0x1a: {  	s8 =	sadd.s32 $0xFFFFE003, lr  }
0x1b: {  	s9 =	sadd.s32 $0xFFFFFEF7, lr;
	s5 =	simm.s32 $0xFFFFFFFF;
	p2 =	slt.u32 s8, $0xFFFFF086  }
0x1c: {  	p1 =	slt.u32 s9, $0xF7A;
	s5 =	simm.s32 @!p2 $0x0  }
0x1d: {  	s5 =	simm.s32 @p1 $0x1;
	p0 =	seq.s32 s7, s2  }
0x1e: {  	s7 =	smul.u32 @!p0 $0xF7A, s2;
	p2 =	seq.s32 @!p0 s5, $0x0  }
0x1f: {  	s9 =	smul.u32 $0xF7A, s1;
	s8 =	simm.s32 @!p0 $0x1BF5;
	p2 =	por !p2, p0  }
0x20: {  	[sflag:s8] =	ssyncset.s32 @!p0 $0xFFFFF086;
	s6 =	sadd.s32 @!p0 s3, s7;
	s7 =	simm.s32 @!p0 $0x108  }
0x21: {  	s3 =	sadd.s32 s3, s9;
	s6 =	sadd.s32 @!p0 $0x88, s6;
	s7 =	simm.s32 @p2 $0x1082  }
0x22: {  	[simem:s7], [sflag:s8] =	dma.local @!p0 [hbm:s6], $0xF7A  }
0x23: {  	s9 =	sor.u32 $0xD0000000, s2;
	s6 =	simm.s32 $0x108;
	_ =	swait.ge @!p0 [sflag:s8], $0x0  }
0x24: {  	s3 =	sadd.s32 $0x88, s3;
	s6 =	simm.s32 @!p1 $0x1082;
	[sflag:s4] =	ssyncset.s32 $0xFFFFF086  }
0x25: {  	[simem:s6], [sflag:s4] =	dma.local [hbm:s3], $0xF7A  }
0x26: {  	[smem:$0x3F87] =	sst s1;
	(tag) =	ssettag s2;
	_ =	strace s9  }
0x27: {  	s1 =	sld [smem:$0x3F97]  }
0x28: {  	s2 =	sld [smem:$0x3F98]  }
0x29: {  	s4 =	sld [smem:$0x3F9A]  }
0x2a: {  	p0 =	seq.s32 s5, $0x0;
	s5 =	sld [smem:$0x3F9B]  }
0x2b: {  	s6 =	sld [smem:$0x3F9C]  }
0x2c: {  	s7 =	sld [smem:$0x3F9D]  }
0x2d: {  	s3 =	simm.s32 $0x108;
	s8 =	sld [smem:$0x3F9E]  }
0x2e: {  	s3 =	simm.s32 @!p0 $0x1082;
	s9 =	sld [smem:$0x3F9F]  }
0x2f: {  	lr =	sadd.s32 s0, s3;
	s0 =	sld [smem:$0x3F96]  }
0x30: {  	s3 =	sld [smem:$0x3F99]  }
0x31: {  	[smem:$0x3FA2] =	sst s10  }
0x32: {  	s10 =	sld [smem:$0x3FA0];
	_ =	sdelay $0x3  }
0x33: {  	p0 =	seq.s32 s10, $0x1;
	s10 =	sld [smem:$0x3FA2];
	_ =	sdelay $0x3  }
0x34: {  	[smem:$0x3FA2] =	sst s10  }
0x35: {  	s10 =	sld [smem:$0x3FA1];
	_ =	sdelay $0x3  }
0x36: {  	p1 =	seq.s32 s10, $0x1;
	s10 =	sld [smem:$0x3FA2];
	_ =	sdelay $0x3  }
0x37: {  	[smem:$0x3FA2] =	sst s10  }
0x38: {  	s10 =	sld [smem:$0x3FA3]  }
0x39: {  	_ = 	snop;
	(pc) =	sbr.ind lr, $3  }
0x3a: {  	_ = 	snop  }
0x3b: {  	_ = 	snop  }
0x3c: {  	p2 =	seq.s32 s10, $0x1;
	s10 =	sld [smem:$0x3FA2]  }
0x3d: {  	_ =	shalt  }
0x3e: {  	_ =	shalt  }
0x3f: {  	_ =	shalt  }
0x40: {  	_ =	shalt  }
0x41: {  	_ =	shalt  }
0x42: {  	_ =	shalt  }
0x43: {  	_ =	shalt  }
0x44: {  	_ =	shalt  }
0x45: {  	_ =	shalt  }
0x46: {  	_ =	shalt  }
0x47: {  	_ =	shalt  }
0x48: {  	_ =	shalt  }
0x49: {  	_ =	shalt  }
0x4a: {  	_ =	shalt  }
0x4b: {  	_ =	shalt  }
0x4c: {  	_ =	shalt  }
0x4d: {  	_ =	shalt  }
0x4e: {  	_ =	shalt  }
0x4f: {  	_ =	shalt  }
0x50: {  	_ =	shalt  }
0x51: {  	_ =	shalt  }
0x52: {  	_ =	shalt  }
0x53: {  	_ =	shalt  }
0x54: {  	_ =	shalt  }
0x55: {  	_ =	shalt  }
0x56: {  	_ =	shalt  }
0x57: {  	_ =	shalt  }
0x58: {  	_ =	shalt  }
0x59: {  	_ =	shalt  }
0x5a: {  	_ =	shalt  }
0x5b: {  	_ =	shalt  }
0x5c: {  	_ =	shalt  }
0x5d: {  	_ =	shalt  }
0x5e: {  	_ =	shalt  }
0x5f: {  	_ =	shalt  }
0x60: {  	_ =	shalt  }
0x61: {  	_ =	shalt  }
0x62: {  	_ =	shalt  }
0x63: {  	_ =	shalt  }
0x64: {  	_ =	shalt  }
0x65: {  	_ =	shalt  }
0x66: {  	_ =	shalt  }
0x67: {  	_ =	shalt  }
0x68: {  	_ =	shalt  }
0x69: {  	_ =	shalt  }
0x6a: {  	_ =	shalt  }
0x6b: {  	_ =	shalt  }
0x6c: {  	_ =	shalt  }
0x6d: {  	_ =	shalt  }
0x6e: {  	_ =	shalt  }
0x6f: {  	_ =	shalt  }
0x70: {  	_ =	shalt  }
0x71: {  	_ =	shalt  }
0x72: {  	_ =	shalt  }
0x73: {  	_ =	shalt  }
0x74: {  	_ =	shalt  }
0x75: {  	_ =	shalt  }
0x76: {  	_ =	shalt  }
0x77: {  	_ =	shalt  }
0x78: {  	_ =	shalt  }
0x79: {  	_ =	shalt  }
0x7a: {  	_ =	shalt  }
0x7b: {  	_ =	shalt  }
0x7c: {  	_ =	shalt  }
0x7d: {  	_ =	shalt  }
0x7e: {  	_ =	shalt  }
0x7f: {  	_ =	shalt  }
0x80: {  	_ =	shalt  }
0x81: {  	_ =	shalt  }
0x82: {  	_ =	shalt  }
0x83: {  	_ =	shalt  }
0x84: {  	_ =	shalt  }
0x85: {  	_ =	shalt  }
0x86: {  	_ =	shalt  }
0x87: {  	_ =	shalt  }
.Lfunc_end0:
.L_simem_size_0:
called_computation.3_lowered:
.L_overlay_start_0:
0x88: {  	s2 =	sld [smem:$0x3FD9]  }
0x89: {  	s3 =	sld [smem:$0x3FFE];
	_ =	sdelay $0x1  }
0x8a: {  	s1 =	srdreg.scid  }
0x8b: {  	s0 =	sand.u32 $0x1, s1  }
0x8c: {  	s16 =	sshll.u32 s0, $0xA;
	s2 =	sadd.s32 s3, s2  }
0x8d: {  	s2 =	sadd.s32 s2, s16  }
0x8e: {  	[smem:$0x3FAE] =	sst s2  }
0x8f: {  	_ = 	snop  }
0x90: {  	(tm) =	ssettm $0x1  }
0x91: {  	s17 =	sld [smem:$0x3FFB];
	_ =	sdelay $0x3  }
0x92: {  	_ =	strace s17  }
0x93: {  	s2 =	sld [smem:$0x3FFC];
	_ =	sdelay $0x3  }
0x94: {  	_ =	strace s2  }
0x95: {  	s2 =	sld [smem:$0x3FFD];
	_ =	sdelay $0x3  }
0x96: {  	_ =	strace s2  }
0x97: {  	_ =	strace $0x8FFFFFFF  }
0x98: {  	s18 =	sld [smem:$0x3FDB];
	_ =	sdelay $0x1  }
0x99: {  	s19 =	simm.s32 $_scs_section_size  }
0x9a: {  	s4 =	simm.s32 $_size__tile_overlayer_lowered;
	s5 =	simm.s32 $_tile_overlayer_lowered  }
0x9b: {  	s22 =	simm.s32 $0x1BFF;
	s21 =	sshll.u32 s5, $0x1;
	s2 =	sadd.s32 s19, s18  }
0x9c: {  	s6 =	simm.s32 $0x0;
	s20 =	sshll.u32 s4, $0x1;
	s4 =	sadd.s32 s21, s2  }
0x9d: {  	[timem:s6], [sflag:s22] =	dma.local [hbm:s4], s20  }
0x9e: {  	_ =	swait.ge [sflag:s22], s20  }
0x9f: {  	s3 =	ssub.s32 $0x0, s20;
	[sflag:s22] =	ssyncset.done $0x0  }
0xa0: {  	[sflag:s22] =	ssyncadd.s32 s3;
	_ =	sdelay $0x1  }
0xa1: {  	s23 =	simm.s32 $0x1B8B  }
0xa2: {  	_ =	swait.ge [sflag:s23], $0x1  }
0xa3: {  	[sflag:s23] =	ssyncset.done $0x0  }
0xa4: {  	s25 =	simm.s32 $0x1B8E;
	s24 =	sld [smem:$0x3FFE];
	[sflag:s23] =	ssyncadd.s32 $0xFFFFFFFF  }
0xa5: {  	s26 =	simm.s32 $execute0_lowered;
	[smem:$0x3FD2] =	sst s25  }
0xa6: {  	s4 =	sshll.u32 s26, $0x1;
	_ =	strace $0x8000004F;
	[dreg:$0x1] =	wrdreg $0xFFFFFFFF  }
0xa7: {  	s28 =	simm.s32 $_size_execute0_lowered;
	s2 =	sadd.s32 s2, s4;
	[dreg:$0x0] =	wrdreg $0x0  }
0xa8: {  	s4 =	sshll.u32 s28, $0x1;
	[dreg:$0x2] =	wrdreg s2  }
0xa9: {  	[dreg:$0x3] =	wrdreg s4  }
0xaa: {  	[dreg:$0x4] =	wrdreg $0xC0  }
0xab: {  	_ =	task [dreg:s6], $0x5FFFF  }
0xac: {  	[dreg:$0x1] =	wrdreg $0xFFFFFFFF  }
0xad: {  	[dreg:$0x0] =	wrdreg $0x60  }
0xae: {  	[dreg:$0x2] =	wrdreg s24  }
0xaf: {  	[dreg:$0x3] =	wrdreg $0x9  }
0xb0: {  	_ =	task.clear_ibuf [dreg:s6], $0x4FFFF;
	_ =	strace $0x9000004F  }
0xb1: {  	s29 =	simm.s32 $0x9;
	_ =	strace $0x80000051  }
0xb2: {  	_ =	swait.ge [sflag:s29], $0x1  }
0xb3: {  	[sflag:s29] =	ssyncadd.s32 $0xFFFFFFFF  }
0xb4: {  	_ =	strace $0x90000051  }
0xb5: {  	_ =	sfence  }
0xb6: {  	s30 =	sld [smem:$0x0];
	_ =	sdelay $0x2  }
0xb7: {  	s31 =	sshll.u32 s1, $0xD;
	s1 =	sshrl.u32 s1, $0x2  }
0xb8: {  	s3 =	sand.u32 $0x4000, s31;
	s1 =	sadd.s32 s1, s30  }
0xb9: {  	s0 =	sor.u32 s3, s0;
	s1 =	sshll.u32 s1, $0x11  }
0xba: {  	s0 =	sor.u32 s1, s0  }
0xbb: {  	s0 =	sadd.s32 $0x8F2B, s0  }
0xbc: {  	[sflag:s0] =	ssyncadd.remote.s32 $0x1  }
0xbd: {  	_ =	sfence.sel $0xFFFF  }
0xbe: {  	[dreg:$0x0] =	wrdreg $0xFFFFFFFF;
	(pc) =	sbr.abs _section_cstart, $3  }
0xbf: {  	[dreg:$0x1] =	wrdreg $0xFFFFFFFF  }
0xc0: {  	_ =	task.clear_ibuf [dreg:s6], $0x2FFFF;
	_ =	strace $0x9FFFFFFF  }
0xc1: {  	(tm) =	ssettm $0x7FFFFFFF  }
tec
execute0_lowered:
.L_overlay_start_1:
0x0: {  	(tag) =	ssettag $0x1  }
0x1: {  	s1 =	srdreg.scid  }
0x2: {  	s0 =	stileid.u32;
	s14 =	sand.u32 $0x1, s1  }
0x3: {  	s29 =	sshll.u32 s0, $0xA;
	s2 =	sshll.u32 s14, $0x9  }
0x4: {  	s15 =	rddreg [dreg:$0x0];
	s16 =	sor.u32 s2, s29  }
0x5: {  	s1 =	rddreg [dreg:$0x1];
	s2 =	simm.s32 $0x0;
	s3 =	sshrl.u32 s16, $0x3  }
0x6: {  	[smem:$0x7FF] =	sst s2;
	s3 =	sadd.s32 s3, s15  }
0x7: {  	_ =	strace $0x80000050;
	s4 =	sadd.s32 $0x5000, s3;
	s3 =	simm.s32 $0x2  }
0x8: {  	[tilespmem:s2], [sflag:$0x2] =	stream.linear.gather [hbm4b:s4+s2], $0x200, $0x38;
	[tilespmem:$0x4200] =	vst v63  }
0x9: {  	_ =	swait.ge [sflag:s3], $0x200  }
0xa: {  	s6 =	simm.s32 $0x80;
	[sflag:s3] =	ssyncset.done $0x0  }
0xb: {  	s7 =	simm.s32 $0x200;
	s5 =	sadd.s32 $0x5800, s15;
	[sflag:s3] =	ssyncadd.s32 $0xFFFFFE00  }
0xc: {  	[tilespmem:s7], [sflag:$0x1] =	stream.indirect.gather [hbm4b:s5+s6], $0x20, s2, s6, $0xb8;
	[tilespmem:$0x4200] =	vst v63  }
0xd: {  	s8 =	simm.s32 $0x1200  }
0xe: {  	[tilespmem:s8], [sflag:$0x1] =	stream.indirect.gather [hbm4b:s5+s6], $0x20, s6, s6, $0xb8;
	[tilespmem:$0x4200] =	vst v63  }
0xf: {  	s9 =	simm.s32 $0x100;
	s10 =	simm.s32 $0x2200  }
0x10: {  	[tilespmem:s10], [sflag:$0x1] =	stream.indirect.gather [hbm4b:s5+s6], $0x20, s9, s6, $0xb8;
	[tilespmem:$0x4200] =	vst v63  }
0x11: {  	s11 =	simm.s32 $0x180;
	s12 =	simm.s32 $0x3200;
	s13 =	simm.s32 $0x1  }
0x12: {  	[tilespmem:s12], [sflag:$0x1] =	stream.indirect.gather [hbm4b:s5+s6], $0x20, s11, s6, $0xb8;
	[tilespmem:$0x4200] =	vst v63  }
0x13: {  	_ =	swait.ge [sflag:s13], $0x1000  }
0x14: {  	[sflag:s13] =	ssyncset.done $0x0  }
0x15: {  	[sflag:s13] =	ssyncadd.s32 $0xFFFFF000  }
0x16: {  	_ =	swait.ge [sflag:s13], $0x1000  }
0x17: {  	[sflag:s13] =	ssyncset.done $0x0  }
0x18: {  	s14 =	ssub.s32 $0x2, s14;
	[sflag:s13] =	ssyncadd.s32 $0xFFFFF000  }
0x19: {  	s17 =	sshrl.u32 s14, $0x1;
	_ =	swait.ge [sflag:s13], $0x1000  }
0x1a: {  	s30 =	ssub.s32 s14, s17;
	[sflag:s13] =	ssyncset.done $0x0  }
0x1b: {  	s31 =	smax.u32 s30, $0x1;
	[sflag:s13] =	ssyncadd.s32 $0xFFFFF000  }
0x1c: {  	s16 =	sshll.u32 s16, $0x2;
	p0 =	sne.s32 s31, $0x1;
	_ =	swait.ge [sflag:s13], $0x1000  }
.Ltmp0:
0x1d: {  	s15 =	sadd.s32 s16, s15;
	[sflag:s13] =	ssyncset.done $0x0;
	(pc) =	sbr.rel @!p0 .LBB2_2-.Ltmp0, $4  }
0x1e: {  	s14 =	sadd.s32 $0x7800, s15;
	[sflag:s13] =	ssyncadd.s32 $0xFFFFF000  }
0x1f: {  	[hbm4b:s14+s2] =	stream.linear.scatter [tilespmem:s7], [sflag:$0x2], $0x4000, $0x38;
	[tilespmem:$0x4200] =	vst v63  }
0x20: {  	_ =	swait.ge [sflag:s3], $0x4000  }
0x21: {  	s15 =	sadd.s32 $0xFFFFFFFF, s31;
	[sflag:s3] =	ssyncset.done $0x0  }
.LBB2_1:
0x22: {  	p0 =	sne.s32 s15, $0x1;
	s15 =	sadd.s32 $0xFFFFFFFF, s15;
	[sflag:s3] =	ssyncadd.s32 $0xFFFFC000  }
0x23: {  	[tilespmem:s2], [sflag:$0x2] =	stream.linear.gather [hbm4b:s4+s2], $0x200, $0x38;
	[tilespmem:$0x4200] =	vst v63  }
0x24: {  	_ =	swait.ge [sflag:s3], $0x200  }
0x25: {  	[sflag:s3] =	ssyncset.done $0x0  }
0x26: {  	[sflag:s3] =	ssyncadd.s32 $0xFFFFFE00  }
0x27: {  	[tilespmem:s7], [sflag:$0x1] =	stream.indirect.gather [hbm4b:s5+s6], $0x20, s2, s6, $0xb8;
	[tilespmem:$0x4200] =	vst v63  }
0x28: {  	_ = 	snop  }
0x29: {  	[tilespmem:s8], [sflag:$0x1] =	stream.indirect.gather [hbm4b:s5+s6], $0x20, s6, s6, $0xb8;
	[tilespmem:$0x4200] =	vst v63  }
0x2a: {  	_ = 	snop  }
0x2b: {  	[tilespmem:s10], [sflag:$0x1] =	stream.indirect.gather [hbm4b:s5+s6], $0x20, s9, s6, $0xb8;
	[tilespmem:$0x4200] =	vst v63  }
0x2c: {  	_ = 	snop  }
0x2d: {  	[tilespmem:s12], [sflag:$0x1] =	stream.indirect.gather [hbm4b:s5+s6], $0x20, s11, s6, $0xb8;
	[tilespmem:$0x4200] =	vst v63  }
0x2e: {  	_ =	swait.ge [sflag:s13], $0x1000  }
0x2f: {  	[sflag:s13] =	ssyncset.done $0x0  }
0x30: {  	[sflag:s13] =	ssyncadd.s32 $0xFFFFF000  }
0x31: {  	_ =	swait.ge [sflag:s13], $0x1000  }
0x32: {  	[sflag:s13] =	ssyncset.done $0x0  }
0x33: {  	[sflag:s13] =	ssyncadd.s32 $0xFFFFF000  }
0x34: {  	_ =	swait.ge [sflag:s13], $0x1000  }
0x35: {  	[sflag:s13] =	ssyncset.done $0x0  }
0x36: {  	[sflag:s13] =	ssyncadd.s32 $0xFFFFF000  }
0x37: {  	_ =	swait.ge [sflag:s13], $0x1000  }
.Ltmp1:
0x38: {  	[sflag:s13] =	ssyncset.done $0x0;
	(pc) =	sbr.rel @p0 .LBB2_1-.Ltmp1, $4  }
0x39: {  	[sflag:s13] =	ssyncadd.s32 $0xFFFFF000  }
0x3a: {  	[hbm4b:s14+s2] =	stream.linear.scatter [tilespmem:s7], [sflag:$0x2], $0x4000, $0x38;
	[tilespmem:$0x4200] =	vst v63  }
0x3b: {  	_ =	swait.ge [sflag:s3], $0x4000  }
0x3c: {  	[sflag:s3] =	ssyncset.done $0x0  }
.LBB2_2:
0x3d: {  	[sflag:s3] =	ssyncadd.s32 $0xFFFFC000  }
0x3e: {  	_ =	sfence.sel $0x180000  }
0x3f: {  	[bflag:$0x0] =	sbarrier.arrive $0xFFFF  }
0x40: {  	p0 =	sne.s32 s0, $0x0;
	_ =	strace $0x90000050  }
0x41: {  	s0 =	sadd.s32 @!p0 $0x100000, s1;
	[bflag:$0x2] =	sbarrier.arrive $0xFFFF  }
0x42: {  	[sflag:s0] =	ssyncadd.tile.s32 @!p0 $0x1;
	_ =	shalt  }
.Lfunc_end2:
_tile_overlayer_lowered:
.L_overlay_start_2:
0x43: {  	(tag) =	ssettag $0x2  }
0x44: {  	s0 =	rddreg [dreg:$0x0];
	s2 =	stileid.u32  }
0x45: {  	s1 =	rddreg [dreg:$0x1];
	p0 =	sne.s32 s2, $0x0  }
0x46: {  	s3 =	rddreg [dreg:$0x2];
	[bflag:$0x3] =	sbarrier.arrive $0xFFFF;
	s2 =	simm.s32 @!p0 $0x1C02  }
0x47: {  	[timem:s3], [sflag:s2] =	dma.local @!p0 [hbm:s0], s1  }
0x48: {  	s0 =	simm.s32 @!p0 $0x2  }
0x49: {  	_ =	swait.ge @!p0 [sflag:s0], s1  }
0x4a: {  	s1 =	ssub.s32 @!p0 $0x0, s1;
	[sflag:s0] =	ssyncset.done @!p0 $0x0  }
0x4b: {  	[sflag:s0] =	ssyncadd.s32 @!p0 s1  }
0x4c: {  	[bflag:$0x3] =	sbarrier.arrive $0xFFFF  }
0x4d: {  	_ =	shalt  }

// kernel: kernel.30.cloned.1.call-start
scs
__scs_entry_jumppad:
0x0: {  	(pc) =	sbr.rel $0x88, $3  }
0x1: {  	(tag) =	ssettag $0x0;
	lr =	simm.s32 $0x1  }
0x2: {  	[smem:$0x3F87] =	sst lr;
	_ =	strace $0xD0000000  }
0x3: {  	_ = 	snop  }
0x4: {  	_ = 	snop  }
0x5: {  	_ = 	snop  }
0x6: {  	_ = 	snop  }
0x7: {  	_ = 	snop  }
__scs_overlays_trampoline_lowered:
0x8: {  	[smem:$0x3F96] =	sst s0  }
0x9: {  	[smem:$0x3F97] =	sst s1  }
0xa: {  	[smem:$0x3F98] =	sst s2  }
0xb: {  	[smem:$0x3F99] =	sst s3  }
0xc: {  	[smem:$0x3F9A] =	sst s4  }
0xd: {  	[smem:$0x3F9B] =	sst s5  }
0xe: {  	[smem:$0x3F9C] =	sst s6  }
0xf: {  	[smem:$0x3F9D] =	sst s7  }
0x10: {  	[smem:$0x3F9E] =	sst s8  }
0x11: {  	[smem:$0x3F9F] =	sst s9;
	s0 =	simm.s32 @!p0 $0x0  }
0x12: {  	s1 =	sld [smem:$0x3F85];
	s0 =	simm.s32 @p0 $0x1  }
0x13: {  	[smem:$0x3FA0] =	sst s0;
	s0 =	simm.s32 @!p1 $0x0  }
0x14: {  	s2 =	sld [smem:$0x3F84];
	s0 =	simm.s32 @p1 $0x1  }
0x15: {  	[smem:$0x3FA1] =	sst s0;
	s0 =	simm.s32 @!p2 $0x0  }
0x16: {  	s3 =	sld [smem:$0x3FDB];
	s0 =	simm.s32 @p2 $0x1  }
0x17: {  	s4 =	simm.s32 $0x1BF5;
	[smem:$0x3FA3] =	sst s0  }
0x18: {  	s0 =	sld [smem:$0x3F86];
	_ =	swait.ge [sflag:s4], $0x0  }
0x19: {  	s7 =	sld [smem:$0x3F87]  }
0x1a: {  	s8 =	sadd.s32 $0xFFFFE003, lr  }
0x1b: {  	s9 =	sadd.s32 $0xFFFFFEF7, lr;
	s5 =	simm.s32 $0xFFFFFFFF;
	p2 =	slt.u32 s8, $0xFFFFF086  }
0x1c: {  	p1 =	slt.u32 s9, $0xF7A;
	s5 =	simm.s32 @!p2 $0x0  }
0x1d: {  	s5 =	simm.s32 @p1 $0x1;
	p0 =	seq.s32 s7, s2  }
0x1e: {  	s7 =	smul.u32 @!p0 $0xF7A, s2;
	p2 =	seq.s32 @!p0 s5, $0x0  }
0x1f: {  	s9 =	smul.u32 $0xF7A, s1;
	s8 =	simm.s32 @!p0 $0x1BF5;
	p2 =	por !p2, p0  }
0x20: {  	[sflag:s8] =	ssyncset.s32 @!p0 $0xFFFFF086;
	s6 =	sadd.s32 @!p0 s3, s7;
	s7 =	simm.s32 @!p0 $0x108  }
0x21: {  	s3 =	sadd.s32 s3, s9;
	s6 =	sadd.s32 @!p0 $0x88, s6;
	s7 =	simm.s32 @p2 $0x1082  }
0x22: {  	[simem:s7], [sflag:s8] =	dma.local @!p0 [hbm:s6], $0xF7A  }
0x23: {  	s9 =	sor.u32 $0xD0000000, s2;
	s6 =	simm.s32 $0x108;
	_ =	swait.ge @!p0 [sflag:s8], $0x0  }
0x24: {  	s3 =	sadd.s32 $0x88, s3;
	s6 =	simm.s32 @!p1 $0x1082;
	[sflag:s4] =	ssyncset.s32 $0xFFFFF086  }
0x25: {  	[simem:s6], [sflag:s4] =	dma.local [hbm:s3], $0xF7A  }
0x26: {  	[smem:$0x3F87] =	sst s1;
	(tag) =	ssettag s2;
	_ =	strace s9  }
0x27: {  	s1 =	sld [smem:$0x3F97]  }
0x28: {  	s2 =	sld [smem:$0x3F98]  }
0x29: {  	s4 =	sld [smem:$0x3F9A]  }
0x2a: {  	p0 =	seq.s32 s5, $0x0;
	s5 =	sld [smem:$0x3F9B]  }
0x2b: {  	s6 =	sld [smem:$0x3F9C]  }
0x2c: {  	s7 =	sld [smem:$0x3F9D]  }
0x2d: {  	s3 =	simm.s32 $0x108;
	s8 =	sld [smem:$0x3F9E]  }
0x2e: {  	s3 =	simm.s32 @!p0 $0x1082;
	s9 =	sld [smem:$0x3F9F]  }
0x2f: {  	lr =	sadd.s32 s0, s3;
	s0 =	sld [smem:$0x3F96]  }
0x30: {  	s3 =	sld [smem:$0x3F99]  }
0x31: {  	[smem:$0x3FA2] =	sst s10  }
0x32: {  	s10 =	sld [smem:$0x3FA0];
	_ =	sdelay $0x3  }
0x33: {  	p0 =	seq.s32 s10, $0x1;
	s10 =	sld [smem:$0x3FA2];
	_ =	sdelay $0x3  }
0x34: {  	[smem:$0x3FA2] =	sst s10  }
0x35: {  	s10 =	sld [smem:$0x3FA1];
	_ =	sdelay $0x3  }
0x36: {  	p1 =	seq.s32 s10, $0x1;
	s10 =	sld [smem:$0x3FA2];
	_ =	sdelay $0x3  }
0x37: {  	[smem:$0x3FA2] =	sst s10  }
0x38: {  	s10 =	sld [smem:$0x3FA3]  }
0x39: {  	_ = 	snop;
	(pc) =	sbr.ind lr, $3  }
0x3a: {  	_ = 	snop  }
0x3b: {  	_ = 	snop  }
0x3c: {  	p2 =	seq.s32 s10, $0x1;
	s10 =	sld [smem:$0x3FA2]  }
0x3d: {  	_ =	shalt  }
0x3e: {  	_ =	shalt  }
0x3f: {  	_ =	shalt  }
0x40: {  	_ =	shalt  }
0x41: {  	_ =	shalt  }
0x42: {  	_ =	shalt  }
0x43: {  	_ =	shalt  }
0x44: {  	_ =	shalt  }
0x45: {  	_ =	shalt  }
0x46: {  	_ =	shalt  }
0x47: {  	_ =	shalt  }
0x48: {  	_ =	shalt  }
0x49: {  	_ =	shalt  }
0x4a: {  	_ =	shalt  }
0x4b: {  	_ =	shalt  }
0x4c: {  	_ =	shalt  }
0x4d: {  	_ =	shalt  }
0x4e: {  	_ =	shalt  }
0x4f: {  	_ =	shalt  }
0x50: {  	_ =	shalt  }
0x51: {  	_ =	shalt  }
0x52: {  	_ =	shalt  }
0x53: {  	_ =	shalt  }
0x54: {  	_ =	shalt  }
0x55: {  	_ =	shalt  }
0x56: {  	_ =	shalt  }
0x57: {  	_ =	shalt  }
0x58: {  	_ =	shalt  }
0x59: {  	_ =	shalt  }
0x5a: {  	_ =	shalt  }
0x5b: {  	_ =	shalt  }
0x5c: {  	_ =	shalt  }
0x5d: {  	_ =	shalt  }
0x5e: {  	_ =	shalt  }
0x5f: {  	_ =	shalt  }
0x60: {  	_ =	shalt  }
0x61: {  	_ =	shalt  }
0x62: {  	_ =	shalt  }
0x63: {  	_ =	shalt  }
0x64: {  	_ =	shalt  }
0x65: {  	_ =	shalt  }
0x66: {  	_ =	shalt  }
0x67: {  	_ =	shalt  }
0x68: {  	_ =	shalt  }
0x69: {  	_ =	shalt  }
0x6a: {  	_ =	shalt  }
0x6b: {  	_ =	shalt  }
0x6c: {  	_ =	shalt  }
0x6d: {  	_ =	shalt  }
0x6e: {  	_ =	shalt  }
0x6f: {  	_ =	shalt  }
0x70: {  	_ =	shalt  }
0x71: {  	_ =	shalt  }
0x72: {  	_ =	shalt  }
0x73: {  	_ =	shalt  }
0x74: {  	_ =	shalt  }
0x75: {  	_ =	shalt  }
0x76: {  	_ =	shalt  }
0x77: {  	_ =	shalt  }
0x78: {  	_ =	shalt  }
0x79: {  	_ =	shalt  }
0x7a: {  	_ =	shalt  }
0x7b: {  	_ =	shalt  }
0x7c: {  	_ =	shalt  }
0x7d: {  	_ =	shalt  }
0x7e: {  	_ =	shalt  }
0x7f: {  	_ =	shalt  }
0x80: {  	_ =	shalt  }
0x81: {  	_ =	shalt  }
0x82: {  	_ =	shalt  }
0x83: {  	_ =	shalt  }
0x84: {  	_ =	shalt  }
0x85: {  	_ =	shalt  }
0x86: {  	_ =	shalt  }
0x87: {  	_ =	shalt  }
.Lfunc_end0:
.L_simem_size_0:
called_computation.4_lowered:
.L_overlay_start_0:
0x88: {  	s2 =	sld [smem:$0x3FD9]  }
0x89: {  	s3 =	sld [smem:$0x3FFE];
	_ =	sdelay $0x1  }
0x8a: {  	s1 =	srdreg.scid  }
0x8b: {  	s0 =	sand.u32 $0x1, s1  }
0x8c: {  	s16 =	sshll.u32 s0, $0xA;
	s2 =	sadd.s32 s3, s2  }
0x8d: {  	s2 =	sadd.s32 s2, s16  }
0x8e: {  	[smem:$0x3FAE] =	sst s2  }
0x8f: {  	_ = 	snop  }
0x90: {  	(tm) =	ssettm $0x1  }
0x91: {  	s17 =	sld [smem:$0x3FFB];
	_ =	sdelay $0x3  }
0x92: {  	_ =	strace s17  }
0x93: {  	s2 =	sld [smem:$0x3FFC];
	_ =	sdelay $0x3  }
0x94: {  	_ =	strace s2  }
0x95: {  	s2 =	sld [smem:$0x3FFD];
	_ =	sdelay $0x3  }
0x96: {  	_ =	strace s2  }
0x97: {  	_ =	strace $0x8FFFFFFF  }
0x98: {  	s18 =	sld [smem:$0x3FDB];
	_ =	sdelay $0x1  }
0x99: {  	s19 =	simm.s32 $_scs_section_size  }
0x9a: {  	s4 =	simm.s32 $_size__tile_overlayer_lowered;
	s5 =	simm.s32 $_tile_overlayer_lowered  }
0x9b: {  	s22 =	simm.s32 $0x1BFF;
	s21 =	sshll.u32 s5, $0x1;
	s2 =	sadd.s32 s19, s18  }
0x9c: {  	s6 =	simm.s32 $0x0;
	s20 =	sshll.u32 s4, $0x1;
	s4 =	sadd.s32 s21, s2  }
0x9d: {  	[timem:s6], [sflag:s22] =	dma.local [hbm:s4], s20  }
0x9e: {  	_ =	swait.ge [sflag:s22], s20  }
0x9f: {  	s3 =	ssub.s32 $0x0, s20;
	[sflag:s22] =	ssyncset.done $0x0  }
0xa0: {  	[sflag:s22] =	ssyncadd.s32 s3;
	_ =	sdelay $0x1  }
0xa1: {  	s23 =	simm.s32 $0x1B8B  }
0xa2: {  	_ =	swait.ge [sflag:s23], $0x1  }
0xa3: {  	[sflag:s23] =	ssyncset.done $0x0  }
0xa4: {  	s25 =	simm.s32 $0x1B8E;
	s24 =	sld [smem:$0x3FFE];
	[sflag:s23] =	ssyncadd.s32 $0xFFFFFFFF  }
0xa5: {  	s26 =	simm.s32 $execute0_lowered;
	[smem:$0x3FD2] =	sst s25  }
0xa6: {  	s4 =	sshll.u32 s26, $0x1;
	_ =	strace $0x80000052;
	[dreg:$0x1] =	wrdreg $0xFFFFFFFF  }
0xa7: {  	s28 =	simm.s32 $_size_execute0_lowered;
	s2 =	sadd.s32 s2, s4;
	[dreg:$0x0] =	wrdreg $0x0  }
0xa8: {  	s4 =	sshll.u32 s28, $0x1;
	[dreg:$0x2] =	wrdreg s2  }
0xa9: {  	[dreg:$0x3] =	wrdreg s4  }
0xaa: {  	[dreg:$0x4] =	wrdreg $0xC0  }
0xab: {  	_ =	task [dreg:s6], $0x5FFFF  }
0xac: {  	[dreg:$0x1] =	wrdreg $0xFFFFFFFF  }
0xad: {  	[dreg:$0x0] =	wrdreg $0x60  }
0xae: {  	[dreg:$0x2] =	wrdreg s24  }
0xaf: {  	[dreg:$0x3] =	wrdreg $0x9  }
0xb0: {  	_ =	task.clear_ibuf [dreg:s6], $0x4FFFF;
	_ =	strace $0x90000052  }
0xb1: {  	s29 =	simm.s32 $0x9;
	_ =	strace $0x80000054  }
0xb2: {  	_ =	swait.ge [sflag:s29], $0x1  }
0xb3: {  	[sflag:s29] =	ssyncadd.s32 $0xFFFFFFFF  }
0xb4: {  	_ =	strace $0x90000054  }
0xb5: {  	_ =	sfence  }
0xb6: {  	s30 =	sld [smem:$0x0];
	_ =	sdelay $0x2  }
0xb7: {  	s31 =	sshll.u32 s1, $0xD;
	s1 =	sshrl.u32 s1, $0x2  }
0xb8: {  	s3 =	sand.u32 $0x4000, s31;
	s1 =	sadd.s32 s1, s30  }
0xb9: {  	s0 =	sor.u32 s3, s0;
	s1 =	sshll.u32 s1, $0x11  }
0xba: {  	s0 =	sor.u32 s1, s0  }
0xbb: {  	s0 =	sadd.s32 $0x8F2B, s0  }
0xbc: {  	[sflag:s0] =	ssyncadd.remote.s32 $0x1  }
0xbd: {  	_ =	sfence.sel $0xFFFF  }
0xbe: {  	[dreg:$0x0] =	wrdreg $0xFFFFFFFF;
	(pc) =	sbr.abs _section_cstart, $3  }
0xbf: {  	[dreg:$0x1] =	wrdreg $0xFFFFFFFF  }
0xc0: {  	_ =	task.clear_ibuf [dreg:s6], $0x2FFFF;
	_ =	strace $0x9FFFFFFF  }
0xc1: {  	(tm) =	ssettm $0x7FFFFFFF  }
tec
execute0_lowered:
.L_overlay_start_1:
0x0: {  	(tag) =	ssettag $0x1  }
0x1: {  	s1 =	srdreg.scid  }
0x2: {  	s0 =	stileid.u32;
	s14 =	sand.u32 $0x1, s1  }
0x3: {  	s29 =	sshll.u32 s0, $0xA;
	s2 =	sshll.u32 s14, $0x9  }
0x4: {  	s15 =	rddreg [dreg:$0x0];
	s16 =	sor.u32 s2, s29  }
0x5: {  	s1 =	rddreg [dreg:$0x1];
	s2 =	simm.s32 $0x0;
	s3 =	sshrl.u32 s16, $0x3  }
0x6: {  	[smem:$0x7FF] =	sst s2;
	s3 =	sadd.s32 s3, s15  }
0x7: {  	_ =	strace $0x80000053;
	s4 =	sadd.s32 $0x5000, s3;
	s3 =	simm.s32 $0x2  }
0x8: {  	[tilespmem:s2], [sflag:$0x2] =	stream.linear.gather [hbm4b:s4+s2], $0x200, $0x38;
	[tilespmem:$0x4200] =	vst v63  }
0x9: {  	_ =	swait.ge [sflag:s3], $0x200  }
0xa: {  	s6 =	simm.s32 $0x80;
	[sflag:s3] =	ssyncset.done $0x0  }
0xb: {  	s7 =	simm.s32 $0x200;
	s5 =	sadd.s32 $0x5800, s15;
	[sflag:s3] =	ssyncadd.s32 $0xFFFFFE00  }
0xc: {  	[tilespmem:s7], [sflag:$0x1] =	stream.indirect.gather [hbm4b:s5+s6], $0x20, s2, s6, $0xb8;
	[tilespmem:$0x4200] =	vst v63  }
0xd: {  	s8 =	simm.s32 $0x1200  }
0xe: {  	[tilespmem:s8], [sflag:$0x1] =	stream.indirect.gather [hbm4b:s5+s6], $0x20, s6, s6, $0xb8;
	[tilespmem:$0x4200] =	vst v63  }
0xf: {  	s9 =	simm.s32 $0x100;
	s10 =	simm.s32 $0x2200  }
0x10: {  	[tilespmem:s10], [sflag:$0x1] =	stream.indirect.gather [hbm4b:s5+s6], $0x20, s9, s6, $0xb8;
	[tilespmem:$0x4200] =	vst v63  }
0x11: {  	s11 =	simm.s32 $0x180;
	s12 =	simm.s32 $0x3200;
	s13 =	simm.s32 $0x1  }
0x12: {  	[tilespmem:s12], [sflag:$0x1] =	stream.indirect.gather [hbm4b:s5+s6], $0x20, s11, s6, $0xb8;
	[tilespmem:$0x4200] =	vst v63  }
0x13: {  	_ =	swait.ge [sflag:s13], $0x1000  }
0x14: {  	[sflag:s13] =	ssyncset.done $0x0  }
0x15: {  	[sflag:s13] =	ssyncadd.s32 $0xFFFFF000  }
0x16: {  	_ =	swait.ge [sflag:s13], $0x1000  }
0x17: {  	[sflag:s13] =	ssyncset.done $0x0  }
0x18: {  	s14 =	ssub.s32 $0x2, s14;
	[sflag:s13] =	ssyncadd.s32 $0xFFFFF000  }
0x19: {  	s17 =	sshrl.u32 s14, $0x1;
	_ =	swait.ge [sflag:s13], $0x1000  }
0x1a: {  	s30 =	ssub.s32 s14, s17;
	[sflag:s13] =	ssyncset.done $0x0  }
0x1b: {  	s31 =	smax.u32 s30, $0x1;
	[sflag:s13] =	ssyncadd.s32 $0xFFFFF000  }
0x1c: {  	s16 =	sshll.u32 s16, $0x2;
	p0 =	sne.s32 s31, $0x1;
	_ =	swait.ge [sflag:s13], $0x1000  }
.Ltmp0:
0x1d: {  	s15 =	sadd.s32 s16, s15;
	[sflag:s13] =	ssyncset.done $0x0;
	(pc) =	sbr.rel @!p0 .LBB2_2-.Ltmp0, $4  }
0x1e: {  	s14 =	sadd.s32 $0x7800, s15;
	[sflag:s13] =	ssyncadd.s32 $0xFFFFF000  }
0x1f: {  	[hbm4b:s14+s2] =	stream.linear.scatter [tilespmem:s7], [sflag:$0x2], $0x4000, $0x38;
	[tilespmem:$0x4200] =	vst v63  }
0x20: {  	_ =	swait.ge [sflag:s3], $0x4000  }
0x21: {  	s15 =	sadd.s32 $0xFFFFFFFF, s31;
	[sflag:s3] =	ssyncset.done $0x0  }
.LBB2_1:
0x22: {  	p0 =	sne.s32 s15, $0x1;
	s15 =	sadd.s32 $0xFFFFFFFF, s15;
	[sflag:s3] =	ssyncadd.s32 $0xFFFFC000  }
0x23: {  	[tilespmem:s2], [sflag:$0x2] =	stream.linear.gather [hbm4b:s4+s2], $0x200, $0x38;
	[tilespmem:$0x4200] =	vst v63  }
0x24: {  	_ =	swait.ge [sflag:s3], $0x200  }
0x25: {  	[sflag:s3] =	ssyncset.done $0x0  }
0x26: {  	[sflag:s3] =	ssyncadd.s32 $0xFFFFFE00  }
0x27: {  	[tilespmem:s7], [sflag:$0x1] =	stream.indirect.gather [hbm4b:s5+s6], $0x20, s2, s6, $0xb8;
	[tilespmem:$0x4200] =	vst v63  }
0x28: {  	_ = 	snop  }
0x29: {  	[tilespmem:s8], [sflag:$0x1] =	stream.indirect.gather [hbm4b:s5+s6], $0x20, s6, s6, $0xb8;
	[tilespmem:$0x4200] =	vst v63  }
0x2a: {  	_ = 	snop  }
0x2b: {  	[tilespmem:s10], [sflag:$0x1] =	stream.indirect.gather [hbm4b:s5+s6], $0x20, s9, s6, $0xb8;
	[tilespmem:$0x4200] =	vst v63  }
0x2c: {  	_ = 	snop  }
0x2d: {  	[tilespmem:s12], [sflag:$0x1] =	stream.indirect.gather [hbm4b:s5+s6], $0x20, s11, s6, $0xb8;
	[tilespmem:$0x4200] =	vst v63  }
0x2e: {  	_ =	swait.ge [sflag:s13], $0x1000  }
0x2f: {  	[sflag:s13] =	ssyncset.done $0x0  }
0x30: {  	[sflag:s13] =	ssyncadd.s32 $0xFFFFF000  }
0x31: {  	_ =	swait.ge [sflag:s13], $0x1000  }
0x32: {  	[sflag:s13] =	ssyncset.done $0x0  }
0x33: {  	[sflag:s13] =	ssyncadd.s32 $0xFFFFF000  }
0x34: {  	_ =	swait.ge [sflag:s13], $0x1000  }
0x35: {  	[sflag:s13] =	ssyncset.done $0x0  }
0x36: {  	[sflag:s13] =	ssyncadd.s32 $0xFFFFF000  }
0x37: {  	_ =	swait.ge [sflag:s13], $0x1000  }
.Ltmp1:
0x38: {  	[sflag:s13] =	ssyncset.done $0x0;
	(pc) =	sbr.rel @p0 .LBB2_1-.Ltmp1, $4  }
0x39: {  	[sflag:s13] =	ssyncadd.s32 $0xFFFFF000  }
0x3a: {  	[hbm4b:s14+s2] =	stream.linear.scatter [tilespmem:s7], [sflag:$0x2], $0x4000, $0x38;
	[tilespmem:$0x4200] =	vst v63  }
0x3b: {  	_ =	swait.ge [sflag:s3], $0x4000  }
0x3c: {  	[sflag:s3] =	ssyncset.done $0x0  }
.LBB2_2:
0x3d: {  	[sflag:s3] =	ssyncadd.s32 $0xFFFFC000  }
0x3e: {  	_ =	sfence.sel $0x180000  }
0x3f: {  	[bflag:$0x0] =	sbarrier.arrive $0xFFFF  }
0x40: {  	p0 =	sne.s32 s0, $0x0;
	_ =	strace $0x90000053  }
0x41: {  	s0 =	sadd.s32 @!p0 $0x100000, s1;
	[bflag:$0x2] =	sbarrier.arrive $0xFFFF  }
0x42: {  	[sflag:s0] =	ssyncadd.tile.s32 @!p0 $0x1;
	_ =	shalt  }
.Lfunc_end2:
_tile_overlayer_lowered:
.L_overlay_start_2:
0x43: {  	(tag) =	ssettag $0x2  }
0x44: {  	s0 =	rddreg [dreg:$0x0];
	s2 =	stileid.u32  }
0x45: {  	s1 =	rddreg [dreg:$0x1];
	p0 =	sne.s32 s2, $0x0  }
0x46: {  	s3 =	rddreg [dreg:$0x2];
	[bflag:$0x3] =	sbarrier.arrive $0xFFFF;
	s2 =	simm.s32 @!p0 $0x1C02  }
0x47: {  	[timem:s3], [sflag:s2] =	dma.local @!p0 [hbm:s0], s1  }
0x48: {  	s0 =	simm.s32 @!p0 $0x2  }
0x49: {  	_ =	swait.ge @!p0 [sflag:s0], s1  }
0x4a: {  	s1 =	ssub.s32 @!p0 $0x0, s1;
	[sflag:s0] =	ssyncset.done @!p0 $0x0  }
0x4b: {  	[sflag:s0] =	ssyncadd.s32 @!p0 s1  }
0x4c: {  	[bflag:$0x3] =	sbarrier.arrive $0xFFFF  }
0x4d: {  	_ =	shalt  }

// kernel: kernel.33.cloned.1.call-start
scs
__scs_entry_jumppad:
0x0: {  	(pc) =	sbr.rel $0x88, $3  }
0x1: {  	(tag) =	ssettag $0x0;
	lr =	simm.s32 $0x1  }
0x2: {  	[smem:$0x3F87] =	sst lr;
	_ =	strace $0xD0000000  }
0x3: {  	_ = 	snop  }
0x4: {  	_ = 	snop  }
0x5: {  	_ = 	snop  }
0x6: {  	_ = 	snop  }
0x7: {  	_ = 	snop  }
__scs_overlays_trampoline_lowered:
0x8: {  	[smem:$0x3F96] =	sst s0  }
0x9: {  	[smem:$0x3F97] =	sst s1  }
0xa: {  	[smem:$0x3F98] =	sst s2  }
0xb: {  	[smem:$0x3F99] =	sst s3  }
0xc: {  	[smem:$0x3F9A] =	sst s4  }
0xd: {  	[smem:$0x3F9B] =	sst s5  }
0xe: {  	[smem:$0x3F9C] =	sst s6  }
0xf: {  	[smem:$0x3F9D] =	sst s7  }
0x10: {  	[smem:$0x3F9E] =	sst s8  }
0x11: {  	[smem:$0x3F9F] =	sst s9;
	s0 =	simm.s32 @!p0 $0x0  }
0x12: {  	s1 =	sld [smem:$0x3F85];
	s0 =	simm.s32 @p0 $0x1  }
0x13: {  	[smem:$0x3FA0] =	sst s0;
	s0 =	simm.s32 @!p1 $0x0  }
0x14: {  	s2 =	sld [smem:$0x3F84];
	s0 =	simm.s32 @p1 $0x1  }
0x15: {  	[smem:$0x3FA1] =	sst s0;
	s0 =	simm.s32 @!p2 $0x0  }
0x16: {  	s3 =	sld [smem:$0x3FDB];
	s0 =	simm.s32 @p2 $0x1  }
0x17: {  	s4 =	simm.s32 $0x1BF5;
	[smem:$0x3FA3] =	sst s0  }
0x18: {  	s0 =	sld [smem:$0x3F86];
	_ =	swait.ge [sflag:s4], $0x0  }
0x19: {  	s7 =	sld [smem:$0x3F87]  }
0x1a: {  	s8 =	sadd.s32 $0xFFFFE003, lr  }
0x1b: {  	s9 =	sadd.s32 $0xFFFFFEF7, lr;
	s5 =	simm.s32 $0xFFFFFFFF;
	p2 =	slt.u32 s8, $0xFFFFF086  }
0x1c: {  	p1 =	slt.u32 s9, $0xF7A;
	s5 =	simm.s32 @!p2 $0x0  }
0x1d: {  	s5 =	simm.s32 @p1 $0x1;
	p0 =	seq.s32 s7, s2  }
0x1e: {  	s7 =	smul.u32 @!p0 $0xF7A, s2;
	p2 =	seq.s32 @!p0 s5, $0x0  }
0x1f: {  	s9 =	smul.u32 $0xF7A, s1;
	s8 =	simm.s32 @!p0 $0x1BF5;
	p2 =	por !p2, p0  }
0x20: {  	[sflag:s8] =	ssyncset.s32 @!p0 $0xFFFFF086;
	s6 =	sadd.s32 @!p0 s3, s7;
	s7 =	simm.s32 @!p0 $0x108  }
0x21: {  	s3 =	sadd.s32 s3, s9;
	s6 =	sadd.s32 @!p0 $0x88, s6;
	s7 =	simm.s32 @p2 $0x1082  }
0x22: {  	[simem:s7], [sflag:s8] =	dma.local @!p0 [hbm:s6], $0xF7A  }
0x23: {  	s9 =	sor.u32 $0xD0000000, s2;
	s6 =	simm.s32 $0x108;
	_ =	swait.ge @!p0 [sflag:s8], $0x0  }
0x24: {  	s3 =	sadd.s32 $0x88, s3;
	s6 =	simm.s32 @!p1 $0x1082;
	[sflag:s4] =	ssyncset.s32 $0xFFFFF086  }
0x25: {  	[simem:s6], [sflag:s4] =	dma.local [hbm:s3], $0xF7A  }
0x26: {  	[smem:$0x3F87] =	sst s1;
	(tag) =	ssettag s2;
	_ =	strace s9  }
0x27: {  	s1 =	sld [smem:$0x3F97]  }
0x28: {  	s2 =	sld [smem:$0x3F98]  }
0x29: {  	s4 =	sld [smem:$0x3F9A]  }
0x2a: {  	p0 =	seq.s32 s5, $0x0;
	s5 =	sld [smem:$0x3F9B]  }
0x2b: {  	s6 =	sld [smem:$0x3F9C]  }
0x2c: {  	s7 =	sld [smem:$0x3F9D]  }
0x2d: {  	s3 =	simm.s32 $0x108;
	s8 =	sld [smem:$0x3F9E]  }
0x2e: {  	s3 =	simm.s32 @!p0 $0x1082;
	s9 =	sld [smem:$0x3F9F]  }
0x2f: {  	lr =	sadd.s32 s0, s3;
	s0 =	sld [smem:$0x3F96]  }
0x30: {  	s3 =	sld [smem:$0x3F99]  }
0x31: {  	[smem:$0x3FA2] =	sst s10  }
0x32: {  	s10 =	sld [smem:$0x3FA0];
	_ =	sdelay $0x3  }
0x33: {  	p0 =	seq.s32 s10, $0x1;
	s10 =	sld [smem:$0x3FA2];
	_ =	sdelay $0x3  }
0x34: {  	[smem:$0x3FA2] =	sst s10  }
0x35: {  	s10 =	sld [smem:$0x3FA1];
	_ =	sdelay $0x3  }
0x36: {  	p1 =	seq.s32 s10, $0x1;
	s10 =	sld [smem:$0x3FA2];
	_ =	sdelay $0x3  }
0x37: {  	[smem:$0x3FA2] =	sst s10  }
0x38: {  	s10 =	sld [smem:$0x3FA3]  }
0x39: {  	_ = 	snop;
	(pc) =	sbr.ind lr, $3  }
0x3a: {  	_ = 	snop  }
0x3b: {  	_ = 	snop  }
0x3c: {  	p2 =	seq.s32 s10, $0x1;
	s10 =	sld [smem:$0x3FA2]  }
0x3d: {  	_ =	shalt  }
0x3e: {  	_ =	shalt  }
0x3f: {  	_ =	shalt  }
0x40: {  	_ =	shalt  }
0x41: {  	_ =	shalt  }
0x42: {  	_ =	shalt  }
0x43: {  	_ =	shalt  }
0x44: {  	_ =	shalt  }
0x45: {  	_ =	shalt  }
0x46: {  	_ =	shalt  }
0x47: {  	_ =	shalt  }
0x48: {  	_ =	shalt  }
0x49: {  	_ =	shalt  }
0x4a: {  	_ =	shalt  }
0x4b: {  	_ =	shalt  }
0x4c: {  	_ =	shalt  }
0x4d: {  	_ =	shalt  }
0x4e: {  	_ =	shalt  }
0x4f: {  	_ =	shalt  }
0x50: {  	_ =	shalt  }
0x51: {  	_ =	shalt  }
0x52: {  	_ =	shalt  }
0x53: {  	_ =	shalt  }
0x54: {  	_ =	shalt  }
0x55: {  	_ =	shalt  }
0x56: {  	_ =	shalt  }
0x57: {  	_ =	shalt  }
0x58: {  	_ =	shalt  }
0x59: {  	_ =	shalt  }
0x5a: {  	_ =	shalt  }
0x5b: {  	_ =	shalt  }
0x5c: {  	_ =	shalt  }
0x5d: {  	_ =	shalt  }
0x5e: {  	_ =	shalt  }
0x5f: {  	_ =	shalt  }
0x60: {  	_ =	shalt  }
0x61: {  	_ =	shalt  }
0x62: {  	_ =	shalt  }
0x63: {  	_ =	shalt  }
0x64: {  	_ =	shalt  }
0x65: {  	_ =	shalt  }
0x66: {  	_ =	shalt  }
0x67: {  	_ =	shalt  }
0x68: {  	_ =	shalt  }
0x69: {  	_ =	shalt  }
0x6a: {  	_ =	shalt  }
0x6b: {  	_ =	shalt  }
0x6c: {  	_ =	shalt  }
0x6d: {  	_ =	shalt  }
0x6e: {  	_ =	shalt  }
0x6f: {  	_ =	shalt  }
0x70: {  	_ =	shalt  }
0x71: {  	_ =	shalt  }
0x72: {  	_ =	shalt  }
0x73: {  	_ =	shalt  }
0x74: {  	_ =	shalt  }
0x75: {  	_ =	shalt  }
0x76: {  	_ =	shalt  }
0x77: {  	_ =	shalt  }
0x78: {  	_ =	shalt  }
0x79: {  	_ =	shalt  }
0x7a: {  	_ =	shalt  }
0x7b: {  	_ =	shalt  }
0x7c: {  	_ =	shalt  }
0x7d: {  	_ =	shalt  }
0x7e: {  	_ =	shalt  }
0x7f: {  	_ =	shalt  }
0x80: {  	_ =	shalt  }
0x81: {  	_ =	shalt  }
0x82: {  	_ =	shalt  }
0x83: {  	_ =	shalt  }
0x84: {  	_ =	shalt  }
0x85: {  	_ =	shalt  }
0x86: {  	_ =	shalt  }
0x87: {  	_ =	shalt  }
.Lfunc_end0:
.L_simem_size_0:
called_computation.5_lowered:
.L_overlay_start_0:
0x88: {  	s2 =	sld [smem:$0x3FD9]  }
0x89: {  	s3 =	sld [smem:$0x3FFE];
	_ =	sdelay $0x1  }
0x8a: {  	s1 =	srdreg.scid  }
0x8b: {  	s0 =	sand.u32 $0x1, s1  }
0x8c: {  	s16 =	sshll.u32 s0, $0xA;
	s2 =	sadd.s32 s3, s2  }
0x8d: {  	s2 =	sadd.s32 s2, s16  }
0x8e: {  	[smem:$0x3FAE] =	sst s2  }
0x8f: {  	_ = 	snop  }
0x90: {  	(tm) =	ssettm $0x1  }
0x91: {  	s17 =	sld [smem:$0x3FFB];
	_ =	sdelay $0x3  }
0x92: {  	_ =	strace s17  }
0x93: {  	s2 =	sld [smem:$0x3FFC];
	_ =	sdelay $0x3  }
0x94: {  	_ =	strace s2  }
0x95: {  	s2 =	sld [smem:$0x3FFD];
	_ =	sdelay $0x3  }
0x96: {  	_ =	strace s2  }
0x97: {  	_ =	strace $0x8FFFFFFF  }
0x98: {  	s18 =	sld [smem:$0x3FDB];
	_ =	sdelay $0x1  }
0x99: {  	s19 =	simm.s32 $_scs_section_size  }
0x9a: {  	s4 =	simm.s32 $_size__tile_overlayer_lowered;
	s5 =	simm.s32 $_tile_overlayer_lowered  }
0x9b: {  	s22 =	simm.s32 $0x1BFF;
	s21 =	sshll.u32 s5, $0x1;
	s2 =	sadd.s32 s19, s18  }
0x9c: {  	s6 =	simm.s32 $0x0;
	s20 =	sshll.u32 s4, $0x1;
	s4 =	sadd.s32 s21, s2  }
0x9d: {  	[timem:s6], [sflag:s22] =	dma.local [hbm:s4], s20  }
0x9e: {  	_ =	swait.ge [sflag:s22], s20  }
0x9f: {  	s3 =	ssub.s32 $0x0, s20;
	[sflag:s22] =	ssyncset.done $0x0  }
0xa0: {  	[sflag:s22] =	ssyncadd.s32 s3;
	_ =	sdelay $0x1  }
0xa1: {  	s23 =	simm.s32 $0x1B8B  }
0xa2: {  	_ =	swait.ge [sflag:s23], $0x1  }
0xa3: {  	[sflag:s23] =	ssyncset.done $0x0  }
0xa4: {  	s25 =	simm.s32 $0x1B8E;
	s24 =	sld [smem:$0x3FFE];
	[sflag:s23] =	ssyncadd.s32 $0xFFFFFFFF  }
0xa5: {  	s26 =	simm.s32 $execute0_lowered;
	[smem:$0x3FD2] =	sst s25  }
0xa6: {  	s4 =	sshll.u32 s26, $0x1;
	_ =	strace $0x80000055;
	[dreg:$0x1] =	wrdreg $0xFFFFFFFF  }
0xa7: {  	s28 =	simm.s32 $_size_execute0_lowered;
	s2 =	sadd.s32 s2, s4;
	[dreg:$0x0] =	wrdreg $0x0  }
0xa8: {  	s4 =	sshll.u32 s28, $0x1;
	[dreg:$0x2] =	wrdreg s2  }
0xa9: {  	[dreg:$0x3] =	wrdreg s4  }
0xaa: {  	[dreg:$0x4] =	wrdreg $0xC0  }
0xab: {  	_ =	task [dreg:s6], $0x5FFFF  }
0xac: {  	[dreg:$0x1] =	wrdreg $0xFFFFFFFF  }
0xad: {  	[dreg:$0x0] =	wrdreg $0x60  }
0xae: {  	[dreg:$0x2] =	wrdreg s24  }
0xaf: {  	[dreg:$0x3] =	wrdreg $0x9  }
0xb0: {  	_ =	task.clear_ibuf [dreg:s6], $0x4FFFF;
	_ =	strace $0x90000055  }
0xb1: {  	s29 =	simm.s32 $0x9;
	_ =	strace $0x80000057  }
0xb2: {  	_ =	swait.ge [sflag:s29], $0x1  }
0xb3: {  	[sflag:s29] =	ssyncadd.s32 $0xFFFFFFFF  }
0xb4: {  	_ =	strace $0x90000057  }
0xb5: {  	_ =	sfence  }
0xb6: {  	s30 =	sld [smem:$0x0];
	_ =	sdelay $0x2  }
0xb7: {  	s31 =	sshll.u32 s1, $0xD;
	s1 =	sshrl.u32 s1, $0x2  }
0xb8: {  	s3 =	sand.u32 $0x4000, s31;
	s1 =	sadd.s32 s1, s30  }
0xb9: {  	s0 =	sor.u32 s3, s0;
	s1 =	sshll.u32 s1, $0x11  }
0xba: {  	s0 =	sor.u32 s1, s0  }
0xbb: {  	s0 =	sadd.s32 $0x8F2B, s0  }
0xbc: {  	[sflag:s0] =	ssyncadd.remote.s32 $0x1  }
0xbd: {  	_ =	sfence.sel $0xFFFF  }
0xbe: {  	[dreg:$0x0] =	wrdreg $0xFFFFFFFF;
	(pc) =	sbr.abs _section_cstart, $3  }
0xbf: {  	[dreg:$0x1] =	wrdreg $0xFFFFFFFF  }
0xc0: {  	_ =	task.clear_ibuf [dreg:s6], $0x2FFFF;
	_ =	strace $0x9FFFFFFF  }
0xc1: {  	(tm) =	ssettm $0x7FFFFFFF  }
tec
execute0_lowered:
.L_overlay_start_1:
0x0: {  	(tag) =	ssettag $0x1  }
0x1: {  	s1 =	srdreg.scid  }
0x2: {  	s0 =	stileid.u32;
	s14 =	sand.u32 $0x1, s1  }
0x3: {  	s29 =	sshll.u32 s0, $0xA;
	s2 =	sshll.u32 s14, $0x9  }
0x4: {  	s15 =	rddreg [dreg:$0x0];
	s16 =	sor.u32 s2, s29  }
0x5: {  	s1 =	rddreg [dreg:$0x1];
	s2 =	simm.s32 $0x0;
	s3 =	sshrl.u32 s16, $0x3  }
0x6: {  	[smem:$0x7FF] =	sst s2;
	s3 =	sadd.s32 s3, s15  }
0x7: {  	_ =	strace $0x80000056;
	s4 =	sadd.s32 $0x5000, s3;
	s3 =	simm.s32 $0x2  }
0x8: {  	[tilespmem:s2], [sflag:$0x2] =	stream.linear.gather [hbm4b:s4+s2], $0x200, $0x38;
	[tilespmem:$0x4200] =	vst v63  }
0x9: {  	_ =	swait.ge [sflag:s3], $0x200  }
0xa: {  	s6 =	simm.s32 $0x80;
	[sflag:s3] =	ssyncset.done $0x0  }
0xb: {  	s7 =	simm.s32 $0x200;
	s5 =	sadd.s32 $0x5800, s15;
	[sflag:s3] =	ssyncadd.s32 $0xFFFFFE00  }
0xc: {  	[tilespmem:s7], [sflag:$0x1] =	stream.indirect.gather [hbm4b:s5+s6], $0x20, s2, s6, $0xb8;
	[tilespmem:$0x4200] =	vst v63  }
0xd: {  	s8 =	simm.s32 $0x1200  }
0xe: {  	[tilespmem:s8], [sflag:$0x1] =	stream.indirect.gather [hbm4b:s5+s6], $0x20, s6, s6, $0xb8;
	[tilespmem:$0x4200] =	vst v63  }
0xf: {  	s9 =	simm.s32 $0x100;
	s10 =	simm.s32 $0x2200  }
0x10: {  	[tilespmem:s10], [sflag:$0x1] =	stream.indirect.gather [hbm4b:s5+s6], $0x20, s9, s6, $0xb8;
	[tilespmem:$0x4200] =	vst v63  }
0x11: {  	s11 =	simm.s32 $0x180;
	s12 =	simm.s32 $0x3200;
	s13 =	simm.s32 $0x1  }
0x12: {  	[tilespmem:s12], [sflag:$0x1] =	stream.indirect.gather [hbm4b:s5+s6], $0x20, s11, s6, $0xb8;
	[tilespmem:$0x4200] =	vst v63  }
0x13: {  	_ =	swait.ge [sflag:s13], $0x1000  }
0x14: {  	[sflag:s13] =	ssyncset.done $0x0  }
0x15: {  	[sflag:s13] =	ssyncadd.s32 $0xFFFFF000  }
0x16: {  	_ =	swait.ge [sflag:s13], $0x1000  }
0x17: {  	[sflag:s13] =	ssyncset.done $0x0  }
0x18: {  	s14 =	ssub.s32 $0x2, s14;
	[sflag:s13] =	ssyncadd.s32 $0xFFFFF000  }
0x19: {  	s17 =	sshrl.u32 s14, $0x1;
	_ =	swait.ge [sflag:s13], $0x1000  }
0x1a: {  	s30 =	ssub.s32 s14, s17;
	[sflag:s13] =	ssyncset.done $0x0  }
0x1b: {  	s31 =	smax.u32 s30, $0x1;
	[sflag:s13] =	ssyncadd.s32 $0xFFFFF000  }
0x1c: {  	s16 =	sshll.u32 s16, $0x2;
	p0 =	sne.s32 s31, $0x1;
	_ =	swait.ge [sflag:s13], $0x1000  }
.Ltmp0:
0x1d: {  	s15 =	sadd.s32 s16, s15;
	[sflag:s13] =	ssyncset.done $0x0;
	(pc) =	sbr.rel @!p0 .LBB2_2-.Ltmp0, $4  }
0x1e: {  	s14 =	sadd.s32 $0x7800, s15;
	[sflag:s13] =	ssyncadd.s32 $0xFFFFF000  }
0x1f: {  	[hbm4b:s14+s2] =	stream.linear.scatter [tilespmem:s7], [sflag:$0x2], $0x4000, $0x38;
	[tilespmem:$0x4200] =	vst v63  }
0x20: {  	_ =	swait.ge [sflag:s3], $0x4000  }
0x21: {  	s15 =	sadd.s32 $0xFFFFFFFF, s31;
	[sflag:s3] =	ssyncset.done $0x0  }
.LBB2_1:
0x22: {  	p0 =	sne.s32 s15, $0x1;
	s15 =	sadd.s32 $0xFFFFFFFF, s15;
	[sflag:s3] =	ssyncadd.s32 $0xFFFFC000  }
0x23: {  	[tilespmem:s2], [sflag:$0x2] =	stream.linear.gather [hbm4b:s4+s2], $0x200, $0x38;
	[tilespmem:$0x4200] =	vst v63  }
0x24: {  	_ =	swait.ge [sflag:s3], $0x200  }
0x25: {  	[sflag:s3] =	ssyncset.done $0x0  }
0x26: {  	[sflag:s3] =	ssyncadd.s32 $0xFFFFFE00  }
0x27: {  	[tilespmem:s7], [sflag:$0x1] =	stream.indirect.gather [hbm4b:s5+s6], $0x20, s2, s6, $0xb8;
	[tilespmem:$0x4200] =	vst v63  }
0x28: {  	_ = 	snop  }
0x29: {  	[tilespmem:s8], [sflag:$0x1] =	stream.indirect.gather [hbm4b:s5+s6], $0x20, s6, s6, $0xb8;
	[tilespmem:$0x4200] =	vst v63  }
0x2a: {  	_ = 	snop  }
0x2b: {  	[tilespmem:s10], [sflag:$0x1] =	stream.indirect.gather [hbm4b:s5+s6], $0x20, s9, s6, $0xb8;
	[tilespmem:$0x4200] =	vst v63  }
0x2c: {  	_ = 	snop  }
0x2d: {  	[tilespmem:s12], [sflag:$0x1] =	stream.indirect.gather [hbm4b:s5+s6], $0x20, s11, s6, $0xb8;
	[tilespmem:$0x4200] =	vst v63  }
0x2e: {  	_ =	swait.ge [sflag:s13], $0x1000  }
0x2f: {  	[sflag:s13] =	ssyncset.done $0x0  }
0x30: {  	[sflag:s13] =	ssyncadd.s32 $0xFFFFF000  }
0x31: {  	_ =	swait.ge [sflag:s13], $0x1000  }
0x32: {  	[sflag:s13] =	ssyncset.done $0x0  }
0x33: {  	[sflag:s13] =	ssyncadd.s32 $0xFFFFF000  }
0x34: {  	_ =	swait.ge [sflag:s13], $0x1000  }
0x35: {  	[sflag:s13] =	ssyncset.done $0x0  }
0x36: {  	[sflag:s13] =	ssyncadd.s32 $0xFFFFF000  }
0x37: {  	_ =	swait.ge [sflag:s13], $0x1000  }
.Ltmp1:
0x38: {  	[sflag:s13] =	ssyncset.done $0x0;
	(pc) =	sbr.rel @p0 .LBB2_1-.Ltmp1, $4  }
0x39: {  	[sflag:s13] =	ssyncadd.s32 $0xFFFFF000  }
0x3a: {  	[hbm4b:s14+s2] =	stream.linear.scatter [tilespmem:s7], [sflag:$0x2], $0x4000, $0x38;
	[tilespmem:$0x4200] =	vst v63  }
0x3b: {  	_ =	swait.ge [sflag:s3], $0x4000  }
0x3c: {  	[sflag:s3] =	ssyncset.done $0x0  }
.LBB2_2:
0x3d: {  	[sflag:s3] =	ssyncadd.s32 $0xFFFFC000  }
0x3e: {  	_ =	sfence.sel $0x180000  }
0x3f: {  	[bflag:$0x0] =	sbarrier.arrive $0xFFFF  }
0x40: {  	p0 =	sne.s32 s0, $0x0;
	_ =	strace $0x90000056  }
0x41: {  	s0 =	sadd.s32 @!p0 $0x100000, s1;
	[bflag:$0x2] =	sbarrier.arrive $0xFFFF  }
0x42: {  	[sflag:s0] =	ssyncadd.tile.s32 @!p0 $0x1;
	_ =	shalt  }
.Lfunc_end2:
_tile_overlayer_lowered:
.L_overlay_start_2:
0x43: {  	(tag) =	ssettag $0x2  }
0x44: {  	s0 =	rddreg [dreg:$0x0];
	s2 =	stileid.u32  }
0x45: {  	s1 =	rddreg [dreg:$0x1];
	p0 =	sne.s32 s2, $0x0  }
0x46: {  	s3 =	rddreg [dreg:$0x2];
	[bflag:$0x3] =	sbarrier.arrive $0xFFFF;
	s2 =	simm.s32 @!p0 $0x1C02  }
0x47: {  	[timem:s3], [sflag:s2] =	dma.local @!p0 [hbm:s0], s1  }
0x48: {  	s0 =	simm.s32 @!p0 $0x2  }
0x49: {  	_ =	swait.ge @!p0 [sflag:s0], s1  }
0x4a: {  	s1 =	ssub.s32 @!p0 $0x0, s1;
	[sflag:s0] =	ssyncset.done @!p0 $0x0  }
0x4b: {  	[sflag:s0] =	ssyncadd.s32 @!p0 s1  }
0x4c: {  	[bflag:$0x3] =	sbarrier.arrive $0xFFFF  }
0x4d: {  	_ =	shalt  }

// kernel: kernel.36.cloned.1.call-start
scs
__scs_entry_jumppad:
0x0: {  	(pc) =	sbr.rel $0x88, $3  }
0x1: {  	(tag) =	ssettag $0x0;
	lr =	simm.s32 $0x1  }
0x2: {  	[smem:$0x3F87] =	sst lr;
	_ =	strace $0xD0000000  }
0x3: {  	_ = 	snop  }
0x4: {  	_ = 	snop  }
0x5: {  	_ = 	snop  }
0x6: {  	_ = 	snop  }
0x7: {  	_ = 	snop  }
__scs_overlays_trampoline_lowered:
0x8: {  	[smem:$0x3F96] =	sst s0  }
0x9: {  	[smem:$0x3F97] =	sst s1  }
0xa: {  	[smem:$0x3F98] =	sst s2  }
0xb: {  	[smem:$0x3F99] =	sst s3  }
0xc: {  	[smem:$0x3F9A] =	sst s4  }
0xd: {  	[smem:$0x3F9B] =	sst s5  }
0xe: {  	[smem:$0x3F9C] =	sst s6  }
0xf: {  	[smem:$0x3F9D] =	sst s7  }
0x10: {  	[smem:$0x3F9E] =	sst s8  }
0x11: {  	[smem:$0x3F9F] =	sst s9;
	s0 =	simm.s32 @!p0 $0x0  }
0x12: {  	s1 =	sld [smem:$0x3F85];
	s0 =	simm.s32 @p0 $0x1  }
0x13: {  	[smem:$0x3FA0] =	sst s0;
	s0 =	simm.s32 @!p1 $0x0  }
0x14: {  	s2 =	sld [smem:$0x3F84];
	s0 =	simm.s32 @p1 $0x1  }
0x15: {  	[smem:$0x3FA1] =	sst s0;
	s0 =	simm.s32 @!p2 $0x0  }
0x16: {  	s3 =	sld [smem:$0x3FDB];
	s0 =	simm.s32 @p2 $0x1  }
0x17: {  	s4 =	simm.s32 $0x1BF5;
	[smem:$0x3FA3] =	sst s0  }
0x18: {  	s0 =	sld [smem:$0x3F86];
	_ =	swait.ge [sflag:s4], $0x0  }
0x19: {  	s7 =	sld [smem:$0x3F87]  }
0x1a: {  	s8 =	sadd.s32 $0xFFFFE003, lr  }
0x1b: {  	s9 =	sadd.s32 $0xFFFFFEF7, lr;
	s5 =	simm.s32 $0xFFFFFFFF;
	p2 =	slt.u32 s8, $0xFFFFF086  }
0x1c: {  	p1 =	slt.u32 s9, $0xF7A;
	s5 =	simm.s32 @!p2 $0x0  }
0x1d: {  	s5 =	simm.s32 @p1 $0x1;
	p0 =	seq.s32 s7, s2  }
0x1e: {  	s7 =	smul.u32 @!p0 $0xF7A, s2;
	p2 =	seq.s32 @!p0 s5, $0x0  }
0x1f: {  	s9 =	smul.u32 $0xF7A, s1;
	s8 =	simm.s32 @!p0 $0x1BF5;
	p2 =	por !p2, p0  }
0x20: {  	[sflag:s8] =	ssyncset.s32 @!p0 $0xFFFFF086;
	s6 =	sadd.s32 @!p0 s3, s7;
	s7 =	simm.s32 @!p0 $0x108  }
0x21: {  	s3 =	sadd.s32 s3, s9;
	s6 =	sadd.s32 @!p0 $0x88, s6;
	s7 =	simm.s32 @p2 $0x1082  }
0x22: {  	[simem:s7], [sflag:s8] =	dma.local @!p0 [hbm:s6], $0xF7A  }
0x23: {  	s9 =	sor.u32 $0xD0000000, s2;
	s6 =	simm.s32 $0x108;
	_ =	swait.ge @!p0 [sflag:s8], $0x0  }
0x24: {  	s3 =	sadd.s32 $0x88, s3;
	s6 =	simm.s32 @!p1 $0x1082;
	[sflag:s4] =	ssyncset.s32 $0xFFFFF086  }
0x25: {  	[simem:s6], [sflag:s4] =	dma.local [hbm:s3], $0xF7A  }
0x26: {  	[smem:$0x3F87] =	sst s1;
	(tag) =	ssettag s2;
	_ =	strace s9  }
0x27: {  	s1 =	sld [smem:$0x3F97]  }
0x28: {  	s2 =	sld [smem:$0x3F98]  }
0x29: {  	s4 =	sld [smem:$0x3F9A]  }
0x2a: {  	p0 =	seq.s32 s5, $0x0;
	s5 =	sld [smem:$0x3F9B]  }
0x2b: {  	s6 =	sld [smem:$0x3F9C]  }
0x2c: {  	s7 =	sld [smem:$0x3F9D]  }
0x2d: {  	s3 =	simm.s32 $0x108;
	s8 =	sld [smem:$0x3F9E]  }
0x2e: {  	s3 =	simm.s32 @!p0 $0x1082;
	s9 =	sld [smem:$0x3F9F]  }
0x2f: {  	lr =	sadd.s32 s0, s3;
	s0 =	sld [smem:$0x3F96]  }
0x30: {  	s3 =	sld [smem:$0x3F99]  }
0x31: {  	[smem:$0x3FA2] =	sst s10  }
0x32: {  	s10 =	sld [smem:$0x3FA0];
	_ =	sdelay $0x3  }
0x33: {  	p0 =	seq.s32 s10, $0x1;
	s10 =	sld [smem:$0x3FA2];
	_ =	sdelay $0x3  }
0x34: {  	[smem:$0x3FA2] =	sst s10  }
0x35: {  	s10 =	sld [smem:$0x3FA1];
	_ =	sdelay $0x3  }
0x36: {  	p1 =	seq.s32 s10, $0x1;
	s10 =	sld [smem:$0x3FA2];
	_ =	sdelay $0x3  }
0x37: {  	[smem:$0x3FA2] =	sst s10  }
0x38: {  	s10 =	sld [smem:$0x3FA3]  }
0x39: {  	_ = 	snop;
	(pc) =	sbr.ind lr, $3  }
0x3a: {  	_ = 	snop  }
0x3b: {  	_ = 	snop  }
0x3c: {  	p2 =	seq.s32 s10, $0x1;
	s10 =	sld [smem:$0x3FA2]  }
0x3d: {  	_ =	shalt  }
0x3e: {  	_ =	shalt  }
0x3f: {  	_ =	shalt  }
0x40: {  	_ =	shalt  }
0x41: {  	_ =	shalt  }
0x42: {  	_ =	shalt  }
0x43: {  	_ =	shalt  }
0x44: {  	_ =	shalt  }
0x45: {  	_ =	shalt  }
0x46: {  	_ =	shalt  }
0x47: {  	_ =	shalt  }
0x48: {  	_ =	shalt  }
0x49: {  	_ =	shalt  }
0x4a: {  	_ =	shalt  }
0x4b: {  	_ =	shalt  }
0x4c: {  	_ =	shalt  }
0x4d: {  	_ =	shalt  }
0x4e: {  	_ =	shalt  }
0x4f: {  	_ =	shalt  }
0x50: {  	_ =	shalt  }
0x51: {  	_ =	shalt  }
0x52: {  	_ =	shalt  }
0x53: {  	_ =	shalt  }
0x54: {  	_ =	shalt  }
0x55: {  	_ =	shalt  }
0x56: {  	_ =	shalt  }
0x57: {  	_ =	shalt  }
0x58: {  	_ =	shalt  }
0x59: {  	_ =	shalt  }
0x5a: {  	_ =	shalt  }
0x5b: {  	_ =	shalt  }
0x5c: {  	_ =	shalt  }
0x5d: {  	_ =	shalt  }
0x5e: {  	_ =	shalt  }
0x5f: {  	_ =	shalt  }
0x60: {  	_ =	shalt  }
0x61: {  	_ =	shalt  }
0x62: {  	_ =	shalt  }
0x63: {  	_ =	shalt  }
0x64: {  	_ =	shalt  }
0x65: {  	_ =	shalt  }
0x66: {  	_ =	shalt  }
0x67: {  	_ =	shalt  }
0x68: {  	_ =	shalt  }
0x69: {  	_ =	shalt  }
0x6a: {  	_ =	shalt  }
0x6b: {  	_ =	shalt  }
0x6c: {  	_ =	shalt  }
0x6d: {  	_ =	shalt  }
0x6e: {  	_ =	shalt  }
0x6f: {  	_ =	shalt  }
0x70: {  	_ =	shalt  }
0x71: {  	_ =	shalt  }
0x72: {  	_ =	shalt  }
0x73: {  	_ =	shalt  }
0x74: {  	_ =	shalt  }
0x75: {  	_ =	shalt  }
0x76: {  	_ =	shalt  }
0x77: {  	_ =	shalt  }
0x78: {  	_ =	shalt  }
0x79: {  	_ =	shalt  }
0x7a: {  	_ =	shalt  }
0x7b: {  	_ =	shalt  }
0x7c: {  	_ =	shalt  }
0x7d: {  	_ =	shalt  }
0x7e: {  	_ =	shalt  }
0x7f: {  	_ =	shalt  }
0x80: {  	_ =	shalt  }
0x81: {  	_ =	shalt  }
0x82: {  	_ =	shalt  }
0x83: {  	_ =	shalt  }
0x84: {  	_ =	shalt  }
0x85: {  	_ =	shalt  }
0x86: {  	_ =	shalt  }
0x87: {  	_ =	shalt  }
.Lfunc_end0:
.L_simem_size_0:
called_computation.6_lowered:
.L_overlay_start_0:
0x88: {  	s2 =	sld [smem:$0x3FD9]  }
0x89: {  	s3 =	sld [smem:$0x3FFE];
	_ =	sdelay $0x1  }
0x8a: {  	s1 =	srdreg.scid  }
0x8b: {  	s0 =	sand.u32 $0x1, s1  }
0x8c: {  	s16 =	sshll.u32 s0, $0xA;
	s2 =	sadd.s32 s3, s2  }
0x8d: {  	s2 =	sadd.s32 s2, s16  }
0x8e: {  	[smem:$0x3FAE] =	sst s2  }
0x8f: {  	_ = 	snop  }
0x90: {  	(tm) =	ssettm $0x1  }
0x91: {  	s17 =	sld [smem:$0x3FFB];
	_ =	sdelay $0x3  }
0x92: {  	_ =	strace s17  }
0x93: {  	s2 =	sld [smem:$0x3FFC];
	_ =	sdelay $0x3  }
0x94: {  	_ =	strace s2  }
0x95: {  	s2 =	sld [smem:$0x3FFD];
	_ =	sdelay $0x3  }
0x96: {  	_ =	strace s2  }
0x97: {  	_ =	strace $0x8FFFFFFF  }
0x98: {  	s18 =	sld [smem:$0x3FDB];
	_ =	sdelay $0x1  }
0x99: {  	s19 =	simm.s32 $_scs_section_size  }
0x9a: {  	s4 =	simm.s32 $_size__tile_overlayer_lowered;
	s5 =	simm.s32 $_tile_overlayer_lowered  }
0x9b: {  	s22 =	simm.s32 $0x1BFF;
	s21 =	sshll.u32 s5, $0x1;
	s2 =	sadd.s32 s19, s18  }
0x9c: {  	s6 =	simm.s32 $0x0;
	s20 =	sshll.u32 s4, $0x1;
	s4 =	sadd.s32 s21, s2  }
0x9d: {  	[timem:s6], [sflag:s22] =	dma.local [hbm:s4], s20  }
0x9e: {  	_ =	swait.ge [sflag:s22], s20  }
0x9f: {  	s3 =	ssub.s32 $0x0, s20;
	[sflag:s22] =	ssyncset.done $0x0  }
0xa0: {  	[sflag:s22] =	ssyncadd.s32 s3;
	_ =	sdelay $0x1  }
0xa1: {  	s23 =	simm.s32 $0x1B8B  }
0xa2: {  	_ =	swait.ge [sflag:s23], $0x1  }
0xa3: {  	[sflag:s23] =	ssyncset.done $0x0  }
0xa4: {  	s25 =	simm.s32 $0x1B8E;
	s24 =	sld [smem:$0x3FFE];
	[sflag:s23] =	ssyncadd.s32 $0xFFFFFFFF  }
0xa5: {  	s26 =	simm.s32 $execute0_lowered;
	[smem:$0x3FD2] =	sst s25  }
0xa6: {  	s4 =	sshll.u32 s26, $0x1;
	_ =	strace $0x80000058;
	[dreg:$0x1] =	wrdreg $0xFFFFFFFF  }
0xa7: {  	s28 =	simm.s32 $_size_execute0_lowered;
	s2 =	sadd.s32 s2, s4;
	[dreg:$0x0] =	wrdreg $0x0  }
0xa8: {  	s4 =	sshll.u32 s28, $0x1;
	[dreg:$0x2] =	wrdreg s2  }
0xa9: {  	[dreg:$0x3] =	wrdreg s4  }
0xaa: {  	[dreg:$0x4] =	wrdreg $0xC0  }
0xab: {  	_ =	task [dreg:s6], $0x5FFFF  }
0xac: {  	[dreg:$0x1] =	wrdreg $0xFFFFFFFF  }
0xad: {  	[dreg:$0x0] =	wrdreg $0x60  }
0xae: {  	[dreg:$0x2] =	wrdreg s24  }
0xaf: {  	[dreg:$0x3] =	wrdreg $0x9  }
0xb0: {  	_ =	task.clear_ibuf [dreg:s6], $0x4FFFF;
	_ =	strace $0x90000058  }
0xb1: {  	s29 =	simm.s32 $0x9;
	_ =	strace $0x8000005A  }
0xb2: {  	_ =	swait.ge [sflag:s29], $0x1  }
0xb3: {  	[sflag:s29] =	ssyncadd.s32 $0xFFFFFFFF  }
0xb4: {  	_ =	strace $0x9000005A  }
0xb5: {  	_ =	sfence  }
0xb6: {  	s30 =	sld [smem:$0x0];
	_ =	sdelay $0x2  }
0xb7: {  	s31 =	sshll.u32 s1, $0xD;
	s1 =	sshrl.u32 s1, $0x2  }
0xb8: {  	s3 =	sand.u32 $0x4000, s31;
	s1 =	sadd.s32 s1, s30  }
0xb9: {  	s0 =	sor.u32 s3, s0;
	s1 =	sshll.u32 s1, $0x11  }
0xba: {  	s0 =	sor.u32 s1, s0  }
0xbb: {  	s0 =	sadd.s32 $0x8F2B, s0  }
0xbc: {  	[sflag:s0] =	ssyncadd.remote.s32 $0x1  }
0xbd: {  	_ =	sfence.sel $0xFFFF  }
0xbe: {  	[dreg:$0x0] =	wrdreg $0xFFFFFFFF;
	(pc) =	sbr.abs _section_cstart, $3  }
0xbf: {  	[dreg:$0x1] =	wrdreg $0xFFFFFFFF  }
0xc0: {  	_ =	task.clear_ibuf [dreg:s6], $0x2FFFF;
	_ =	strace $0x9FFFFFFF  }
0xc1: {  	(tm) =	ssettm $0x7FFFFFFF  }
tec
execute0_lowered:
.L_overlay_start_1:
0x0: {  	(tag) =	ssettag $0x1  }
0x1: {  	s1 =	srdreg.scid  }
0x2: {  	s0 =	stileid.u32;
	s14 =	sand.u32 $0x1, s1  }
0x3: {  	s29 =	sshll.u32 s0, $0xA;
	s2 =	sshll.u32 s14, $0x9  }
0x4: {  	s15 =	rddreg [dreg:$0x0];
	s16 =	sor.u32 s2, s29  }
0x5: {  	s1 =	rddreg [dreg:$0x1];
	s2 =	simm.s32 $0x0;
	s3 =	sshrl.u32 s16, $0x3  }
0x6: {  	[smem:$0x7FF] =	sst s2;
	s3 =	sadd.s32 s3, s15  }
0x7: {  	_ =	strace $0x80000059;
	s4 =	sadd.s32 $0x5000, s3;
	s3 =	simm.s32 $0x2  }
0x8: {  	[tilespmem:s2], [sflag:$0x2] =	stream.linear.gather [hbm4b:s4+s2], $0x200, $0x38;
	[tilespmem:$0x4200] =	vst v63  }
0x9: {  	_ =	swait.ge [sflag:s3], $0x200  }
0xa: {  	s6 =	simm.s32 $0x80;
	[sflag:s3] =	ssyncset.done $0x0  }
0xb: {  	s7 =	simm.s32 $0x200;
	s5 =	sadd.s32 $0x5800, s15;
	[sflag:s3] =	ssyncadd.s32 $0xFFFFFE00  }
0xc: {  	[tilespmem:s7], [sflag:$0x1] =	stream.indirect.gather [hbm4b:s5+s6], $0x20, s2, s6, $0xb8;
	[tilespmem:$0x4200] =	vst v63  }
0xd: {  	s8 =	simm.s32 $0x1200  }
0xe: {  	[tilespmem:s8], [sflag:$0x1] =	stream.indirect.gather [hbm4b:s5+s6], $0x20, s6, s6, $0xb8;
	[tilespmem:$0x4200] =	vst v63  }
0xf: {  	s9 =	simm.s32 $0x100;
	s10 =	simm.s32 $0x2200  }
0x10: {  	[tilespmem:s10], [sflag:$0x1] =	stream.indirect.gather [hbm4b:s5+s6], $0x20, s9, s6, $0xb8;
	[tilespmem:$0x4200] =	vst v63  }
0x11: {  	s11 =	simm.s32 $0x180;
	s12 =	simm.s32 $0x3200;
	s13 =	simm.s32 $0x1  }
0x12: {  	[tilespmem:s12], [sflag:$0x1] =	stream.indirect.gather [hbm4b:s5+s6], $0x20, s11, s6, $0xb8;
	[tilespmem:$0x4200] =	vst v63  }
0x13: {  	_ =	swait.ge [sflag:s13], $0x1000  }
0x14: {  	[sflag:s13] =	ssyncset.done $0x0  }
0x15: {  	[sflag:s13] =	ssyncadd.s32 $0xFFFFF000  }
0x16: {  	_ =	swait.ge [sflag:s13], $0x1000  }
0x17: {  	[sflag:s13] =	ssyncset.done $0x0  }
0x18: {  	s14 =	ssub.s32 $0x2, s14;
	[sflag:s13] =	ssyncadd.s32 $0xFFFFF000  }
0x19: {  	s17 =	sshrl.u32 s14, $0x1;
	_ =	swait.ge [sflag:s13], $0x1000  }
0x1a: {  	s30 =	ssub.s32 s14, s17;
	[sflag:s13] =	ssyncset.done $0x0  }
0x1b: {  	s31 =	smax.u32 s30, $0x1;
	[sflag:s13] =	ssyncadd.s32 $0xFFFFF000  }
0x1c: {  	s16 =	sshll.u32 s16, $0x2;
	p0 =	sne.s32 s31, $0x1;
	_ =	swait.ge [sflag:s13], $0x1000  }
.Ltmp0:
0x1d: {  	s15 =	sadd.s32 s16, s15;
	[sflag:s13] =	ssyncset.done $0x0;
	(pc) =	sbr.rel @!p0 .LBB2_2-.Ltmp0, $4  }
0x1e: {  	s14 =	sadd.s32 $0x7800, s15;
	[sflag:s13] =	ssyncadd.s32 $0xFFFFF000  }
0x1f: {  	[hbm4b:s14+s2] =	stream.linear.scatter [tilespmem:s7], [sflag:$0x2], $0x4000, $0x38;
	[tilespmem:$0x4200] =	vst v63  }
0x20: {  	_ =	swait.ge [sflag:s3], $0x4000  }
0x21: {  	s15 =	sadd.s32 $0xFFFFFFFF, s31;
	[sflag:s3] =	ssyncset.done $0x0  }
.LBB2_1:
0x22: {  	p0 =	sne.s32 s15, $0x1;
	s15 =	sadd.s32 $0xFFFFFFFF, s15;
	[sflag:s3] =	ssyncadd.s32 $0xFFFFC000  }
0x23: {  	[tilespmem:s2], [sflag:$0x2] =	stream.linear.gather [hbm4b:s4+s2], $0x200, $0x38;
	[tilespmem:$0x4200] =	vst v63  }
0x24: {  	_ =	swait.ge [sflag:s3], $0x200  }
0x25: {  	[sflag:s3] =	ssyncset.done $0x0  }
0x26: {  	[sflag:s3] =	ssyncadd.s32 $0xFFFFFE00  }
0x27: {  	[tilespmem:s7], [sflag:$0x1] =	stream.indirect.gather [hbm4b:s5+s6], $0x20, s2, s6, $0xb8;
	[tilespmem:$0x4200] =	vst v63  }
0x28: {  	_ = 	snop  }
0x29: {  	[tilespmem:s8], [sflag:$0x1] =	stream.indirect.gather [hbm4b:s5+s6], $0x20, s6, s6, $0xb8;
	[tilespmem:$0x4200] =	vst v63  }
0x2a: {  	_ = 	snop  }
0x2b: {  	[tilespmem:s10], [sflag:$0x1] =	stream.indirect.gather [hbm4b:s5+s6], $0x20, s9, s6, $0xb8;
	[tilespmem:$0x4200] =	vst v63  }
0x2c: {  	_ = 	snop  }
0x2d: {  	[tilespmem:s12], [sflag:$0x1] =	stream.indirect.gather [hbm4b:s5+s6], $0x20, s11, s6, $0xb8;
	[tilespmem:$0x4200] =	vst v63  }
0x2e: {  	_ =	swait.ge [sflag:s13], $0x1000  }
0x2f: {  	[sflag:s13] =	ssyncset.done $0x0  }
0x30: {  	[sflag:s13] =	ssyncadd.s32 $0xFFFFF000  }
0x31: {  	_ =	swait.ge [sflag:s13], $0x1000  }
0x32: {  	[sflag:s13] =	ssyncset.done $0x0  }
0x33: {  	[sflag:s13] =	ssyncadd.s32 $0xFFFFF000  }
0x34: {  	_ =	swait.ge [sflag:s13], $0x1000  }
0x35: {  	[sflag:s13] =	ssyncset.done $0x0  }
0x36: {  	[sflag:s13] =	ssyncadd.s32 $0xFFFFF000  }
0x37: {  	_ =	swait.ge [sflag:s13], $0x1000  }
.Ltmp1:
0x38: {  	[sflag:s13] =	ssyncset.done $0x0;
	(pc) =	sbr.rel @p0 .LBB2_1-.Ltmp1, $4  }
0x39: {  	[sflag:s13] =	ssyncadd.s32 $0xFFFFF000  }
0x3a: {  	[hbm4b:s14+s2] =	stream.linear.scatter [tilespmem:s7], [sflag:$0x2], $0x4000, $0x38;
	[tilespmem:$0x4200] =	vst v63  }
0x3b: {  	_ =	swait.ge [sflag:s3], $0x4000  }
0x3c: {  	[sflag:s3] =	ssyncset.done $0x0  }
.LBB2_2:
0x3d: {  	[sflag:s3] =	ssyncadd.s32 $0xFFFFC000  }
0x3e: {  	_ =	sfence.sel $0x180000  }
0x3f: {  	[bflag:$0x0] =	sbarrier.arrive $0xFFFF  }
0x40: {  	p0 =	sne.s32 s0, $0x0;
	_ =	strace $0x90000059  }
0x41: {  	s0 =	sadd.s32 @!p0 $0x100000, s1;
	[bflag:$0x2] =	sbarrier.arrive $0xFFFF  }
0x42: {  	[sflag:s0] =	ssyncadd.tile.s32 @!p0 $0x1;
	_ =	shalt  }
.Lfunc_end2:
_tile_overlayer_lowered:
.L_overlay_start_2:
0x43: {  	(tag) =	ssettag $0x2  }
0x44: {  	s0 =	rddreg [dreg:$0x0];
	s2 =	stileid.u32  }
0x45: {  	s1 =	rddreg [dreg:$0x1];
	p0 =	sne.s32 s2, $0x0  }
0x46: {  	s3 =	rddreg [dreg:$0x2];
	[bflag:$0x3] =	sbarrier.arrive $0xFFFF;
	s2 =	simm.s32 @!p0 $0x1C02  }
0x47: {  	[timem:s3], [sflag:s2] =	dma.local @!p0 [hbm:s0], s1  }
0x48: {  	s0 =	simm.s32 @!p0 $0x2  }
0x49: {  	_ =	swait.ge @!p0 [sflag:s0], s1  }
0x4a: {  	s1 =	ssub.s32 @!p0 $0x0, s1;
	[sflag:s0] =	ssyncset.done @!p0 $0x0  }
0x4b: {  	[sflag:s0] =	ssyncadd.s32 @!p0 s1  }
0x4c: {  	[bflag:$0x3] =	sbarrier.arrive $0xFFFF  }
0x4d: {  	_ =	shalt  }

</sc_bundles>
